<compile_context>
chip_gen: v7x
topology: tpu7x:2x2x1
jax: 0.10.2.dev20260603
libtpu: 0.0.44.dev20260713+nightly
codegen_flags: <defaults>
</compile_context>

<pallas_src>
import functools

import jax
import jax.numpy as jnp
from jax import lax
from jax.experimental import pallas as pl
from jax.experimental.pallas import tpu as pltpu
from jax.experimental.pallas import tpu_sc as plsc

N = 10000
E = 320000
D = 128
NPAD = 10240
EPAD = 327680
NC = 2
NS = 16
NW = NC * NS
CHUNK = 128
KCH = EPAD // (NW * CHUNK)
HALF = KCH // 2
RPT = NPAD // NS

_mesh = plsc.VectorSubcoreMesh(core_axis_name="c", subcore_axis_name="s")


def _zero_vmem_2d(ref, rows, cols):
    zv = jnp.zeros((16,), jnp.float32)
    nv = cols // 16

    def body(i, carry):
        for j in range(nv):
            ref[i, pl.ds(j * 16, 16)] = zv
        return carry

    lax.fori_loop(0, rows, body, 0)


def _fill_2d(ref, rows, cols, val):
    fv = jnp.full((16,), val, jnp.float32)
    nv = cols // 16

    def body(i, carry):
        for j in range(nv):
            ref[i, pl.ds(j * 16, 16)] = fv
        return carry

    lax.fori_loop(0, rows, body, 0)


def _deg_body(ed_hbm, out_hbm, idx_v, obuf, deg_sh):
    c = lax.axis_index("c")
    s = lax.axis_index("s")
    wid = c * NS + s

    _fill_2d(obuf, CHUNK, D, 0.0)
    for t in range(RPT // CHUNK):
        pltpu.sync_copy(obuf, deg_sh.at[pl.ds(s * RPT + t * CHUNK, CHUNK)])
    plsc.subcore_barrier()

    _fill_2d(obuf, CHUNK, D, 1.0)

    def body(j, carry):
        pltpu.sync_copy(obuf, deg_sh.at[idx_v.at[j]], add=True)
        return carry

    for half in range(2):
        pltpu.sync_copy(ed_hbm.at[1, wid, pl.ds(half * HALF, HALF)], idx_v)
        lax.fori_loop(0, HALF, body, 0)
    plsc.subcore_barrier()

    pltpu.sync_copy(deg_sh.at[pl.ds(s * RPT, RPT)],
                    out_hbm.at[c, pl.ds(s * RPT, RPT)])


_deg_kernel = functools.partial(
    pl.kernel,
    out_type=jax.ShapeDtypeStruct((NC, NPAD, D), jnp.float32),
    mesh=_mesh,
    scratch_types=[
        pltpu.VMEM((HALF, CHUNK), jnp.int32),
        pltpu.VMEM((CHUNK, D), jnp.float32),
        pltpu.VMEM_SHARED((NPAD, D), jnp.float32),
    ],
)(_deg_body)


def _hop_body(u_hbm, ed_hbm, out_hbm,
              idx_s, idx_d, buf0, buf1, acc_sh, sg0, sg1):
    c = lax.axis_index("c")
    s = lax.axis_index("s")
    wid = c * NS + s

    _zero_vmem_2d(buf0, CHUNK, D)
    for t in range(RPT // CHUNK):
        pltpu.sync_copy(buf0, acc_sh.at[pl.ds(s * RPT + t * CHUNK, CHUNK)])
    plsc.subcore_barrier()

    def body(j, carry):
        pltpu.async_copy(u_hbm.at[idx_s.at[j + 1]], buf1, sg1)
        pltpu.sync_copy(buf0, acc_sh.at[idx_d.at[j]], add=True)
        pltpu.make_async_copy(u_hbm.at[idx_s.at[j + 1]], buf1, sg1).wait()
        pltpu.async_copy(u_hbm.at[idx_s.at[j + 2]], buf0, sg0)
        pltpu.sync_copy(buf1, acc_sh.at[idx_d.at[j + 1]], add=True)
        pltpu.make_async_copy(u_hbm.at[idx_s.at[j + 2]], buf0, sg0).wait()
        return carry

    for half in range(2):
        pltpu.sync_copy(ed_hbm.at[0, wid, pl.ds(half * HALF, HALF)], idx_s)
        pltpu.sync_copy(ed_hbm.at[1, wid, pl.ds(half * HALF, HALF)], idx_d)
        pltpu.sync_copy(u_hbm.at[idx_s.at[0]], buf0)
        lax.fori_loop(0, (HALF - 2) // 2, lambda i, cr: body(i * 2, cr), 0)
        pltpu.async_copy(u_hbm.at[idx_s.at[HALF - 1]], buf1, sg1)
        pltpu.sync_copy(buf0, acc_sh.at[idx_d.at[HALF - 2]], add=True)
        pltpu.make_async_copy(u_hbm.at[idx_s.at[HALF - 1]], buf1, sg1).wait()
        pltpu.sync_copy(buf1, acc_sh.at[idx_d.at[HALF - 1]], add=True)

    plsc.subcore_barrier()
    pltpu.sync_copy(acc_sh.at[pl.ds(s * RPT, RPT)],
                    out_hbm.at[c, pl.ds(s * RPT, RPT)])


_hop_kernel = functools.partial(
    pl.kernel,
    out_type=jax.ShapeDtypeStruct((NC, NPAD, D), jnp.float32),
    mesh=_mesh,
    scratch_types=[
        pltpu.VMEM((HALF, CHUNK), jnp.int32),
        pltpu.VMEM((HALF, CHUNK), jnp.int32),
        pltpu.VMEM((CHUNK, D), jnp.float32),
        pltpu.VMEM((CHUNK, D), jnp.float32),
        pltpu.VMEM_SHARED((NPAD, D), jnp.float32),
        pltpu.SemaphoreType.DMA,
        pltpu.SemaphoreType.DMA,
    ],
)(_hop_body)


_RB = 1280
_row_spec = pl.BlockSpec((_RB, D), lambda i: (i, 0))
_pair_spec = pl.BlockSpec((NC, _RB, D), lambda i: (0, i, 0))


_rcol_spec = pl.BlockSpec((_RB, 16), lambda i: (i, 0))


def _scale1_body(deg_ref, x_ref, u_ref, r_ref):
    i = pl.program_id(0)
    deg_tot = deg_ref[0, :, 0:1] + deg_ref[1, :, 0:1] + 1.0
    rows = lax.broadcasted_iota(jnp.int32, (_RB, 1), 0) + i * _RB
    dinv = jnp.where(rows < N, lax.rsqrt(deg_tot), 0.0)
    r_ref[...] = jnp.broadcast_to(dinv, (_RB, 16))
    u_ref[...] = jnp.where(rows < N, dinv * x_ref[...], 0.0)


def _tc_scale1(deg, x):
    return pl.pallas_call(
        _scale1_body,
        grid=(NPAD // _RB,),
        in_specs=[_pair_spec, _row_spec],
        out_specs=[_row_spec, _rcol_spec],
        out_shape=[jax.ShapeDtypeStruct((NPAD, D), jnp.float32),
                   jax.ShapeDtypeStruct((NPAD, 16), jnp.float32)],
    )(deg, x)


def _scale2_body(v_ref, u_ref, r_ref, w_ref):
    r = r_ref[:, 0:1]
    w_ref[...] = r * r * (v_ref[0] + v_ref[1] + u_ref[...])


def _tc_scale2(v, u, r):
    return pl.pallas_call(
        _scale2_body,
        grid=(NPAD // _RB,),
        in_specs=[_pair_spec, _row_spec, _rcol_spec],
        out_specs=_row_spec,
        out_shape=jax.ShapeDtypeStruct((NPAD, D), jnp.float32),
    )(v, u, r)


def _final_body(z_ref, w_ref, r_ref, wmat_ref, b_ref, o_ref):
    h = r_ref[:, 0:1] * (z_ref[0] + z_ref[1] + w_ref[...])
    o = jnp.dot(h, wmat_ref[...], preferred_element_type=jnp.float32)
    o = o + b_ref[...]
    m = jnp.max(o, axis=-1, keepdims=True)
    ex = jnp.exp(o - m)
    lse = jnp.log(jnp.sum(ex, axis=-1, keepdims=True)) + m
    o_ref[...] = o - lse


_FB = 1000


def _tc_final(z, w, r, wmat, b):
    return pl.pallas_call(
        _final_body,
        grid=(N // _FB,),
        in_specs=[pl.BlockSpec((NC, _FB, D), lambda i: (0, i, 0)),
                  pl.BlockSpec((_FB, D), lambda i: (i, 0)),
                  pl.BlockSpec((_FB, 16), lambda i: (i, 0)),
                  pl.BlockSpec((D, D), lambda i: (0, 0)),
                  pl.BlockSpec((1, D), lambda i: (0, 0))],
        out_specs=pl.BlockSpec((_FB, D), lambda i: (i, 0)),
        out_shape=jax.ShapeDtypeStruct((N, D), jnp.float32),
    )(z, w, r, wmat, b)


def kernel(x, edge_index, W, b):
    pad = N + (jnp.arange(EPAD - E, dtype=edge_index.dtype) % (NPAD - N))
    ed = jnp.concatenate(
        [edge_index, jnp.broadcast_to(pad, (2, EPAD - E))], axis=1
    ).reshape(2, NW, KCH, CHUNK)

    deg = _deg_kernel(ed)
    u, r = _tc_scale1(deg, x)
    v = _hop_kernel(u, ed)
    w = _tc_scale2(v, u, r)
    z = _hop_kernel(w, ed)
    return _tc_final(z, w, r, W, jnp.reshape(b, (1, D)))

# --- scband reference (transcript-rebuilt; emitter-appended) ---
"""Pipeline reference for scband-sgc-17952963297697 (READ-ONLY COPY).

The authoritative reference and input builder live on the scoring server;
editing this copy changes nothing except your own understanding.
"""

import jax, jax.numpy as jnp
import numpy as np

N_NODES = 10000
N_EDGES = 320000
D_IN = 128
D_OUT = 128
K_HOPS = 2


def setup_inputs(seed: int = 0) -> dict:
    key = jax.random.key(seed)
    k1, k2, k3 = jax.random.split(key, 3)
    x = jax.random.normal(k1, (N_NODES, D_IN), dtype=jnp.float32)
    edge_index = jax.random.randint(k2, (2, N_EDGES), 0, N_NODES, dtype=jnp.int32)
    # SGConv linear layer parameters (weight + bias)
    W = jax.random.normal(k3, (D_IN, D_OUT), dtype=jnp.float32) * (1.0 / np.sqrt(D_IN))
    b = jnp.zeros((D_OUT,), dtype=jnp.float32)
    return {"x": x, "edge_index": edge_index, "W": W, "b": b}


def reference(x, edge_index, W, b):
    n = x.shape[0]
    # gcn_norm with self-loops: A_hat = D^-1/2 (A + I) D^-1/2
    loop = jnp.arange(n, dtype=edge_index.dtype)
    src = jnp.concatenate([edge_index[0], loop])
    dst = jnp.concatenate([edge_index[1], loop])
    deg = jnp.zeros((n,), dtype=x.dtype).at[dst].add(1.0)
    deg_inv_sqrt = jnp.where(deg > 0, 1.0 / jnp.sqrt(deg), 0.0)
    norm = deg_inv_sqrt[src] * deg_inv_sqrt[dst]
    # K=2 propagation steps (gather + scatter-add)
    h = x
    for _ in range(K_HOPS):
        msgs = norm[:, None] * h[src]
        h = jnp.zeros_like(h).at[dst].add(msgs)
    out = h @ W + b
    return jax.nn.log_softmax(out, axis=-1)

if __name__ == "__main__":
    import jax
    _d = setup_inputs()
    print(jax.jit(kernel)(*tuple(_d.values())))

</pallas_src>

<mosaic_0001>
#map = affine_map<(d0, d1) -> (0, 0, 0, 0)>
#map1 = affine_map<(d0, d1) -> (0, 0, 0)>
module attributes {stable_mosaic.version = 14 : i64} {
  func.func @_deg_body(%arg0: i32, %arg1: i32, %arg2: memref<2x32x80x128xi32, #tpu.memory_space<hbm>>, %arg3: memref<2x10240x128xf32, #tpu.memory_space<hbm>>, %arg4: memref<40x128xi32, #tpu.memory_space<vmem>>, %arg5: memref<128x128xf32, #tpu.memory_space<vmem>>, %arg6: memref<10240x128xf32, #tpu.memory_space<vmem_shared>>) attributes {dimension_semantics = [#tpu.dimension_semantics<core_parallel>, #tpu.dimension_semantics<subcore_parallel>], iteration_bounds = array<i64: 2, 16>, scalar_prefetch = 0 : i64, scratch_operands = 3 : i64, tpu.core_type = #tpu.core_type<sc_vector_subcore>, window_params = [{transform_indices = #map}, {transform_indices = #map1}]} {
    %mul3A = arith.constant 16 : i32
    %mul3A_0 = arith.muli %arg0, %mul3A : i32
    %add3A = arith.addi %mul3A_0, %arg1 : i32
    %broadcast_in_dim3A = arith.constant 0.000000e+00 : f32
    %broadcast_in_dim3A_1 = vector.broadcast %broadcast_in_dim3A : f32 to vector<16xf32>
    %scan3A = arith.constant 0 : i32
    %scan3A_2 = arith.constant 0 : i32
    %scan3A_3 = arith.constant 128 : i32
    %scan3A_4 = arith.addi %scan3A_2, %scan3A_3 : i32
    %scan3A_5 = arith.constant 1 : i32
    scf.for %scan3A_53 = %scan3A_2 to %scan3A_4 step %scan3A_5  : i32 {
      %swap3A = arith.index_cast %scan3A_53 : i32 to index
      %swap3A_54 = arith.constant 0 : index
      %swap3A_55 = tpu.vector_load %arg5[%swap3A, %swap3A_54] {strides = array<i32>} : memref<128x128xf32, #tpu.memory_space<vmem>>, vector<1x16xf32>,
      %swap3A_56 = vector.shape_cast %swap3A_55 : vector<1x16xf32> to vector<16xf32>
      %swap3A_57 = vector.shape_cast %broadcast_in_dim3A_1 : vector<16xf32> to vector<1x16xf32>
      tpu.vector_store %arg5[%swap3A, %swap3A_54], %swap3A_57 {strides = array<i32>} : memref<128x128xf32, #tpu.memory_space<vmem>>, vector<1x16xf32>,
      %swap3A_58 = arith.index_cast %scan3A_53 : i32 to index
      %swap3A_59 = arith.constant 16 : index
      %swap3A_60 = tpu.vector_load %arg5[%swap3A_58, %swap3A_59] {strides = array<i32>} : memref<128x128xf32, #tpu.memory_space<vmem>>, vector<1x16xf32>,
      %swap3A_61 = vector.shape_cast %swap3A_60 : vector<1x16xf32> to vector<16xf32>
      %swap3A_62 = vector.shape_cast %broadcast_in_dim3A_1 : vector<16xf32> to vector<1x16xf32>
      tpu.vector_store %arg5[%swap3A_58, %swap3A_59], %swap3A_62 {strides = array<i32>} : memref<128x128xf32, #tpu.memory_space<vmem>>, vector<1x16xf32>,
      %swap3A_63 = arith.index_cast %scan3A_53 : i32 to index
      %swap3A_64 = arith.constant 32 : index
      %swap3A_65 = tpu.vector_load %arg5[%swap3A_63, %swap3A_64] {strides = array<i32>} : memref<128x128xf32, #tpu.memory_space<vmem>>, vector<1x16xf32>,
      %swap3A_66 = vector.shape_cast %swap3A_65 : vector<1x16xf32> to vector<16xf32>
      %swap3A_67 = vector.shape_cast %broadcast_in_dim3A_1 : vector<16xf32> to vector<1x16xf32>
      tpu.vector_store %arg5[%swap3A_63, %swap3A_64], %swap3A_67 {strides = array<i32>} : memref<128x128xf32, #tpu.memory_space<vmem>>, vector<1x16xf32>,
      %swap3A_68 = arith.index_cast %scan3A_53 : i32 to index
      %swap3A_69 = arith.constant 48 : index
      %swap3A_70 = tpu.vector_load %arg5[%swap3A_68, %swap3A_69] {strides = array<i32>} : memref<128x128xf32, #tpu.memory_space<vmem>>, vector<1x16xf32>,
      %swap3A_71 = vector.shape_cast %swap3A_70 : vector<1x16xf32> to vector<16xf32>
      %swap3A_72 = vector.shape_cast %broadcast_in_dim3A_1 : vector<16xf32> to vector<1x16xf32>
      tpu.vector_store %arg5[%swap3A_68, %swap3A_69], %swap3A_72 {strides = array<i32>} : memref<128x128xf32, #tpu.memory_space<vmem>>, vector<1x16xf32>,
      %swap3A_73 = arith.index_cast %scan3A_53 : i32 to index
      %swap3A_74 = arith.constant 64 : index
      %swap3A_75 = tpu.vector_load %arg5[%swap3A_73, %swap3A_74] {strides = array<i32>} : memref<128x128xf32, #tpu.memory_space<vmem>>, vector<1x16xf32>,
      %swap3A_76 = vector.shape_cast %swap3A_75 : vector<1x16xf32> to vector<16xf32>
      %swap3A_77 = vector.shape_cast %broadcast_in_dim3A_1 : vector<16xf32> to vector<1x16xf32>
      tpu.vector_store %arg5[%swap3A_73, %swap3A_74], %swap3A_77 {strides = array<i32>} : memref<128x128xf32, #tpu.memory_space<vmem>>, vector<1x16xf32>,
      %swap3A_78 = arith.index_cast %scan3A_53 : i32 to index
      %swap3A_79 = arith.constant 80 : index
      %swap3A_80 = tpu.vector_load %arg5[%swap3A_78, %swap3A_79] {strides = array<i32>} : memref<128x128xf32, #tpu.memory_space<vmem>>, vector<1x16xf32>,
      %swap3A_81 = vector.shape_cast %swap3A_80 : vector<1x16xf32> to vector<16xf32>
      %swap3A_82 = vector.shape_cast %broadcast_in_dim3A_1 : vector<16xf32> to vector<1x16xf32>
      tpu.vector_store %arg5[%swap3A_78, %swap3A_79], %swap3A_82 {strides = array<i32>} : memref<128x128xf32, #tpu.memory_space<vmem>>, vector<1x16xf32>,
      %swap3A_83 = arith.index_cast %scan3A_53 : i32 to index
      %swap3A_84 = arith.constant 96 : index
      %swap3A_85 = tpu.vector_load %arg5[%swap3A_83, %swap3A_84] {strides = array<i32>} : memref<128x128xf32, #tpu.memory_space<vmem>>, vector<1x16xf32>,
      %swap3A_86 = vector.shape_cast %swap3A_85 : vector<1x16xf32> to vector<16xf32>
      %swap3A_87 = vector.shape_cast %broadcast_in_dim3A_1 : vector<16xf32> to vector<1x16xf32>
      tpu.vector_store %arg5[%swap3A_83, %swap3A_84], %swap3A_87 {strides = array<i32>} : memref<128x128xf32, #tpu.memory_space<vmem>>, vector<1x16xf32>,
      %swap3A_88 = arith.index_cast %scan3A_53 : i32 to index
      %swap3A_89 = arith.constant 112 : index
      %swap3A_90 = tpu.vector_load %arg5[%swap3A_88, %swap3A_89] {strides = array<i32>} : memref<128x128xf32, #tpu.memory_space<vmem>>, vector<1x16xf32>,
      %swap3A_91 = vector.shape_cast %swap3A_90 : vector<1x16xf32> to vector<16xf32>
      %swap3A_92 = vector.shape_cast %broadcast_in_dim3A_1 : vector<16xf32> to vector<1x16xf32>
      tpu.vector_store %arg5[%swap3A_88, %swap3A_89], %swap3A_92 {strides = array<i32>} : memref<128x128xf32, #tpu.memory_space<vmem>>, vector<1x16xf32>,
    }
    %scan3A_6 = arith.constant 128 : i32
    %mul3A_7 = arith.constant 640 : i32
    %mul3A_8 = arith.muli %arg1, %mul3A_7 : i32
    %add3A_9 = arith.constant 0 : i32
    %add3A_10 = arith.addi %mul3A_8, %add3A_9 : i32
    "tpu.region"() ({
      %run_scoped3A_53 = tpu.sem_alloc : memref<!tpu.dma_semaphore, #tpu.memory_space<semaphore_mem>>
      %dma_start3A = arith.constant 0 : i32
      %dma_start3A_54 = tpu.memref_slice %arg6[%add3A_10, %dma_start3A] : memref<10240x128xf32, #tpu.memory_space<vmem_shared>> -> memref<128x128xf32, #tpu.memory_space<vmem_shared>>
      %dma_start3A_55 = arith.constant 0 : i32
      %dma_start3A_56 = tpu.memref_slice %arg6[%add3A_10, %dma_start3A_55] : memref<10240x128xf32, #tpu.memory_space<vmem_shared>> -> memref<128x128xf32, #tpu.memory_space<vmem_shared>>
      tpu.enqueue_dma source(%arg5 : memref<128x128xf32, #tpu.memory_space<vmem>>) target(%dma_start3A_56 : memref<128x128xf32, #tpu.memory_space<vmem_shared>>) target_semaphore(%run_scoped3A_53 : memref<!tpu.dma_semaphore, #tpu.memory_space<semaphore_mem>>)
      %dma_wait3A = arith.constant 0 : i32
      %dma_wait3A_57 = tpu.memref_slice %arg6[%add3A_10, %dma_wait3A] : memref<10240x128xf32, #tpu.memory_space<vmem_shared>> -> memref<128x128xf32, #tpu.memory_space<vmem_shared>>
      %dma_wait3A_58 = arith.constant 0 : i32
      %dma_wait3A_59 = tpu.memref_slice %arg6[%add3A_10, %dma_wait3A_58] : memref<10240x128xf32, #tpu.memory_space<vmem_shared>> -> memref<128x128xf32, #tpu.memory_space<vmem_shared>>
      tpu.wait_dma2 semaphore(%run_scoped3A_53 : memref<!tpu.dma_semaphore, #tpu.memory_space<semaphore_mem>>) src(%arg5 : memref<128x128xf32, #tpu.memory_space<vmem>>) dst(%dma_wait3A_59 : memref<128x128xf32, #tpu.memory_space<vmem_shared>>)
      tpu.yield
    }) : () -> ()
    %mul3A_11 = arith.constant 640 : i32
    %mul3A_12 = arith.muli %arg1, %mul3A_11 : i32
    %add3A_13 = arith.constant 128 : i32
    %add3A_14 = arith.addi %mul3A_12, %add3A_13 : i32
    "tpu.region"() ({
      %run_scoped3A_53 = tpu.sem_alloc : memref<!tpu.dma_semaphore, #tpu.memory_space<semaphore_mem>>
      %dma_start3A = arith.constant 0 : i32
      %dma_start3A_54 = tpu.memref_slice %arg6[%add3A_14, %dma_start3A] : memref<10240x128xf32, #tpu.memory_space<vmem_shared>> -> memref<128x128xf32, #tpu.memory_space<vmem_shared>>
      %dma_start3A_55 = arith.constant 0 : i32
      %dma_start3A_56 = tpu.memref_slice %arg6[%add3A_14, %dma_start3A_55] : memref<10240x128xf32, #tpu.memory_space<vmem_shared>> -> memref<128x128xf32, #tpu.memory_space<vmem_shared>>
      tpu.enqueue_dma source(%arg5 : memref<128x128xf32, #tpu.memory_space<vmem>>) target(%dma_start3A_56 : memref<128x128xf32, #tpu.memory_space<vmem_shared>>) target_semaphore(%run_scoped3A_53 : memref<!tpu.dma_semaphore, #tpu.memory_space<semaphore_mem>>)
      %dma_wait3A = arith.constant 0 : i32
      %dma_wait3A_57 = tpu.memref_slice %arg6[%add3A_14, %dma_wait3A] : memref<10240x128xf32, #tpu.memory_space<vmem_shared>> -> memref<128x128xf32, #tpu.memory_space<vmem_shared>>
      %dma_wait3A_58 = arith.constant 0 : i32
      %dma_wait3A_59 = tpu.memref_slice %arg6[%add3A_14, %dma_wait3A_58] : memref<10240x128xf32, #tpu.memory_space<vmem_shared>> -> memref<128x128xf32, #tpu.memory_space<vmem_shared>>
      tpu.wait_dma2 semaphore(%run_scoped3A_53 : memref<!tpu.dma_semaphore, #tpu.memory_space<semaphore_mem>>) src(%arg5 : memref<128x128xf32, #tpu.memory_space<vmem>>) dst(%dma_wait3A_59 : memref<128x128xf32, #tpu.memory_space<vmem_shared>>)
      tpu.yield
    }) : () -> ()
    %mul3A_15 = arith.constant 640 : i32
    %mul3A_16 = arith.muli %arg1, %mul3A_15 : i32
    %add3A_17 = arith.constant 256 : i32
    %add3A_18 = arith.addi %mul3A_16, %add3A_17 : i32
    "tpu.region"() ({
      %run_scoped3A_53 = tpu.sem_alloc : memref<!tpu.dma_semaphore, #tpu.memory_space<semaphore_mem>>
      %dma_start3A = arith.constant 0 : i32
      %dma_start3A_54 = tpu.memref_slice %arg6[%add3A_18, %dma_start3A] : memref<10240x128xf32, #tpu.memory_space<vmem_shared>> -> memref<128x128xf32, #tpu.memory_space<vmem_shared>>
      %dma_start3A_55 = arith.constant 0 : i32
      %dma_start3A_56 = tpu.memref_slice %arg6[%add3A_18, %dma_start3A_55] : memref<10240x128xf32, #tpu.memory_space<vmem_shared>> -> memref<128x128xf32, #tpu.memory_space<vmem_shared>>
      tpu.enqueue_dma source(%arg5 : memref<128x128xf32, #tpu.memory_space<vmem>>) target(%dma_start3A_56 : memref<128x128xf32, #tpu.memory_space<vmem_shared>>) target_semaphore(%run_scoped3A_53 : memref<!tpu.dma_semaphore, #tpu.memory_space<semaphore_mem>>)
      %dma_wait3A = arith.constant 0 : i32
      %dma_wait3A_57 = tpu.memref_slice %arg6[%add3A_18, %dma_wait3A] : memref<10240x128xf32, #tpu.memory_space<vmem_shared>> -> memref<128x128xf32, #tpu.memory_space<vmem_shared>>
      %dma_wait3A_58 = arith.constant 0 : i32
      %dma_wait3A_59 = tpu.memref_slice %arg6[%add3A_18, %dma_wait3A_58] : memref<10240x128xf32, #tpu.memory_space<vmem_shared>> -> memref<128x128xf32, #tpu.memory_space<vmem_shared>>
      tpu.wait_dma2 semaphore(%run_scoped3A_53 : memref<!tpu.dma_semaphore, #tpu.memory_space<semaphore_mem>>) src(%arg5 : memref<128x128xf32, #tpu.memory_space<vmem>>) dst(%dma_wait3A_59 : memref<128x128xf32, #tpu.memory_space<vmem_shared>>)
      tpu.yield
    }) : () -> ()
    %mul3A_19 = arith.constant 640 : i32
    %mul3A_20 = arith.muli %arg1, %mul3A_19 : i32
    %add3A_21 = arith.constant 384 : i32
    %add3A_22 = arith.addi %mul3A_20, %add3A_21 : i32
    "tpu.region"() ({
      %run_scoped3A_53 = tpu.sem_alloc : memref<!tpu.dma_semaphore, #tpu.memory_space<semaphore_mem>>
      %dma_start3A = arith.constant 0 : i32
      %dma_start3A_54 = tpu.memref_slice %arg6[%add3A_22, %dma_start3A] : memref<10240x128xf32, #tpu.memory_space<vmem_shared>> -> memref<128x128xf32, #tpu.memory_space<vmem_shared>>
      %dma_start3A_55 = arith.constant 0 : i32
      %dma_start3A_56 = tpu.memref_slice %arg6[%add3A_22, %dma_start3A_55] : memref<10240x128xf32, #tpu.memory_space<vmem_shared>> -> memref<128x128xf32, #tpu.memory_space<vmem_shared>>
      tpu.enqueue_dma source(%arg5 : memref<128x128xf32, #tpu.memory_space<vmem>>) target(%dma_start3A_56 : memref<128x128xf32, #tpu.memory_space<vmem_shared>>) target_semaphore(%run_scoped3A_53 : memref<!tpu.dma_semaphore, #tpu.memory_space<semaphore_mem>>)
      %dma_wait3A = arith.constant 0 : i32
      %dma_wait3A_57 = tpu.memref_slice %arg6[%add3A_22, %dma_wait3A] : memref<10240x128xf32, #tpu.memory_space<vmem_shared>> -> memref<128x128xf32, #tpu.memory_space<vmem_shared>>
      %dma_wait3A_58 = arith.constant 0 : i32
      %dma_wait3A_59 = tpu.memref_slice %arg6[%add3A_22, %dma_wait3A_58] : memref<10240x128xf32, #tpu.memory_space<vmem_shared>> -> memref<128x128xf32, #tpu.memory_space<vmem_shared>>
      tpu.wait_dma2 semaphore(%run_scoped3A_53 : memref<!tpu.dma_semaphore, #tpu.memory_space<semaphore_mem>>) src(%arg5 : memref<128x128xf32, #tpu.memory_space<vmem>>) dst(%dma_wait3A_59 : memref<128x128xf32, #tpu.memory_space<vmem_shared>>)
      tpu.yield
    }) : () -> ()
    %mul3A_23 = arith.constant 640 : i32
    %mul3A_24 = arith.muli %arg1, %mul3A_23 : i32
    %add3A_25 = arith.constant 512 : i32
    %add3A_26 = arith.addi %mul3A_24, %add3A_25 : i32
    "tpu.region"() ({
      %run_scoped3A_53 = tpu.sem_alloc : memref<!tpu.dma_semaphore, #tpu.memory_space<semaphore_mem>>
      %dma_start3A = arith.constant 0 : i32
      %dma_start3A_54 = tpu.memref_slice %arg6[%add3A_26, %dma_start3A] : memref<10240x128xf32, #tpu.memory_space<vmem_shared>> -> memref<128x128xf32, #tpu.memory_space<vmem_shared>>
      %dma_start3A_55 = arith.constant 0 : i32
      %dma_start3A_56 = tpu.memref_slice %arg6[%add3A_26, %dma_start3A_55] : memref<10240x128xf32, #tpu.memory_space<vmem_shared>> -> memref<128x128xf32, #tpu.memory_space<vmem_shared>>
      tpu.enqueue_dma source(%arg5 : memref<128x128xf32, #tpu.memory_space<vmem>>) target(%dma_start3A_56 : memref<128x128xf32, #tpu.memory_space<vmem_shared>>) target_semaphore(%run_scoped3A_53 : memref<!tpu.dma_semaphore, #tpu.memory_space<semaphore_mem>>)
      %dma_wait3A = arith.constant 0 : i32
      %dma_wait3A_57 = tpu.memref_slice %arg6[%add3A_26, %dma_wait3A] : memref<10240x128xf32, #tpu.memory_space<vmem_shared>> -> memref<128x128xf32, #tpu.memory_space<vmem_shared>>
      %dma_wait3A_58 = arith.constant 0 : i32
      %dma_wait3A_59 = tpu.memref_slice %arg6[%add3A_26, %dma_wait3A_58] : memref<10240x128xf32, #tpu.memory_space<vmem_shared>> -> memref<128x128xf32, #tpu.memory_space<vmem_shared>>
      tpu.wait_dma2 semaphore(%run_scoped3A_53 : memref<!tpu.dma_semaphore, #tpu.memory_space<semaphore_mem>>) src(%arg5 : memref<128x128xf32, #tpu.memory_space<vmem>>) dst(%dma_wait3A_59 : memref<128x128xf32, #tpu.memory_space<vmem_shared>>)
      tpu.yield
    }) : () -> ()
    %barrier3A = arith.constant 0 : index
    tpu.barrier barrier_id(%barrier3A)
    %broadcast_in_dim3A_27 = arith.constant 1.000000e+00 : f32
    %broadcast_in_dim3A_28 = vector.broadcast %broadcast_in_dim3A_27 : f32 to vector<16xf32>
    %scan3A_29 = arith.constant 0 : i32
    %scan3A_30 = arith.constant 0 : i32
    %scan3A_31 = arith.constant 128 : i32
    %scan3A_32 = arith.addi %scan3A_30, %scan3A_31 : i32
    %scan3A_33 = arith.constant 1 : i32
    scf.for %scan3A_53 = %scan3A_30 to %scan3A_32 step %scan3A_33  : i32 {
      %swap3A = arith.index_cast %scan3A_53 : i32 to index
      %swap3A_54 = arith.constant 0 : index
      %swap3A_55 = tpu.vector_load %arg5[%swap3A, %swap3A_54] {strides = array<i32>} : memref<128x128xf32, #tpu.memory_space<vmem>>, vector<1x16xf32>,
      %swap3A_56 = vector.shape_cast %swap3A_55 : vector<1x16xf32> to vector<16xf32>
      %swap3A_57 = vector.shape_cast %broadcast_in_dim3A_28 : vector<16xf32> to vector<1x16xf32>
      tpu.vector_store %arg5[%swap3A, %swap3A_54], %swap3A_57 {strides = array<i32>} : memref<128x128xf32, #tpu.memory_space<vmem>>, vector<1x16xf32>,
      %swap3A_58 = arith.index_cast %scan3A_53 : i32 to index
      %swap3A_59 = arith.constant 16 : index
      %swap3A_60 = tpu.vector_load %arg5[%swap3A_58, %swap3A_59] {strides = array<i32>} : memref<128x128xf32, #tpu.memory_space<vmem>>, vector<1x16xf32>,
      %swap3A_61 = vector.shape_cast %swap3A_60 : vector<1x16xf32> to vector<16xf32>
      %swap3A_62 = vector.shape_cast %broadcast_in_dim3A_28 : vector<16xf32> to vector<1x16xf32>
      tpu.vector_store %arg5[%swap3A_58, %swap3A_59], %swap3A_62 {strides = array<i32>} : memref<128x128xf32, #tpu.memory_space<vmem>>, vector<1x16xf32>,
      %swap3A_63 = arith.index_cast %scan3A_53 : i32 to index
      %swap3A_64 = arith.constant 32 : index
      %swap3A_65 = tpu.vector_load %arg5[%swap3A_63, %swap3A_64] {strides = array<i32>} : memref<128x128xf32, #tpu.memory_space<vmem>>, vector<1x16xf32>,
      %swap3A_66 = vector.shape_cast %swap3A_65 : vector<1x16xf32> to vector<16xf32>
      %swap3A_67 = vector.shape_cast %broadcast_in_dim3A_28 : vector<16xf32> to vector<1x16xf32>
      tpu.vector_store %arg5[%swap3A_63, %swap3A_64], %swap3A_67 {strides = array<i32>} : memref<128x128xf32, #tpu.memory_space<vmem>>, vector<1x16xf32>,
      %swap3A_68 = arith.index_cast %scan3A_53 : i32 to index
      %swap3A_69 = arith.constant 48 : index
      %swap3A_70 = tpu.vector_load %arg5[%swap3A_68, %swap3A_69] {strides = array<i32>} : memref<128x128xf32, #tpu.memory_space<vmem>>, vector<1x16xf32>,
      %swap3A_71 = vector.shape_cast %swap3A_70 : vector<1x16xf32> to vector<16xf32>
      %swap3A_72 = vector.shape_cast %broadcast_in_dim3A_28 : vector<16xf32> to vector<1x16xf32>
      tpu.vector_store %arg5[%swap3A_68, %swap3A_69], %swap3A_72 {strides = array<i32>} : memref<128x128xf32, #tpu.memory_space<vmem>>, vector<1x16xf32>,
      %swap3A_73 = arith.index_cast %scan3A_53 : i32 to index
      %swap3A_74 = arith.constant 64 : index
      %swap3A_75 = tpu.vector_load %arg5[%swap3A_73, %swap3A_74] {strides = array<i32>} : memref<128x128xf32, #tpu.memory_space<vmem>>, vector<1x16xf32>,
      %swap3A_76 = vector.shape_cast %swap3A_75 : vector<1x16xf32> to vector<16xf32>
      %swap3A_77 = vector.shape_cast %broadcast_in_dim3A_28 : vector<16xf32> to vector<1x16xf32>
      tpu.vector_store %arg5[%swap3A_73, %swap3A_74], %swap3A_77 {strides = array<i32>} : memref<128x128xf32, #tpu.memory_space<vmem>>, vector<1x16xf32>,
      %swap3A_78 = arith.index_cast %scan3A_53 : i32 to index
      %swap3A_79 = arith.constant 80 : index
      %swap3A_80 = tpu.vector_load %arg5[%swap3A_78, %swap3A_79] {strides = array<i32>} : memref<128x128xf32, #tpu.memory_space<vmem>>, vector<1x16xf32>,
      %swap3A_81 = vector.shape_cast %swap3A_80 : vector<1x16xf32> to vector<16xf32>
      %swap3A_82 = vector.shape_cast %broadcast_in_dim3A_28 : vector<16xf32> to vector<1x16xf32>
      tpu.vector_store %arg5[%swap3A_78, %swap3A_79], %swap3A_82 {strides = array<i32>} : memref<128x128xf32, #tpu.memory_space<vmem>>, vector<1x16xf32>,
      %swap3A_83 = arith.index_cast %scan3A_53 : i32 to index
      %swap3A_84 = arith.constant 96 : index
      %swap3A_85 = tpu.vector_load %arg5[%swap3A_83, %swap3A_84] {strides = array<i32>} : memref<128x128xf32, #tpu.memory_space<vmem>>, vector<1x16xf32>,
      %swap3A_86 = vector.shape_cast %swap3A_85 : vector<1x16xf32> to vector<16xf32>
      %swap3A_87 = vector.shape_cast %broadcast_in_dim3A_28 : vector<16xf32> to vector<1x16xf32>
      tpu.vector_store %arg5[%swap3A_83, %swap3A_84], %swap3A_87 {strides = array<i32>} : memref<128x128xf32, #tpu.memory_space<vmem>>, vector<1x16xf32>,
      %swap3A_88 = arith.index_cast %scan3A_53 : i32 to index
      %swap3A_89 = arith.constant 112 : index
      %swap3A_90 = tpu.vector_load %arg5[%swap3A_88, %swap3A_89] {strides = array<i32>} : memref<128x128xf32, #tpu.memory_space<vmem>>, vector<1x16xf32>,
      %swap3A_91 = vector.shape_cast %swap3A_90 : vector<1x16xf32> to vector<16xf32>
      %swap3A_92 = vector.shape_cast %broadcast_in_dim3A_28 : vector<16xf32> to vector<1x16xf32>
      tpu.vector_store %arg5[%swap3A_88, %swap3A_89], %swap3A_92 {strides = array<i32>} : memref<128x128xf32, #tpu.memory_space<vmem>>, vector<1x16xf32>,
    }
    %scan3A_34 = arith.constant 128 : i32
    %run_scoped3A = arith.constant 1 : i32
    "tpu.region"() ({
      %run_scoped3A_53 = tpu.sem_alloc : memref<!tpu.dma_semaphore, #tpu.memory_space<semaphore_mem>>
      %dma_start3A = arith.constant 0 : i32
      %dma_start3A_54 = arith.constant 0 : i32
      %dma_start3A_55 = tpu.memref_slice %arg2[%run_scoped3A, %add3A, %dma_start3A, %dma_start3A_54] : memref<2x32x80x128xi32, #tpu.memory_space<hbm>> -> memref<1x1x40x128xi32, #tpu.memory_space<hbm>>
      %dma_start3A_56 = tpu.memref_squeeze %dma_start3A_55 : memref<1x1x40x128xi32, #tpu.memory_space<hbm>> -> memref<40x128xi32, #tpu.memory_space<hbm>>
      %dma_start3A_57 = arith.constant 0 : i32
      %dma_start3A_58 = arith.constant 0 : i32
      %dma_start3A_59 = tpu.memref_slice %arg2[%run_scoped3A, %add3A, %dma_start3A_57, %dma_start3A_58] : memref<2x32x80x128xi32, #tpu.memory_space<hbm>> -> memref<1x1x40x128xi32, #tpu.memory_space<hbm>>
      %dma_start3A_60 = tpu.memref_squeeze %dma_start3A_59 : memref<1x1x40x128xi32, #tpu.memory_space<hbm>> -> memref<40x128xi32, #tpu.memory_space<hbm>>
      tpu.enqueue_dma source(%dma_start3A_60 : memref<40x128xi32, #tpu.memory_space<hbm>>) target(%arg4 : memref<40x128xi32, #tpu.memory_space<vmem>>) target_semaphore(%run_scoped3A_53 : memref<!tpu.dma_semaphore, #tpu.memory_space<semaphore_mem>>)
      %dma_wait3A = arith.constant 0 : i32
      %dma_wait3A_61 = arith.constant 0 : i32
      %dma_wait3A_62 = tpu.memref_slice %arg2[%run_scoped3A, %add3A, %dma_wait3A, %dma_wait3A_61] : memref<2x32x80x128xi32, #tpu.memory_space<hbm>> -> memref<1x1x40x128xi32, #tpu.memory_space<hbm>>
      %dma_wait3A_63 = tpu.memref_squeeze %dma_wait3A_62 : memref<1x1x40x128xi32, #tpu.memory_space<hbm>> -> memref<40x128xi32, #tpu.memory_space<hbm>>
      %dma_wait3A_64 = arith.constant 0 : i32
      %dma_wait3A_65 = arith.constant 0 : i32
      %dma_wait3A_66 = tpu.memref_slice %arg2[%run_scoped3A, %add3A, %dma_wait3A_64, %dma_wait3A_65] : memref<2x32x80x128xi32, #tpu.memory_space<hbm>> -> memref<1x1x40x128xi32, #tpu.memory_space<hbm>>
      %dma_wait3A_67 = tpu.memref_squeeze %dma_wait3A_66 : memref<1x1x40x128xi32, #tpu.memory_space<hbm>> -> memref<40x128xi32, #tpu.memory_space<hbm>>
      tpu.wait_dma2 semaphore(%run_scoped3A_53 : memref<!tpu.dma_semaphore, #tpu.memory_space<semaphore_mem>>) src(%dma_wait3A_67 : memref<40x128xi32, #tpu.memory_space<hbm>>) dst(%arg4 : memref<40x128xi32, #tpu.memory_space<vmem>>)
      tpu.yield
    }) : () -> ()
    %scan3A_35 = arith.constant 0 : i32
    %scan3A_36 = arith.constant 0 : i32
    %scan3A_37 = arith.constant 40 : i32
    %scan3A_38 = arith.addi %scan3A_36, %scan3A_37 : i32
    %scan3A_39 = arith.constant 1 : i32
    scf.for %scan3A_53 = %scan3A_36 to %scan3A_38 step %scan3A_39  : i32 {
      "tpu.region"() ({
        %run_scoped3A_54 = tpu.sem_alloc : memref<!tpu.dma_semaphore, #tpu.memory_space<semaphore_mem>>
        %dma_start3A = arith.constant 0 : i32
        %dma_start3A_55 = tpu.memref_slice %arg4[%scan3A_53, %dma_start3A] : memref<40x128xi32, #tpu.memory_space<vmem>> -> memref<1x128xi32, #tpu.memory_space<vmem>>
        %dma_start3A_56 = tpu.memref_squeeze %dma_start3A_55 : memref<1x128xi32, #tpu.memory_space<vmem>> -> memref<128xi32, #tpu.memory_space<vmem>>
        %dma_start3A_57 = arith.constant 0 : i32
        %dma_start3A_58 = arith.constant 0 : i32
        %dma_start3A_59 = tpu.memref_slice %arg6[%dma_start3A_57, %dma_start3A_58] : memref<10240x128xf32, #tpu.memory_space<vmem_shared>> -> memref<10240x128xf32, #tpu.memory_space<vmem_shared>>
        tpu.enqueue_indirect_dma source(%arg5 : memref<128x128xf32, #tpu.memory_space<vmem>>) target(%dma_start3A_59 : memref<10240x128xf32, #tpu.memory_space<vmem_shared>>) offsets(%dma_start3A_56 : memref<128xi32, #tpu.memory_space<vmem>>) semaphore(%run_scoped3A_54 : memref<!tpu.dma_semaphore, #tpu.memory_space<semaphore_mem>>) {add = true}
        %dma_wait3A = arith.constant 0 : i32
        %dma_wait3A_60 = tpu.memref_slice %arg4[%scan3A_53, %dma_wait3A] : memref<40x128xi32, #tpu.memory_space<vmem>> -> memref<1x128xi32, #tpu.memory_space<vmem>>
        %dma_wait3A_61 = tpu.memref_squeeze %dma_wait3A_60 : memref<1x128xi32, #tpu.memory_space<vmem>> -> memref<128xi32, #tpu.memory_space<vmem>>
        %dma_wait3A_62 = arith.constant 0 : i32
        %dma_wait3A_63 = arith.constant 0 : i32
        %dma_wait3A_64 = tpu.memref_slice %arg6[%dma_wait3A_62, %dma_wait3A_63] : memref<10240x128xf32, #tpu.memory_space<vmem_shared>> -> memref<10240x128xf32, #tpu.memory_space<vmem_shared>>
        tpu.wait_indirect_dma semaphore(%run_scoped3A_54 : memref<!tpu.dma_semaphore, #tpu.memory_space<semaphore_mem>>) src(%arg5 : memref<128x128xf32, #tpu.memory_space<vmem>>) dst(%dma_wait3A_64 : memref<10240x128xf32, #tpu.memory_space<vmem_shared>>)
        tpu.yield
      }) : () -> ()
    }
    %scan3A_40 = arith.constant 40 : i32
    %run_scoped3A_41 = arith.constant 1 : i32
    "tpu.region"() ({
      %run_scoped3A_53 = tpu.sem_alloc : memref<!tpu.dma_semaphore, #tpu.memory_space<semaphore_mem>>
      %dma_start3A = arith.constant 40 : i32
      %dma_start3A_54 = arith.constant 0 : i32
      %dma_start3A_55 = tpu.memref_slice %arg2[%run_scoped3A_41, %add3A, %dma_start3A, %dma_start3A_54] : memref<2x32x80x128xi32, #tpu.memory_space<hbm>> -> memref<1x1x40x128xi32, #tpu.memory_space<hbm>>
      %dma_start3A_56 = tpu.memref_squeeze %dma_start3A_55 : memref<1x1x40x128xi32, #tpu.memory_space<hbm>> -> memref<40x128xi32, #tpu.memory_space<hbm>>
      %dma_start3A_57 = arith.constant 40 : i32
      %dma_start3A_58 = arith.constant 0 : i32
      %dma_start3A_59 = tpu.memref_slice %arg2[%run_scoped3A_41, %add3A, %dma_start3A_57, %dma_start3A_58] : memref<2x32x80x128xi32, #tpu.memory_space<hbm>> -> memref<1x1x40x128xi32, #tpu.memory_space<hbm>>
      %dma_start3A_60 = tpu.memref_squeeze %dma_start3A_59 : memref<1x1x40x128xi32, #tpu.memory_space<hbm>> -> memref<40x128xi32, #tpu.memory_space<hbm>>
      tpu.enqueue_dma source(%dma_start3A_60 : memref<40x128xi32, #tpu.memory_space<hbm>>) target(%arg4 : memref<40x128xi32, #tpu.memory_space<vmem>>) target_semaphore(%run_scoped3A_53 : memref<!tpu.dma_semaphore, #tpu.memory_space<semaphore_mem>>)
      %dma_wait3A = arith.constant 40 : i32
      %dma_wait3A_61 = arith.constant 0 : i32
      %dma_wait3A_62 = tpu.memref_slice %arg2[%run_scoped3A_41, %add3A, %dma_wait3A, %dma_wait3A_61] : memref<2x32x80x128xi32, #tpu.memory_space<hbm>> -> memref<1x1x40x128xi32, #tpu.memory_space<hbm>>
      %dma_wait3A_63 = tpu.memref_squeeze %dma_wait3A_62 : memref<1x1x40x128xi32, #tpu.memory_space<hbm>> -> memref<40x128xi32, #tpu.memory_space<hbm>>
      %dma_wait3A_64 = arith.constant 40 : i32
      %dma_wait3A_65 = arith.constant 0 : i32
      %dma_wait3A_66 = tpu.memref_slice %arg2[%run_scoped3A_41, %add3A, %dma_wait3A_64, %dma_wait3A_65] : memref<2x32x80x128xi32, #tpu.memory_space<hbm>> -> memref<1x1x40x128xi32, #tpu.memory_space<hbm>>
      %dma_wait3A_67 = tpu.memref_squeeze %dma_wait3A_66 : memref<1x1x40x128xi32, #tpu.memory_space<hbm>> -> memref<40x128xi32, #tpu.memory_space<hbm>>
      tpu.wait_dma2 semaphore(%run_scoped3A_53 : memref<!tpu.dma_semaphore, #tpu.memory_space<semaphore_mem>>) src(%dma_wait3A_67 : memref<40x128xi32, #tpu.memory_space<hbm>>) dst(%arg4 : memref<40x128xi32, #tpu.memory_space<vmem>>)
      tpu.yield
    }) : () -> ()
    %scan3A_42 = arith.constant 0 : i32
    %scan3A_43 = arith.constant 0 : i32
    %scan3A_44 = arith.constant 40 : i32
    %scan3A_45 = arith.addi %scan3A_43, %scan3A_44 : i32
    %scan3A_46 = arith.constant 1 : i32
    scf.for %scan3A_53 = %scan3A_43 to %scan3A_45 step %scan3A_46  : i32 {
      "tpu.region"() ({
        %run_scoped3A_54 = tpu.sem_alloc : memref<!tpu.dma_semaphore, #tpu.memory_space<semaphore_mem>>
        %dma_start3A = arith.constant 0 : i32
        %dma_start3A_55 = tpu.memref_slice %arg4[%scan3A_53, %dma_start3A] : memref<40x128xi32, #tpu.memory_space<vmem>> -> memref<1x128xi32, #tpu.memory_space<vmem>>
        %dma_start3A_56 = tpu.memref_squeeze %dma_start3A_55 : memref<1x128xi32, #tpu.memory_space<vmem>> -> memref<128xi32, #tpu.memory_space<vmem>>
        %dma_start3A_57 = arith.constant 0 : i32
        %dma_start3A_58 = arith.constant 0 : i32
        %dma_start3A_59 = tpu.memref_slice %arg6[%dma_start3A_57, %dma_start3A_58] : memref<10240x128xf32, #tpu.memory_space<vmem_shared>> -> memref<10240x128xf32, #tpu.memory_space<vmem_shared>>
        tpu.enqueue_indirect_dma source(%arg5 : memref<128x128xf32, #tpu.memory_space<vmem>>) target(%dma_start3A_59 : memref<10240x128xf32, #tpu.memory_space<vmem_shared>>) offsets(%dma_start3A_56 : memref<128xi32, #tpu.memory_space<vmem>>) semaphore(%run_scoped3A_54 : memref<!tpu.dma_semaphore, #tpu.memory_space<semaphore_mem>>) {add = true}
        %dma_wait3A = arith.constant 0 : i32
        %dma_wait3A_60 = tpu.memref_slice %arg4[%scan3A_53, %dma_wait3A] : memref<40x128xi32, #tpu.memory_space<vmem>> -> memref<1x128xi32, #tpu.memory_space<vmem>>
        %dma_wait3A_61 = tpu.memref_squeeze %dma_wait3A_60 : memref<1x128xi32, #tpu.memory_space<vmem>> -> memref<128xi32, #tpu.memory_space<vmem>>
        %dma_wait3A_62 = arith.constant 0 : i32
        %dma_wait3A_63 = arith.constant 0 : i32
        %dma_wait3A_64 = tpu.memref_slice %arg6[%dma_wait3A_62, %dma_wait3A_63] : memref<10240x128xf32, #tpu.memory_space<vmem_shared>> -> memref<10240x128xf32, #tpu.memory_space<vmem_shared>>
        tpu.wait_indirect_dma semaphore(%run_scoped3A_54 : memref<!tpu.dma_semaphore, #tpu.memory_space<semaphore_mem>>) src(%arg5 : memref<128x128xf32, #tpu.memory_space<vmem>>) dst(%dma_wait3A_64 : memref<10240x128xf32, #tpu.memory_space<vmem_shared>>)
        tpu.yield
      }) : () -> ()
    }
    %scan3A_47 = arith.constant 40 : i32
    %barrier3A_48 = arith.constant 0 : index
    tpu.barrier barrier_id(%barrier3A_48)
    %mul3A_49 = arith.constant 640 : i32
    %mul3A_50 = arith.muli %arg1, %mul3A_49 : i32
    %mul3A_51 = arith.constant 640 : i32
    %mul3A_52 = arith.muli %arg1, %mul3A_51 : i32
    "tpu.region"() ({
      %run_scoped3A_53 = tpu.sem_alloc : memref<!tpu.dma_semaphore, #tpu.memory_space<semaphore_mem>>
      %dma_start3A = arith.constant 0 : i32
      %dma_start3A_54 = tpu.memref_slice %arg3[%arg0, %mul3A_52, %dma_start3A] : memref<2x10240x128xf32, #tpu.memory_space<hbm>> -> memref<1x640x128xf32, #tpu.memory_space<hbm>>
      %dma_start3A_55 = tpu.memref_squeeze %dma_start3A_54 : memref<1x640x128xf32, #tpu.memory_space<hbm>> -> memref<640x128xf32, #tpu.memory_space<hbm>>
      %dma_start3A_56 = arith.constant 0 : i32
      %dma_start3A_57 = tpu.memref_slice %arg6[%mul3A_50, %dma_start3A_56] : memref<10240x128xf32, #tpu.memory_space<vmem_shared>> -> memref<640x128xf32, #tpu.memory_space<vmem_shared>>
      tpu.enqueue_dma source(%dma_start3A_57 : memref<640x128xf32, #tpu.memory_space<vmem_shared>>) target(%dma_start3A_55 : memref<640x128xf32, #tpu.memory_space<hbm>>) target_semaphore(%run_scoped3A_53 : memref<!tpu.dma_semaphore, #tpu.memory_space<semaphore_mem>>)
      %dma_wait3A = arith.constant 0 : i32
      %dma_wait3A_58 = tpu.memref_slice %arg3[%arg0, %mul3A_52, %dma_wait3A] : memref<2x10240x128xf32, #tpu.memory_space<hbm>> -> memref<1x640x128xf32, #tpu.memory_space<hbm>>
      %dma_wait3A_59 = tpu.memref_squeeze %dma_wait3A_58 : memref<1x640x128xf32, #tpu.memory_space<hbm>> -> memref<640x128xf32, #tpu.memory_space<hbm>>
      %dma_wait3A_60 = arith.constant 0 : i32
      %dma_wait3A_61 = tpu.memref_slice %arg6[%mul3A_50, %dma_wait3A_60] : memref<10240x128xf32, #tpu.memory_space<vmem_shared>> -> memref<640x128xf32, #tpu.memory_space<vmem_shared>>
      tpu.wait_dma2 semaphore(%run_scoped3A_53 : memref<!tpu.dma_semaphore, #tpu.memory_space<semaphore_mem>>) src(%dma_wait3A_61 : memref<640x128xf32, #tpu.memory_space<vmem_shared>>) dst(%dma_wait3A_59 : memref<640x128xf32, #tpu.memory_space<hbm>>)
      tpu.yield
    }) : () -> ()
    return
  }
}

#map = affine_map<(d0, d1) -> (0, 0)>
#map1 = affine_map<(d0, d1) -> (0, 0, 0, 0)>
#map2 = affine_map<(d0, d1) -> (0, 0, 0)>
module attributes {stable_mosaic.version = 14 : i64} {
  func.func @_hop_body(%arg0: i32, %arg1: i32, %arg2: memref<10240x128xf32, #tpu.memory_space<hbm>>, %arg3: memref<2x32x80x128xi32, #tpu.memory_space<hbm>>, %arg4: memref<2x10240x128xf32, #tpu.memory_space<hbm>>, %arg5: memref<40x128xi32, #tpu.memory_space<vmem>>, %arg6: memref<40x128xi32, #tpu.memory_space<vmem>>, %arg7: memref<128x128xf32, #tpu.memory_space<vmem>>, %arg8: memref<128x128xf32, #tpu.memory_space<vmem>>, %arg9: memref<10240x128xf32, #tpu.memory_space<vmem_shared>>, %arg10: memref<!tpu.dma_semaphore, #tpu.memory_space<semaphore_mem>>, %arg11: memref<!tpu.dma_semaphore, #tpu.memory_space<semaphore_mem>>) attributes {dimension_semantics = [#tpu.dimension_semantics<core_parallel>, #tpu.dimension_semantics<subcore_parallel>], iteration_bounds = array<i64: 2, 16>, scalar_prefetch = 0 : i64, scratch_operands = 7 : i64, tpu.core_type = #tpu.core_type<sc_vector_subcore>, window_params = [{transform_indices = #map}, {transform_indices = #map1}, {transform_indices = #map2}]} {
    %mul3A = arith.constant 16 : i32
    %mul3A_0 = arith.muli %arg0, %mul3A : i32
    %add3A = arith.addi %mul3A_0, %arg1 : i32
    %broadcast_in_dim3A = arith.constant 0.000000e+00 : f32
    %broadcast_in_dim3A_1 = vector.broadcast %broadcast_in_dim3A : f32 to vector<16xf32>
    %scan3A = arith.constant 0 : i32
    %scan3A_2 = arith.constant 0 : i32
    %scan3A_3 = arith.constant 128 : i32
    %scan3A_4 = arith.addi %scan3A_2, %scan3A_3 : i32
    %scan3A_5 = arith.constant 1 : i32
    scf.for %scan3A_79 = %scan3A_2 to %scan3A_4 step %scan3A_5  : i32 {
      %swap3A = arith.index_cast %scan3A_79 : i32 to index
      %swap3A_80 = arith.constant 0 : index
      %swap3A_81 = tpu.vector_load %arg7[%swap3A, %swap3A_80] {strides = array<i32>} : memref<128x128xf32, #tpu.memory_space<vmem>>, vector<1x16xf32>,
      %swap3A_82 = vector.shape_cast %swap3A_81 : vector<1x16xf32> to vector<16xf32>
      %swap3A_83 = vector.shape_cast %broadcast_in_dim3A_1 : vector<16xf32> to vector<1x16xf32>
      tpu.vector_store %arg7[%swap3A, %swap3A_80], %swap3A_83 {strides = array<i32>} : memref<128x128xf32, #tpu.memory_space<vmem>>, vector<1x16xf32>,
      %swap3A_84 = arith.index_cast %scan3A_79 : i32 to index
      %swap3A_85 = arith.constant 16 : index
      %swap3A_86 = tpu.vector_load %arg7[%swap3A_84, %swap3A_85] {strides = array<i32>} : memref<128x128xf32, #tpu.memory_space<vmem>>, vector<1x16xf32>,
      %swap3A_87 = vector.shape_cast %swap3A_86 : vector<1x16xf32> to vector<16xf32>
      %swap3A_88 = vector.shape_cast %broadcast_in_dim3A_1 : vector<16xf32> to vector<1x16xf32>
      tpu.vector_store %arg7[%swap3A_84, %swap3A_85], %swap3A_88 {strides = array<i32>} : memref<128x128xf32, #tpu.memory_space<vmem>>, vector<1x16xf32>,
      %swap3A_89 = arith.index_cast %scan3A_79 : i32 to index
      %swap3A_90 = arith.constant 32 : index
      %swap3A_91 = tpu.vector_load %arg7[%swap3A_89, %swap3A_90] {strides = array<i32>} : memref<128x128xf32, #tpu.memory_space<vmem>>, vector<1x16xf32>,
      %swap3A_92 = vector.shape_cast %swap3A_91 : vector<1x16xf32> to vector<16xf32>
      %swap3A_93 = vector.shape_cast %broadcast_in_dim3A_1 : vector<16xf32> to vector<1x16xf32>
      tpu.vector_store %arg7[%swap3A_89, %swap3A_90], %swap3A_93 {strides = array<i32>} : memref<128x128xf32, #tpu.memory_space<vmem>>, vector<1x16xf32>,
      %swap3A_94 = arith.index_cast %scan3A_79 : i32 to index
      %swap3A_95 = arith.constant 48 : index
      %swap3A_96 = tpu.vector_load %arg7[%swap3A_94, %swap3A_95] {strides = array<i32>} : memref<128x128xf32, #tpu.memory_space<vmem>>, vector<1x16xf32>,
      %swap3A_97 = vector.shape_cast %swap3A_96 : vector<1x16xf32> to vector<16xf32>
      %swap3A_98 = vector.shape_cast %broadcast_in_dim3A_1 : vector<16xf32> to vector<1x16xf32>
      tpu.vector_store %arg7[%swap3A_94, %swap3A_95], %swap3A_98 {strides = array<i32>} : memref<128x128xf32, #tpu.memory_space<vmem>>, vector<1x16xf32>,
      %swap3A_99 = arith.index_cast %scan3A_79 : i32 to index
      %swap3A_100 = arith.constant 64 : index
      %swap3A_101 = tpu.vector_load %arg7[%swap3A_99, %swap3A_100] {strides = array<i32>} : memref<128x128xf32, #tpu.memory_space<vmem>>, vector<1x16xf32>,
      %swap3A_102 = vector.shape_cast %swap3A_101 : vector<1x16xf32> to vector<16xf32>
      %swap3A_103 = vector.shape_cast %broadcast_in_dim3A_1 : vector<16xf32> to vector<1x16xf32>
      tpu.vector_store %arg7[%swap3A_99, %swap3A_100], %swap3A_103 {strides = array<i32>} : memref<128x128xf32, #tpu.memory_space<vmem>>, vector<1x16xf32>,
      %swap3A_104 = arith.index_cast %scan3A_79 : i32 to index
      %swap3A_105 = arith.constant 80 : index
      %swap3A_106 = tpu.vector_load %arg7[%swap3A_104, %swap3A_105] {strides = array<i32>} : memref<128x128xf32, #tpu.memory_space<vmem>>, vector<1x16xf32>,
      %swap3A_107 = vector.shape_cast %swap3A_106 : vector<1x16xf32> to vector<16xf32>
      %swap3A_108 = vector.shape_cast %broadcast_in_dim3A_1 : vector<16xf32> to vector<1x16xf32>
      tpu.vector_store %arg7[%swap3A_104, %swap3A_105], %swap3A_108 {strides = array<i32>} : memref<128x128xf32, #tpu.memory_space<vmem>>, vector<1x16xf32>,
      %swap3A_109 = arith.index_cast %scan3A_79 : i32 to index
      %swap3A_110 = arith.constant 96 : index
      %swap3A_111 = tpu.vector_load %arg7[%swap3A_109, %swap3A_110] {strides = array<i32>} : memref<128x128xf32, #tpu.memory_space<vmem>>, vector<1x16xf32>,
      %swap3A_112 = vector.shape_cast %swap3A_111 : vector<1x16xf32> to vector<16xf32>
      %swap3A_113 = vector.shape_cast %broadcast_in_dim3A_1 : vector<16xf32> to vector<1x16xf32>
      tpu.vector_store %arg7[%swap3A_109, %swap3A_110], %swap3A_113 {strides = array<i32>} : memref<128x128xf32, #tpu.memory_space<vmem>>, vector<1x16xf32>,
      %swap3A_114 = arith.index_cast %scan3A_79 : i32 to index
      %swap3A_115 = arith.constant 112 : index
      %swap3A_116 = tpu.vector_load %arg7[%swap3A_114, %swap3A_115] {strides = array<i32>} : memref<128x128xf32, #tpu.memory_space<vmem>>, vector<1x16xf32>,
      %swap3A_117 = vector.shape_cast %swap3A_116 : vector<1x16xf32> to vector<16xf32>
      %swap3A_118 = vector.shape_cast %broadcast_in_dim3A_1 : vector<16xf32> to vector<1x16xf32>
      tpu.vector_store %arg7[%swap3A_114, %swap3A_115], %swap3A_118 {strides = array<i32>} : memref<128x128xf32, #tpu.memory_space<vmem>>, vector<1x16xf32>,
    }
    %scan3A_6 = arith.constant 128 : i32
    %mul3A_7 = arith.constant 640 : i32
    %mul3A_8 = arith.muli %arg1, %mul3A_7 : i32
    %add3A_9 = arith.constant 0 : i32
    %add3A_10 = arith.addi %mul3A_8, %add3A_9 : i32
    "tpu.region"() ({
      %run_scoped3A_79 = tpu.sem_alloc : memref<!tpu.dma_semaphore, #tpu.memory_space<semaphore_mem>>
      %dma_start3A_80 = arith.constant 0 : i32
      %dma_start3A_81 = tpu.memref_slice %arg9[%add3A_10, %dma_start3A_80] : memref<10240x128xf32, #tpu.memory_space<vmem_shared>> -> memref<128x128xf32, #tpu.memory_space<vmem_shared>>
      %dma_start3A_82 = arith.constant 0 : i32
      %dma_start3A_83 = tpu.memref_slice %arg9[%add3A_10, %dma_start3A_82] : memref<10240x128xf32, #tpu.memory_space<vmem_shared>> -> memref<128x128xf32, #tpu.memory_space<vmem_shared>>
      tpu.enqueue_dma source(%arg7 : memref<128x128xf32, #tpu.memory_space<vmem>>) target(%dma_start3A_83 : memref<128x128xf32, #tpu.memory_space<vmem_shared>>) target_semaphore(%run_scoped3A_79 : memref<!tpu.dma_semaphore, #tpu.memory_space<semaphore_mem>>)
      %dma_wait3A_84 = arith.constant 0 : i32
      %dma_wait3A_85 = tpu.memref_slice %arg9[%add3A_10, %dma_wait3A_84] : memref<10240x128xf32, #tpu.memory_space<vmem_shared>> -> memref<128x128xf32, #tpu.memory_space<vmem_shared>>
      %dma_wait3A_86 = arith.constant 0 : i32
      %dma_wait3A_87 = tpu.memref_slice %arg9[%add3A_10, %dma_wait3A_86] : memref<10240x128xf32, #tpu.memory_space<vmem_shared>> -> memref<128x128xf32, #tpu.memory_space<vmem_shared>>
      tpu.wait_dma2 semaphore(%run_scoped3A_79 : memref<!tpu.dma_semaphore, #tpu.memory_space<semaphore_mem>>) src(%arg7 : memref<128x128xf32, #tpu.memory_space<vmem>>) dst(%dma_wait3A_87 : memref<128x128xf32, #tpu.memory_space<vmem_shared>>)
      tpu.yield
    }) : () -> ()
    %mul3A_11 = arith.constant 640 : i32
    %mul3A_12 = arith.muli %arg1, %mul3A_11 : i32
    %add3A_13 = arith.constant 128 : i32
    %add3A_14 = arith.addi %mul3A_12, %add3A_13 : i32
    "tpu.region"() ({
      %run_scoped3A_79 = tpu.sem_alloc : memref<!tpu.dma_semaphore, #tpu.memory_space<semaphore_mem>>
      %dma_start3A_80 = arith.constant 0 : i32
      %dma_start3A_81 = tpu.memref_slice %arg9[%add3A_14, %dma_start3A_80] : memref<10240x128xf32, #tpu.memory_space<vmem_shared>> -> memref<128x128xf32, #tpu.memory_space<vmem_shared>>
      %dma_start3A_82 = arith.constant 0 : i32
      %dma_start3A_83 = tpu.memref_slice %arg9[%add3A_14, %dma_start3A_82] : memref<10240x128xf32, #tpu.memory_space<vmem_shared>> -> memref<128x128xf32, #tpu.memory_space<vmem_shared>>
      tpu.enqueue_dma source(%arg7 : memref<128x128xf32, #tpu.memory_space<vmem>>) target(%dma_start3A_83 : memref<128x128xf32, #tpu.memory_space<vmem_shared>>) target_semaphore(%run_scoped3A_79 : memref<!tpu.dma_semaphore, #tpu.memory_space<semaphore_mem>>)
      %dma_wait3A_84 = arith.constant 0 : i32
      %dma_wait3A_85 = tpu.memref_slice %arg9[%add3A_14, %dma_wait3A_84] : memref<10240x128xf32, #tpu.memory_space<vmem_shared>> -> memref<128x128xf32, #tpu.memory_space<vmem_shared>>
      %dma_wait3A_86 = arith.constant 0 : i32
      %dma_wait3A_87 = tpu.memref_slice %arg9[%add3A_14, %dma_wait3A_86] : memref<10240x128xf32, #tpu.memory_space<vmem_shared>> -> memref<128x128xf32, #tpu.memory_space<vmem_shared>>
      tpu.wait_dma2 semaphore(%run_scoped3A_79 : memref<!tpu.dma_semaphore, #tpu.memory_space<semaphore_mem>>) src(%arg7 : memref<128x128xf32, #tpu.memory_space<vmem>>) dst(%dma_wait3A_87 : memref<128x128xf32, #tpu.memory_space<vmem_shared>>)
      tpu.yield
    }) : () -> ()
    %mul3A_15 = arith.constant 640 : i32
    %mul3A_16 = arith.muli %arg1, %mul3A_15 : i32
    %add3A_17 = arith.constant 256 : i32
    %add3A_18 = arith.addi %mul3A_16, %add3A_17 : i32
    "tpu.region"() ({
      %run_scoped3A_79 = tpu.sem_alloc : memref<!tpu.dma_semaphore, #tpu.memory_space<semaphore_mem>>
      %dma_start3A_80 = arith.constant 0 : i32
      %dma_start3A_81 = tpu.memref_slice %arg9[%add3A_18, %dma_start3A_80] : memref<10240x128xf32, #tpu.memory_space<vmem_shared>> -> memref<128x128xf32, #tpu.memory_space<vmem_shared>>
      %dma_start3A_82 = arith.constant 0 : i32
      %dma_start3A_83 = tpu.memref_slice %arg9[%add3A_18, %dma_start3A_82] : memref<10240x128xf32, #tpu.memory_space<vmem_shared>> -> memref<128x128xf32, #tpu.memory_space<vmem_shared>>
      tpu.enqueue_dma source(%arg7 : memref<128x128xf32, #tpu.memory_space<vmem>>) target(%dma_start3A_83 : memref<128x128xf32, #tpu.memory_space<vmem_shared>>) target_semaphore(%run_scoped3A_79 : memref<!tpu.dma_semaphore, #tpu.memory_space<semaphore_mem>>)
      %dma_wait3A_84 = arith.constant 0 : i32
      %dma_wait3A_85 = tpu.memref_slice %arg9[%add3A_18, %dma_wait3A_84] : memref<10240x128xf32, #tpu.memory_space<vmem_shared>> -> memref<128x128xf32, #tpu.memory_space<vmem_shared>>
      %dma_wait3A_86 = arith.constant 0 : i32
      %dma_wait3A_87 = tpu.memref_slice %arg9[%add3A_18, %dma_wait3A_86] : memref<10240x128xf32, #tpu.memory_space<vmem_shared>> -> memref<128x128xf32, #tpu.memory_space<vmem_shared>>
      tpu.wait_dma2 semaphore(%run_scoped3A_79 : memref<!tpu.dma_semaphore, #tpu.memory_space<semaphore_mem>>) src(%arg7 : memref<128x128xf32, #tpu.memory_space<vmem>>) dst(%dma_wait3A_87 : memref<128x128xf32, #tpu.memory_space<vmem_shared>>)
      tpu.yield
    }) : () -> ()
    %mul3A_19 = arith.constant 640 : i32
    %mul3A_20 = arith.muli %arg1, %mul3A_19 : i32
    %add3A_21 = arith.constant 384 : i32
    %add3A_22 = arith.addi %mul3A_20, %add3A_21 : i32
    "tpu.region"() ({
      %run_scoped3A_79 = tpu.sem_alloc : memref<!tpu.dma_semaphore, #tpu.memory_space<semaphore_mem>>
      %dma_start3A_80 = arith.constant 0 : i32
      %dma_start3A_81 = tpu.memref_slice %arg9[%add3A_22, %dma_start3A_80] : memref<10240x128xf32, #tpu.memory_space<vmem_shared>> -> memref<128x128xf32, #tpu.memory_space<vmem_shared>>
      %dma_start3A_82 = arith.constant 0 : i32
      %dma_start3A_83 = tpu.memref_slice %arg9[%add3A_22, %dma_start3A_82] : memref<10240x128xf32, #tpu.memory_space<vmem_shared>> -> memref<128x128xf32, #tpu.memory_space<vmem_shared>>
      tpu.enqueue_dma source(%arg7 : memref<128x128xf32, #tpu.memory_space<vmem>>) target(%dma_start3A_83 : memref<128x128xf32, #tpu.memory_space<vmem_shared>>) target_semaphore(%run_scoped3A_79 : memref<!tpu.dma_semaphore, #tpu.memory_space<semaphore_mem>>)
      %dma_wait3A_84 = arith.constant 0 : i32
      %dma_wait3A_85 = tpu.memref_slice %arg9[%add3A_22, %dma_wait3A_84] : memref<10240x128xf32, #tpu.memory_space<vmem_shared>> -> memref<128x128xf32, #tpu.memory_space<vmem_shared>>
      %dma_wait3A_86 = arith.constant 0 : i32
      %dma_wait3A_87 = tpu.memref_slice %arg9[%add3A_22, %dma_wait3A_86] : memref<10240x128xf32, #tpu.memory_space<vmem_shared>> -> memref<128x128xf32, #tpu.memory_space<vmem_shared>>
      tpu.wait_dma2 semaphore(%run_scoped3A_79 : memref<!tpu.dma_semaphore, #tpu.memory_space<semaphore_mem>>) src(%arg7 : memref<128x128xf32, #tpu.memory_space<vmem>>) dst(%dma_wait3A_87 : memref<128x128xf32, #tpu.memory_space<vmem_shared>>)
      tpu.yield
    }) : () -> ()
    %mul3A_23 = arith.constant 640 : i32
    %mul3A_24 = arith.muli %arg1, %mul3A_23 : i32
    %add3A_25 = arith.constant 512 : i32
    %add3A_26 = arith.addi %mul3A_24, %add3A_25 : i32
    "tpu.region"() ({
      %run_scoped3A_79 = tpu.sem_alloc : memref<!tpu.dma_semaphore, #tpu.memory_space<semaphore_mem>>
      %dma_start3A_80 = arith.constant 0 : i32
      %dma_start3A_81 = tpu.memref_slice %arg9[%add3A_26, %dma_start3A_80] : memref<10240x128xf32, #tpu.memory_space<vmem_shared>> -> memref<128x128xf32, #tpu.memory_space<vmem_shared>>
      %dma_start3A_82 = arith.constant 0 : i32
      %dma_start3A_83 = tpu.memref_slice %arg9[%add3A_26, %dma_start3A_82] : memref<10240x128xf32, #tpu.memory_space<vmem_shared>> -> memref<128x128xf32, #tpu.memory_space<vmem_shared>>
      tpu.enqueue_dma source(%arg7 : memref<128x128xf32, #tpu.memory_space<vmem>>) target(%dma_start3A_83 : memref<128x128xf32, #tpu.memory_space<vmem_shared>>) target_semaphore(%run_scoped3A_79 : memref<!tpu.dma_semaphore, #tpu.memory_space<semaphore_mem>>)
      %dma_wait3A_84 = arith.constant 0 : i32
      %dma_wait3A_85 = tpu.memref_slice %arg9[%add3A_26, %dma_wait3A_84] : memref<10240x128xf32, #tpu.memory_space<vmem_shared>> -> memref<128x128xf32, #tpu.memory_space<vmem_shared>>
      %dma_wait3A_86 = arith.constant 0 : i32
      %dma_wait3A_87 = tpu.memref_slice %arg9[%add3A_26, %dma_wait3A_86] : memref<10240x128xf32, #tpu.memory_space<vmem_shared>> -> memref<128x128xf32, #tpu.memory_space<vmem_shared>>
      tpu.wait_dma2 semaphore(%run_scoped3A_79 : memref<!tpu.dma_semaphore, #tpu.memory_space<semaphore_mem>>) src(%arg7 : memref<128x128xf32, #tpu.memory_space<vmem>>) dst(%dma_wait3A_87 : memref<128x128xf32, #tpu.memory_space<vmem_shared>>)
      tpu.yield
    }) : () -> ()
    %barrier3A = arith.constant 0 : index
    tpu.barrier barrier_id(%barrier3A)
    %run_scoped3A = arith.constant 0 : i32
    "tpu.region"() ({
      %run_scoped3A_79 = tpu.sem_alloc : memref<!tpu.dma_semaphore, #tpu.memory_space<semaphore_mem>>
      %dma_start3A_80 = arith.constant 0 : i32
      %dma_start3A_81 = arith.constant 0 : i32
      %dma_start3A_82 = tpu.memref_slice %arg3[%run_scoped3A, %add3A, %dma_start3A_80, %dma_start3A_81] : memref<2x32x80x128xi32, #tpu.memory_space<hbm>> -> memref<1x1x40x128xi32, #tpu.memory_space<hbm>>
      %dma_start3A_83 = tpu.memref_squeeze %dma_start3A_82 : memref<1x1x40x128xi32, #tpu.memory_space<hbm>> -> memref<40x128xi32, #tpu.memory_space<hbm>>
      %dma_start3A_84 = arith.constant 0 : i32
      %dma_start3A_85 = arith.constant 0 : i32
      %dma_start3A_86 = tpu.memref_slice %arg3[%run_scoped3A, %add3A, %dma_start3A_84, %dma_start3A_85] : memref<2x32x80x128xi32, #tpu.memory_space<hbm>> -> memref<1x1x40x128xi32, #tpu.memory_space<hbm>>
      %dma_start3A_87 = tpu.memref_squeeze %dma_start3A_86 : memref<1x1x40x128xi32, #tpu.memory_space<hbm>> -> memref<40x128xi32, #tpu.memory_space<hbm>>
      tpu.enqueue_dma source(%dma_start3A_87 : memref<40x128xi32, #tpu.memory_space<hbm>>) target(%arg5 : memref<40x128xi32, #tpu.memory_space<vmem>>) target_semaphore(%run_scoped3A_79 : memref<!tpu.dma_semaphore, #tpu.memory_space<semaphore_mem>>)
      %dma_wait3A_88 = arith.constant 0 : i32
      %dma_wait3A_89 = arith.constant 0 : i32
      %dma_wait3A_90 = tpu.memref_slice %arg3[%run_scoped3A, %add3A, %dma_wait3A_88, %dma_wait3A_89] : memref<2x32x80x128xi32, #tpu.memory_space<hbm>> -> memref<1x1x40x128xi32, #tpu.memory_space<hbm>>
      %dma_wait3A_91 = tpu.memref_squeeze %dma_wait3A_90 : memref<1x1x40x128xi32, #tpu.memory_space<hbm>> -> memref<40x128xi32, #tpu.memory_space<hbm>>
      %dma_wait3A_92 = arith.constant 0 : i32
      %dma_wait3A_93 = arith.constant 0 : i32
      %dma_wait3A_94 = tpu.memref_slice %arg3[%run_scoped3A, %add3A, %dma_wait3A_92, %dma_wait3A_93] : memref<2x32x80x128xi32, #tpu.memory_space<hbm>> -> memref<1x1x40x128xi32, #tpu.memory_space<hbm>>
      %dma_wait3A_95 = tpu.memref_squeeze %dma_wait3A_94 : memref<1x1x40x128xi32, #tpu.memory_space<hbm>> -> memref<40x128xi32, #tpu.memory_space<hbm>>
      tpu.wait_dma2 semaphore(%run_scoped3A_79 : memref<!tpu.dma_semaphore, #tpu.memory_space<semaphore_mem>>) src(%dma_wait3A_95 : memref<40x128xi32, #tpu.memory_space<hbm>>) dst(%arg5 : memref<40x128xi32, #tpu.memory_space<vmem>>)
      tpu.yield
    }) : () -> ()
    %run_scoped3A_27 = arith.constant 1 : i32
    "tpu.region"() ({
      %run_scoped3A_79 = tpu.sem_alloc : memref<!tpu.dma_semaphore, #tpu.memory_space<semaphore_mem>>
      %dma_start3A_80 = arith.constant 0 : i32
      %dma_start3A_81 = arith.constant 0 : i32
      %dma_start3A_82 = tpu.memref_slice %arg3[%run_scoped3A_27, %add3A, %dma_start3A_80, %dma_start3A_81] : memref<2x32x80x128xi32, #tpu.memory_space<hbm>> -> memref<1x1x40x128xi32, #tpu.memory_space<hbm>>
      %dma_start3A_83 = tpu.memref_squeeze %dma_start3A_82 : memref<1x1x40x128xi32, #tpu.memory_space<hbm>> -> memref<40x128xi32, #tpu.memory_space<hbm>>
      %dma_start3A_84 = arith.constant 0 : i32
      %dma_start3A_85 = arith.constant 0 : i32
      %dma_start3A_86 = tpu.memref_slice %arg3[%run_scoped3A_27, %add3A, %dma_start3A_84, %dma_start3A_85] : memref<2x32x80x128xi32, #tpu.memory_space<hbm>> -> memref<1x1x40x128xi32, #tpu.memory_space<hbm>>
      %dma_start3A_87 = tpu.memref_squeeze %dma_start3A_86 : memref<1x1x40x128xi32, #tpu.memory_space<hbm>> -> memref<40x128xi32, #tpu.memory_space<hbm>>
      tpu.enqueue_dma source(%dma_start3A_87 : memref<40x128xi32, #tpu.memory_space<hbm>>) target(%arg6 : memref<40x128xi32, #tpu.memory_space<vmem>>) target_semaphore(%run_scoped3A_79 : memref<!tpu.dma_semaphore, #tpu.memory_space<semaphore_mem>>)
      %dma_wait3A_88 = arith.constant 0 : i32
      %dma_wait3A_89 = arith.constant 0 : i32
      %dma_wait3A_90 = tpu.memref_slice %arg3[%run_scoped3A_27, %add3A, %dma_wait3A_88, %dma_wait3A_89] : memref<2x32x80x128xi32, #tpu.memory_space<hbm>> -> memref<1x1x40x128xi32, #tpu.memory_space<hbm>>
      %dma_wait3A_91 = tpu.memref_squeeze %dma_wait3A_90 : memref<1x1x40x128xi32, #tpu.memory_space<hbm>> -> memref<40x128xi32, #tpu.memory_space<hbm>>
      %dma_wait3A_92 = arith.constant 0 : i32
      %dma_wait3A_93 = arith.constant 0 : i32
      %dma_wait3A_94 = tpu.memref_slice %arg3[%run_scoped3A_27, %add3A, %dma_wait3A_92, %dma_wait3A_93] : memref<2x32x80x128xi32, #tpu.memory_space<hbm>> -> memref<1x1x40x128xi32, #tpu.memory_space<hbm>>
      %dma_wait3A_95 = tpu.memref_squeeze %dma_wait3A_94 : memref<1x1x40x128xi32, #tpu.memory_space<hbm>> -> memref<40x128xi32, #tpu.memory_space<hbm>>
      tpu.wait_dma2 semaphore(%run_scoped3A_79 : memref<!tpu.dma_semaphore, #tpu.memory_space<semaphore_mem>>) src(%dma_wait3A_95 : memref<40x128xi32, #tpu.memory_space<hbm>>) dst(%arg6 : memref<40x128xi32, #tpu.memory_space<vmem>>)
      tpu.yield
    }) : () -> ()
    %run_scoped3A_28 = arith.constant 0 : i32
    "tpu.region"() ({
      %run_scoped3A_79 = tpu.sem_alloc : memref<!tpu.dma_semaphore, #tpu.memory_space<semaphore_mem>>
      %dma_start3A_80 = arith.constant 0 : i32
      %dma_start3A_81 = tpu.memref_slice %arg5[%run_scoped3A_28, %dma_start3A_80] : memref<40x128xi32, #tpu.memory_space<vmem>> -> memref<1x128xi32, #tpu.memory_space<vmem>>
      %dma_start3A_82 = tpu.memref_squeeze %dma_start3A_81 : memref<1x128xi32, #tpu.memory_space<vmem>> -> memref<128xi32, #tpu.memory_space<vmem>>
      %dma_start3A_83 = arith.constant 0 : i32
      %dma_start3A_84 = arith.constant 0 : i32
      %dma_start3A_85 = tpu.memref_slice %arg2[%dma_start3A_83, %dma_start3A_84] : memref<10240x128xf32, #tpu.memory_space<hbm>> -> memref<10240x128xf32, #tpu.memory_space<hbm>>
      tpu.enqueue_indirect_dma source(%dma_start3A_85 : memref<10240x128xf32, #tpu.memory_space<hbm>>) target(%arg7 : memref<128x128xf32, #tpu.memory_space<vmem>>) offsets(%dma_start3A_82 : memref<128xi32, #tpu.memory_space<vmem>>) semaphore(%run_scoped3A_79 : memref<!tpu.dma_semaphore, #tpu.memory_space<semaphore_mem>>)
      %dma_wait3A_86 = arith.constant 0 : i32
      %dma_wait3A_87 = tpu.memref_slice %arg5[%run_scoped3A_28, %dma_wait3A_86] : memref<40x128xi32, #tpu.memory_space<vmem>> -> memref<1x128xi32, #tpu.memory_space<vmem>>
      %dma_wait3A_88 = tpu.memref_squeeze %dma_wait3A_87 : memref<1x128xi32, #tpu.memory_space<vmem>> -> memref<128xi32, #tpu.memory_space<vmem>>
      %dma_wait3A_89 = arith.constant 0 : i32
      %dma_wait3A_90 = arith.constant 0 : i32
      %dma_wait3A_91 = tpu.memref_slice %arg2[%dma_wait3A_89, %dma_wait3A_90] : memref<10240x128xf32, #tpu.memory_space<hbm>> -> memref<10240x128xf32, #tpu.memory_space<hbm>>
      tpu.wait_indirect_dma semaphore(%run_scoped3A_79 : memref<!tpu.dma_semaphore, #tpu.memory_space<semaphore_mem>>) src(%dma_wait3A_91 : memref<10240x128xf32, #tpu.memory_space<hbm>>) dst(%arg7 : memref<128x128xf32, #tpu.memory_space<vmem>>)
      tpu.yield
    }) : () -> ()
    %scan3A_29 = arith.constant 0 : i32
    %scan3A_30 = arith.constant 0 : i32
    %scan3A_31 = arith.constant 19 : i32
    %scan3A_32 = arith.addi %scan3A_30, %scan3A_31 : i32
    %scan3A_33 = arith.constant 1 : i32
    scf.for %scan3A_79 = %scan3A_30 to %scan3A_32 step %scan3A_33  : i32 {
      %mul3A_80 = arith.constant 2 : i32
      %mul3A_81 = arith.muli %scan3A_79, %mul3A_80 : i32
      %add3A_82 = arith.constant 1 : i32
      %add3A_83 = arith.addi %mul3A_81, %add3A_82 : i32
      %dma_start3A_84 = arith.constant 0 : i32
      %dma_start3A_85 = tpu.memref_slice %arg5[%add3A_83, %dma_start3A_84] : memref<40x128xi32, #tpu.memory_space<vmem>> -> memref<1x128xi32, #tpu.memory_space<vmem>>
      %dma_start3A_86 = tpu.memref_squeeze %dma_start3A_85 : memref<1x128xi32, #tpu.memory_space<vmem>> -> memref<128xi32, #tpu.memory_space<vmem>>
      %dma_start3A_87 = arith.constant 0 : i32
      %dma_start3A_88 = arith.constant 0 : i32
      %dma_start3A_89 = tpu.memref_slice %arg2[%dma_start3A_87, %dma_start3A_88] : memref<10240x128xf32, #tpu.memory_space<hbm>> -> memref<10240x128xf32, #tpu.memory_space<hbm>>
      tpu.enqueue_indirect_dma source(%dma_start3A_89 : memref<10240x128xf32, #tpu.memory_space<hbm>>) target(%arg8 : memref<128x128xf32, #tpu.memory_space<vmem>>) offsets(%dma_start3A_86 : memref<128xi32, #tpu.memory_space<vmem>>) semaphore(%arg11 : memref<!tpu.dma_semaphore, #tpu.memory_space<semaphore_mem>>)
      "tpu.region"() ({
        %run_scoped3A_116 = tpu.sem_alloc : memref<!tpu.dma_semaphore, #tpu.memory_space<semaphore_mem>>
        %dma_start3A_117 = arith.constant 0 : i32
        %dma_start3A_118 = tpu.memref_slice %arg6[%mul3A_81, %dma_start3A_117] : memref<40x128xi32, #tpu.memory_space<vmem>> -> memref<1x128xi32, #tpu.memory_space<vmem>>
        %dma_start3A_119 = tpu.memref_squeeze %dma_start3A_118 : memref<1x128xi32, #tpu.memory_space<vmem>> -> memref<128xi32, #tpu.memory_space<vmem>>
        %dma_start3A_120 = arith.constant 0 : i32
        %dma_start3A_121 = arith.constant 0 : i32
        %dma_start3A_122 = tpu.memref_slice %arg9[%dma_start3A_120, %dma_start3A_121] : memref<10240x128xf32, #tpu.memory_space<vmem_shared>> -> memref<10240x128xf32, #tpu.memory_space<vmem_shared>>
        tpu.enqueue_indirect_dma source(%arg7 : memref<128x128xf32, #tpu.memory_space<vmem>>) target(%dma_start3A_122 : memref<10240x128xf32, #tpu.memory_space<vmem_shared>>) offsets(%dma_start3A_119 : memref<128xi32, #tpu.memory_space<vmem>>) semaphore(%run_scoped3A_116 : memref<!tpu.dma_semaphore, #tpu.memory_space<semaphore_mem>>) {add = true}
        %dma_wait3A_123 = arith.constant 0 : i32
        %dma_wait3A_124 = tpu.memref_slice %arg6[%mul3A_81, %dma_wait3A_123] : memref<40x128xi32, #tpu.memory_space<vmem>> -> memref<1x128xi32, #tpu.memory_space<vmem>>
        %dma_wait3A_125 = tpu.memref_squeeze %dma_wait3A_124 : memref<1x128xi32, #tpu.memory_space<vmem>> -> memref<128xi32, #tpu.memory_space<vmem>>
        %dma_wait3A_126 = arith.constant 0 : i32
        %dma_wait3A_127 = arith.constant 0 : i32
        %dma_wait3A_128 = tpu.memref_slice %arg9[%dma_wait3A_126, %dma_wait3A_127] : memref<10240x128xf32, #tpu.memory_space<vmem_shared>> -> memref<10240x128xf32, #tpu.memory_space<vmem_shared>>
        tpu.wait_indirect_dma semaphore(%run_scoped3A_116 : memref<!tpu.dma_semaphore, #tpu.memory_space<semaphore_mem>>) src(%arg7 : memref<128x128xf32, #tpu.memory_space<vmem>>) dst(%dma_wait3A_128 : memref<10240x128xf32, #tpu.memory_space<vmem_shared>>)
        tpu.yield
      }) : () -> ()
      %add3A_90 = arith.constant 1 : i32
      %add3A_91 = arith.addi %mul3A_81, %add3A_90 : i32
      %dma_wait3A_92 = arith.constant 0 : i32
      %dma_wait3A_93 = tpu.memref_slice %arg5[%add3A_91, %dma_wait3A_92] : memref<40x128xi32, #tpu.memory_space<vmem>> -> memref<1x128xi32, #tpu.memory_space<vmem>>
      %dma_wait3A_94 = tpu.memref_squeeze %dma_wait3A_93 : memref<1x128xi32, #tpu.memory_space<vmem>> -> memref<128xi32, #tpu.memory_space<vmem>>
      %dma_wait3A_95 = arith.constant 0 : i32
      %dma_wait3A_96 = arith.constant 0 : i32
      %dma_wait3A_97 = tpu.memref_slice %arg2[%dma_wait3A_95, %dma_wait3A_96] : memref<10240x128xf32, #tpu.memory_space<hbm>> -> memref<10240x128xf32, #tpu.memory_space<hbm>>
      tpu.wait_indirect_dma semaphore(%arg11 : memref<!tpu.dma_semaphore, #tpu.memory_space<semaphore_mem>>) src(%dma_wait3A_97 : memref<10240x128xf32, #tpu.memory_space<hbm>>) dst(%arg8 : memref<128x128xf32, #tpu.memory_space<vmem>>)
      %add3A_98 = arith.constant 2 : i32
      %add3A_99 = arith.addi %mul3A_81, %add3A_98 : i32
      %dma_start3A_100 = arith.constant 0 : i32
      %dma_start3A_101 = tpu.memref_slice %arg5[%add3A_99, %dma_start3A_100] : memref<40x128xi32, #tpu.memory_space<vmem>> -> memref<1x128xi32, #tpu.memory_space<vmem>>
      %dma_start3A_102 = tpu.memref_squeeze %dma_start3A_101 : memref<1x128xi32, #tpu.memory_space<vmem>> -> memref<128xi32, #tpu.memory_space<vmem>>
      %dma_start3A_103 = arith.constant 0 : i32
      %dma_start3A_104 = arith.constant 0 : i32
      %dma_start3A_105 = tpu.memref_slice %arg2[%dma_start3A_103, %dma_start3A_104] : memref<10240x128xf32, #tpu.memory_space<hbm>> -> memref<10240x128xf32, #tpu.memory_space<hbm>>
      tpu.enqueue_indirect_dma source(%dma_start3A_105 : memref<10240x128xf32, #tpu.memory_space<hbm>>) target(%arg7 : memref<128x128xf32, #tpu.memory_space<vmem>>) offsets(%dma_start3A_102 : memref<128xi32, #tpu.memory_space<vmem>>) semaphore(%arg10 : memref<!tpu.dma_semaphore, #tpu.memory_space<semaphore_mem>>)
      %add3A_106 = arith.constant 1 : i32
      %add3A_107 = arith.addi %mul3A_81, %add3A_106 : i32
      "tpu.region"() ({
        %run_scoped3A_116 = tpu.sem_alloc : memref<!tpu.dma_semaphore, #tpu.memory_space<semaphore_mem>>
        %dma_start3A_117 = arith.constant 0 : i32
        %dma_start3A_118 = tpu.memref_slice %arg6[%add3A_107, %dma_start3A_117] : memref<40x128xi32, #tpu.memory_space<vmem>> -> memref<1x128xi32, #tpu.memory_space<vmem>>
        %dma_start3A_119 = tpu.memref_squeeze %dma_start3A_118 : memref<1x128xi32, #tpu.memory_space<vmem>> -> memref<128xi32, #tpu.memory_space<vmem>>
        %dma_start3A_120 = arith.constant 0 : i32
        %dma_start3A_121 = arith.constant 0 : i32
        %dma_start3A_122 = tpu.memref_slice %arg9[%dma_start3A_120, %dma_start3A_121] : memref<10240x128xf32, #tpu.memory_space<vmem_shared>> -> memref<10240x128xf32, #tpu.memory_space<vmem_shared>>
        tpu.enqueue_indirect_dma source(%arg8 : memref<128x128xf32, #tpu.memory_space<vmem>>) target(%dma_start3A_122 : memref<10240x128xf32, #tpu.memory_space<vmem_shared>>) offsets(%dma_start3A_119 : memref<128xi32, #tpu.memory_space<vmem>>) semaphore(%run_scoped3A_116 : memref<!tpu.dma_semaphore, #tpu.memory_space<semaphore_mem>>) {add = true}
        %dma_wait3A_123 = arith.constant 0 : i32
        %dma_wait3A_124 = tpu.memref_slice %arg6[%add3A_107, %dma_wait3A_123] : memref<40x128xi32, #tpu.memory_space<vmem>> -> memref<1x128xi32, #tpu.memory_space<vmem>>
        %dma_wait3A_125 = tpu.memref_squeeze %dma_wait3A_124 : memref<1x128xi32, #tpu.memory_space<vmem>> -> memref<128xi32, #tpu.memory_space<vmem>>
        %dma_wait3A_126 = arith.constant 0 : i32
        %dma_wait3A_127 = arith.constant 0 : i32
        %dma_wait3A_128 = tpu.memref_slice %arg9[%dma_wait3A_126, %dma_wait3A_127] : memref<10240x128xf32, #tpu.memory_space<vmem_shared>> -> memref<10240x128xf32, #tpu.memory_space<vmem_shared>>
        tpu.wait_indirect_dma semaphore(%run_scoped3A_116 : memref<!tpu.dma_semaphore, #tpu.memory_space<semaphore_mem>>) src(%arg8 : memref<128x128xf32, #tpu.memory_space<vmem>>) dst(%dma_wait3A_128 : memref<10240x128xf32, #tpu.memory_space<vmem_shared>>)
        tpu.yield
      }) : () -> ()
      %add3A_108 = arith.constant 2 : i32
      %add3A_109 = arith.addi %mul3A_81, %add3A_108 : i32
      %dma_wait3A_110 = arith.constant 0 : i32
      %dma_wait3A_111 = tpu.memref_slice %arg5[%add3A_109, %dma_wait3A_110] : memref<40x128xi32, #tpu.memory_space<vmem>> -> memref<1x128xi32, #tpu.memory_space<vmem>>
      %dma_wait3A_112 = tpu.memref_squeeze %dma_wait3A_111 : memref<1x128xi32, #tpu.memory_space<vmem>> -> memref<128xi32, #tpu.memory_space<vmem>>
      %dma_wait3A_113 = arith.constant 0 : i32
      %dma_wait3A_114 = arith.constant 0 : i32
      %dma_wait3A_115 = tpu.memref_slice %arg2[%dma_wait3A_113, %dma_wait3A_114] : memref<10240x128xf32, #tpu.memory_space<hbm>> -> memref<10240x128xf32, #tpu.memory_space<hbm>>
      tpu.wait_indirect_dma semaphore(%arg10 : memref<!tpu.dma_semaphore, #tpu.memory_space<semaphore_mem>>) src(%dma_wait3A_115 : memref<10240x128xf32, #tpu.memory_space<hbm>>) dst(%arg7 : memref<128x128xf32, #tpu.memory_space<vmem>>)
    }
    %scan3A_34 = arith.constant 19 : i32
    %dma_start3A = arith.constant 39 : i32
    %dma_start3A_35 = arith.constant 0 : i32
    %dma_start3A_36 = tpu.memref_slice %arg5[%dma_start3A, %dma_start3A_35] : memref<40x128xi32, #tpu.memory_space<vmem>> -> memref<1x128xi32, #tpu.memory_space<vmem>>
    %dma_start3A_37 = tpu.memref_squeeze %dma_start3A_36 : memref<1x128xi32, #tpu.memory_space<vmem>> -> memref<128xi32, #tpu.memory_space<vmem>>
    %dma_start3A_38 = arith.constant 0 : i32
    %dma_start3A_39 = arith.constant 0 : i32
    %dma_start3A_40 = tpu.memref_slice %arg2[%dma_start3A_38, %dma_start3A_39] : memref<10240x128xf32, #tpu.memory_space<hbm>> -> memref<10240x128xf32, #tpu.memory_space<hbm>>
    tpu.enqueue_indirect_dma source(%dma_start3A_40 : memref<10240x128xf32, #tpu.memory_space<hbm>>) target(%arg8 : memref<128x128xf32, #tpu.memory_space<vmem>>) offsets(%dma_start3A_37 : memref<128xi32, #tpu.memory_space<vmem>>) semaphore(%arg11 : memref<!tpu.dma_semaphore, #tpu.memory_space<semaphore_mem>>)
    %run_scoped3A_41 = arith.constant 38 : i32
    "tpu.region"() ({
      %run_scoped3A_79 = tpu.sem_alloc : memref<!tpu.dma_semaphore, #tpu.memory_space<semaphore_mem>>
      %dma_start3A_80 = arith.constant 0 : i32
      %dma_start3A_81 = tpu.memref_slice %arg6[%run_scoped3A_41, %dma_start3A_80] : memref<40x128xi32, #tpu.memory_space<vmem>> -> memref<1x128xi32, #tpu.memory_space<vmem>>
      %dma_start3A_82 = tpu.memref_squeeze %dma_start3A_81 : memref<1x128xi32, #tpu.memory_space<vmem>> -> memref<128xi32, #tpu.memory_space<vmem>>
      %dma_start3A_83 = arith.constant 0 : i32
      %dma_start3A_84 = arith.constant 0 : i32
      %dma_start3A_85 = tpu.memref_slice %arg9[%dma_start3A_83, %dma_start3A_84] : memref<10240x128xf32, #tpu.memory_space<vmem_shared>> -> memref<10240x128xf32, #tpu.memory_space<vmem_shared>>
      tpu.enqueue_indirect_dma source(%arg7 : memref<128x128xf32, #tpu.memory_space<vmem>>) target(%dma_start3A_85 : memref<10240x128xf32, #tpu.memory_space<vmem_shared>>) offsets(%dma_start3A_82 : memref<128xi32, #tpu.memory_space<vmem>>) semaphore(%run_scoped3A_79 : memref<!tpu.dma_semaphore, #tpu.memory_space<semaphore_mem>>) {add = true}
      %dma_wait3A_86 = arith.constant 0 : i32
      %dma_wait3A_87 = tpu.memref_slice %arg6[%run_scoped3A_41, %dma_wait3A_86] : memref<40x128xi32, #tpu.memory_space<vmem>> -> memref<1x128xi32, #tpu.memory_space<vmem>>
      %dma_wait3A_88 = tpu.memref_squeeze %dma_wait3A_87 : memref<1x128xi32, #tpu.memory_space<vmem>> -> memref<128xi32, #tpu.memory_space<vmem>>
      %dma_wait3A_89 = arith.constant 0 : i32
      %dma_wait3A_90 = arith.constant 0 : i32
      %dma_wait3A_91 = tpu.memref_slice %arg9[%dma_wait3A_89, %dma_wait3A_90] : memref<10240x128xf32, #tpu.memory_space<vmem_shared>> -> memref<10240x128xf32, #tpu.memory_space<vmem_shared>>
      tpu.wait_indirect_dma semaphore(%run_scoped3A_79 : memref<!tpu.dma_semaphore, #tpu.memory_space<semaphore_mem>>) src(%arg7 : memref<128x128xf32, #tpu.memory_space<vmem>>) dst(%dma_wait3A_91 : memref<10240x128xf32, #tpu.memory_space<vmem_shared>>)
      tpu.yield
    }) : () -> ()
    %dma_wait3A = arith.constant 39 : i32
    %dma_wait3A_42 = arith.constant 0 : i32
    %dma_wait3A_43 = tpu.memref_slice %arg5[%dma_wait3A, %dma_wait3A_42] : memref<40x128xi32, #tpu.memory_space<vmem>> -> memref<1x128xi32, #tpu.memory_space<vmem>>
    %dma_wait3A_44 = tpu.memref_squeeze %dma_wait3A_43 : memref<1x128xi32, #tpu.memory_space<vmem>> -> memref<128xi32, #tpu.memory_space<vmem>>
    %dma_wait3A_45 = arith.constant 0 : i32
    %dma_wait3A_46 = arith.constant 0 : i32
    %dma_wait3A_47 = tpu.memref_slice %arg2[%dma_wait3A_45, %dma_wait3A_46] : memref<10240x128xf32, #tpu.memory_space<hbm>> -> memref<10240x128xf32, #tpu.memory_space<hbm>>
    tpu.wait_indirect_dma semaphore(%arg11 : memref<!tpu.dma_semaphore, #tpu.memory_space<semaphore_mem>>) src(%dma_wait3A_47 : memref<10240x128xf32, #tpu.memory_space<hbm>>) dst(%arg8 : memref<128x128xf32, #tpu.memory_space<vmem>>)
    %run_scoped3A_48 = arith.constant 39 : i32
    "tpu.region"() ({
      %run_scoped3A_79 = tpu.sem_alloc : memref<!tpu.dma_semaphore, #tpu.memory_space<semaphore_mem>>
      %dma_start3A_80 = arith.constant 0 : i32
      %dma_start3A_81 = tpu.memref_slice %arg6[%run_scoped3A_48, %dma_start3A_80] : memref<40x128xi32, #tpu.memory_space<vmem>> -> memref<1x128xi32, #tpu.memory_space<vmem>>
      %dma_start3A_82 = tpu.memref_squeeze %dma_start3A_81 : memref<1x128xi32, #tpu.memory_space<vmem>> -> memref<128xi32, #tpu.memory_space<vmem>>
      %dma_start3A_83 = arith.constant 0 : i32
      %dma_start3A_84 = arith.constant 0 : i32
      %dma_start3A_85 = tpu.memref_slice %arg9[%dma_start3A_83, %dma_start3A_84] : memref<10240x128xf32, #tpu.memory_space<vmem_shared>> -> memref<10240x128xf32, #tpu.memory_space<vmem_shared>>
      tpu.enqueue_indirect_dma source(%arg8 : memref<128x128xf32, #tpu.memory_space<vmem>>) target(%dma_start3A_85 : memref<10240x128xf32, #tpu.memory_space<vmem_shared>>) offsets(%dma_start3A_82 : memref<128xi32, #tpu.memory_space<vmem>>) semaphore(%run_scoped3A_79 : memref<!tpu.dma_semaphore, #tpu.memory_space<semaphore_mem>>) {add = true}
      %dma_wait3A_86 = arith.constant 0 : i32
      %dma_wait3A_87 = tpu.memref_slice %arg6[%run_scoped3A_48, %dma_wait3A_86] : memref<40x128xi32, #tpu.memory_space<vmem>> -> memref<1x128xi32, #tpu.memory_space<vmem>>
      %dma_wait3A_88 = tpu.memref_squeeze %dma_wait3A_87 : memref<1x128xi32, #tpu.memory_space<vmem>> -> memref<128xi32, #tpu.memory_space<vmem>>
      %dma_wait3A_89 = arith.constant 0 : i32
      %dma_wait3A_90 = arith.constant 0 : i32
      %dma_wait3A_91 = tpu.memref_slice %arg9[%dma_wait3A_89, %dma_wait3A_90] : memref<10240x128xf32, #tpu.memory_space<vmem_shared>> -> memref<10240x128xf32, #tpu.memory_space<vmem_shared>>
      tpu.wait_indirect_dma semaphore(%run_scoped3A_79 : memref<!tpu.dma_semaphore, #tpu.memory_space<semaphore_mem>>) src(%arg8 : memref<128x128xf32, #tpu.memory_space<vmem>>) dst(%dma_wait3A_91 : memref<10240x128xf32, #tpu.memory_space<vmem_shared>>)
      tpu.yield
    }) : () -> ()
    %run_scoped3A_49 = arith.constant 0 : i32
    "tpu.region"() ({
      %run_scoped3A_79 = tpu.sem_alloc : memref<!tpu.dma_semaphore, #tpu.memory_space<semaphore_mem>>
      %dma_start3A_80 = arith.constant 40 : i32
      %dma_start3A_81 = arith.constant 0 : i32
      %dma_start3A_82 = tpu.memref_slice %arg3[%run_scoped3A_49, %add3A, %dma_start3A_80, %dma_start3A_81] : memref<2x32x80x128xi32, #tpu.memory_space<hbm>> -> memref<1x1x40x128xi32, #tpu.memory_space<hbm>>
      %dma_start3A_83 = tpu.memref_squeeze %dma_start3A_82 : memref<1x1x40x128xi32, #tpu.memory_space<hbm>> -> memref<40x128xi32, #tpu.memory_space<hbm>>
      %dma_start3A_84 = arith.constant 40 : i32
      %dma_start3A_85 = arith.constant 0 : i32
      %dma_start3A_86 = tpu.memref_slice %arg3[%run_scoped3A_49, %add3A, %dma_start3A_84, %dma_start3A_85] : memref<2x32x80x128xi32, #tpu.memory_space<hbm>> -> memref<1x1x40x128xi32, #tpu.memory_space<hbm>>
      %dma_start3A_87 = tpu.memref_squeeze %dma_start3A_86 : memref<1x1x40x128xi32, #tpu.memory_space<hbm>> -> memref<40x128xi32, #tpu.memory_space<hbm>>
      tpu.enqueue_dma source(%dma_start3A_87 : memref<40x128xi32, #tpu.memory_space<hbm>>) target(%arg5 : memref<40x128xi32, #tpu.memory_space<vmem>>) target_semaphore(%run_scoped3A_79 : memref<!tpu.dma_semaphore, #tpu.memory_space<semaphore_mem>>)
      %dma_wait3A_88 = arith.constant 40 : i32
      %dma_wait3A_89 = arith.constant 0 : i32
      %dma_wait3A_90 = tpu.memref_slice %arg3[%run_scoped3A_49, %add3A, %dma_wait3A_88, %dma_wait3A_89] : memref<2x32x80x128xi32, #tpu.memory_space<hbm>> -> memref<1x1x40x128xi32, #tpu.memory_space<hbm>>
      %dma_wait3A_91 = tpu.memref_squeeze %dma_wait3A_90 : memref<1x1x40x128xi32, #tpu.memory_space<hbm>> -> memref<40x128xi32, #tpu.memory_space<hbm>>
      %dma_wait3A_92 = arith.constant 40 : i32
      %dma_wait3A_93 = arith.constant 0 : i32
      %dma_wait3A_94 = tpu.memref_slice %arg3[%run_scoped3A_49, %add3A, %dma_wait3A_92, %dma_wait3A_93] : memref<2x32x80x128xi32, #tpu.memory_space<hbm>> -> memref<1x1x40x128xi32, #tpu.memory_space<hbm>>
      %dma_wait3A_95 = tpu.memref_squeeze %dma_wait3A_94 : memref<1x1x40x128xi32, #tpu.memory_space<hbm>> -> memref<40x128xi32, #tpu.memory_space<hbm>>
      tpu.wait_dma2 semaphore(%run_scoped3A_79 : memref<!tpu.dma_semaphore, #tpu.memory_space<semaphore_mem>>) src(%dma_wait3A_95 : memref<40x128xi32, #tpu.memory_space<hbm>>) dst(%arg5 : memref<40x128xi32, #tpu.memory_space<vmem>>)
      tpu.yield
    }) : () -> ()
    %run_scoped3A_50 = arith.constant 1 : i32
    "tpu.region"() ({
      %run_scoped3A_79 = tpu.sem_alloc : memref<!tpu.dma_semaphore, #tpu.memory_space<semaphore_mem>>
      %dma_start3A_80 = arith.constant 40 : i32
      %dma_start3A_81 = arith.constant 0 : i32
      %dma_start3A_82 = tpu.memref_slice %arg3[%run_scoped3A_50, %add3A, %dma_start3A_80, %dma_start3A_81] : memref<2x32x80x128xi32, #tpu.memory_space<hbm>> -> memref<1x1x40x128xi32, #tpu.memory_space<hbm>>
      %dma_start3A_83 = tpu.memref_squeeze %dma_start3A_82 : memref<1x1x40x128xi32, #tpu.memory_space<hbm>> -> memref<40x128xi32, #tpu.memory_space<hbm>>
      %dma_start3A_84 = arith.constant 40 : i32
      %dma_start3A_85 = arith.constant 0 : i32
      %dma_start3A_86 = tpu.memref_slice %arg3[%run_scoped3A_50, %add3A, %dma_start3A_84, %dma_start3A_85] : memref<2x32x80x128xi32, #tpu.memory_space<hbm>> -> memref<1x1x40x128xi32, #tpu.memory_space<hbm>>
      %dma_start3A_87 = tpu.memref_squeeze %dma_start3A_86 : memref<1x1x40x128xi32, #tpu.memory_space<hbm>> -> memref<40x128xi32, #tpu.memory_space<hbm>>
      tpu.enqueue_dma source(%dma_start3A_87 : memref<40x128xi32, #tpu.memory_space<hbm>>) target(%arg6 : memref<40x128xi32, #tpu.memory_space<vmem>>) target_semaphore(%run_scoped3A_79 : memref<!tpu.dma_semaphore, #tpu.memory_space<semaphore_mem>>)
      %dma_wait3A_88 = arith.constant 40 : i32
      %dma_wait3A_89 = arith.constant 0 : i32
      %dma_wait3A_90 = tpu.memref_slice %arg3[%run_scoped3A_50, %add3A, %dma_wait3A_88, %dma_wait3A_89] : memref<2x32x80x128xi32, #tpu.memory_space<hbm>> -> memref<1x1x40x128xi32, #tpu.memory_space<hbm>>
      %dma_wait3A_91 = tpu.memref_squeeze %dma_wait3A_90 : memref<1x1x40x128xi32, #tpu.memory_space<hbm>> -> memref<40x128xi32, #tpu.memory_space<hbm>>
      %dma_wait3A_92 = arith.constant 40 : i32
      %dma_wait3A_93 = arith.constant 0 : i32
      %dma_wait3A_94 = tpu.memref_slice %arg3[%run_scoped3A_50, %add3A, %dma_wait3A_92, %dma_wait3A_93] : memref<2x32x80x128xi32, #tpu.memory_space<hbm>> -> memref<1x1x40x128xi32, #tpu.memory_space<hbm>>
      %dma_wait3A_95 = tpu.memref_squeeze %dma_wait3A_94 : memref<1x1x40x128xi32, #tpu.memory_space<hbm>> -> memref<40x128xi32, #tpu.memory_space<hbm>>
      tpu.wait_dma2 semaphore(%run_scoped3A_79 : memref<!tpu.dma_semaphore, #tpu.memory_space<semaphore_mem>>) src(%dma_wait3A_95 : memref<40x128xi32, #tpu.memory_space<hbm>>) dst(%arg6 : memref<40x128xi32, #tpu.memory_space<vmem>>)
      tpu.yield
    }) : () -> ()
    %run_scoped3A_51 = arith.constant 0 : i32
    "tpu.region"() ({
      %run_scoped3A_79 = tpu.sem_alloc : memref<!tpu.dma_semaphore, #tpu.memory_space<semaphore_mem>>
      %dma_start3A_80 = arith.constant 0 : i32
      %dma_start3A_81 = tpu.memref_slice %arg5[%run_scoped3A_51, %dma_start3A_80] : memref<40x128xi32, #tpu.memory_space<vmem>> -> memref<1x128xi32, #tpu.memory_space<vmem>>
      %dma_start3A_82 = tpu.memref_squeeze %dma_start3A_81 : memref<1x128xi32, #tpu.memory_space<vmem>> -> memref<128xi32, #tpu.memory_space<vmem>>
      %dma_start3A_83 = arith.constant 0 : i32
      %dma_start3A_84 = arith.constant 0 : i32
      %dma_start3A_85 = tpu.memref_slice %arg2[%dma_start3A_83, %dma_start3A_84] : memref<10240x128xf32, #tpu.memory_space<hbm>> -> memref<10240x128xf32, #tpu.memory_space<hbm>>
      tpu.enqueue_indirect_dma source(%dma_start3A_85 : memref<10240x128xf32, #tpu.memory_space<hbm>>) target(%arg7 : memref<128x128xf32, #tpu.memory_space<vmem>>) offsets(%dma_start3A_82 : memref<128xi32, #tpu.memory_space<vmem>>) semaphore(%run_scoped3A_79 : memref<!tpu.dma_semaphore, #tpu.memory_space<semaphore_mem>>)
      %dma_wait3A_86 = arith.constant 0 : i32
      %dma_wait3A_87 = tpu.memref_slice %arg5[%run_scoped3A_51, %dma_wait3A_86] : memref<40x128xi32, #tpu.memory_space<vmem>> -> memref<1x128xi32, #tpu.memory_space<vmem>>
      %dma_wait3A_88 = tpu.memref_squeeze %dma_wait3A_87 : memref<1x128xi32, #tpu.memory_space<vmem>> -> memref<128xi32, #tpu.memory_space<vmem>>
      %dma_wait3A_89 = arith.constant 0 : i32
      %dma_wait3A_90 = arith.constant 0 : i32
      %dma_wait3A_91 = tpu.memref_slice %arg2[%dma_wait3A_89, %dma_wait3A_90] : memref<10240x128xf32, #tpu.memory_space<hbm>> -> memref<10240x128xf32, #tpu.memory_space<hbm>>
      tpu.wait_indirect_dma semaphore(%run_scoped3A_79 : memref<!tpu.dma_semaphore, #tpu.memory_space<semaphore_mem>>) src(%dma_wait3A_91 : memref<10240x128xf32, #tpu.memory_space<hbm>>) dst(%arg7 : memref<128x128xf32, #tpu.memory_space<vmem>>)
      tpu.yield
    }) : () -> ()
    %scan3A_52 = arith.constant 0 : i32
    %scan3A_53 = arith.constant 0 : i32
    %scan3A_54 = arith.constant 19 : i32
    %scan3A_55 = arith.addi %scan3A_53, %scan3A_54 : i32
    %scan3A_56 = arith.constant 1 : i32
    scf.for %scan3A_79 = %scan3A_53 to %scan3A_55 step %scan3A_56  : i32 {
      %mul3A_80 = arith.constant 2 : i32
      %mul3A_81 = arith.muli %scan3A_79, %mul3A_80 : i32
      %add3A_82 = arith.constant 1 : i32
      %add3A_83 = arith.addi %mul3A_81, %add3A_82 : i32
      %dma_start3A_84 = arith.constant 0 : i32
      %dma_start3A_85 = tpu.memref_slice %arg5[%add3A_83, %dma_start3A_84] : memref<40x128xi32, #tpu.memory_space<vmem>> -> memref<1x128xi32, #tpu.memory_space<vmem>>
      %dma_start3A_86 = tpu.memref_squeeze %dma_start3A_85 : memref<1x128xi32, #tpu.memory_space<vmem>> -> memref<128xi32, #tpu.memory_space<vmem>>
      %dma_start3A_87 = arith.constant 0 : i32
      %dma_start3A_88 = arith.constant 0 : i32
      %dma_start3A_89 = tpu.memref_slice %arg2[%dma_start3A_87, %dma_start3A_88] : memref<10240x128xf32, #tpu.memory_space<hbm>> -> memref<10240x128xf32, #tpu.memory_space<hbm>>
      tpu.enqueue_indirect_dma source(%dma_start3A_89 : memref<10240x128xf32, #tpu.memory_space<hbm>>) target(%arg8 : memref<128x128xf32, #tpu.memory_space<vmem>>) offsets(%dma_start3A_86 : memref<128xi32, #tpu.memory_space<vmem>>) semaphore(%arg11 : memref<!tpu.dma_semaphore, #tpu.memory_space<semaphore_mem>>)
      "tpu.region"() ({
        %run_scoped3A_116 = tpu.sem_alloc : memref<!tpu.dma_semaphore, #tpu.memory_space<semaphore_mem>>
        %dma_start3A_117 = arith.constant 0 : i32
        %dma_start3A_118 = tpu.memref_slice %arg6[%mul3A_81, %dma_start3A_117] : memref<40x128xi32, #tpu.memory_space<vmem>> -> memref<1x128xi32, #tpu.memory_space<vmem>>
        %dma_start3A_119 = tpu.memref_squeeze %dma_start3A_118 : memref<1x128xi32, #tpu.memory_space<vmem>> -> memref<128xi32, #tpu.memory_space<vmem>>
        %dma_start3A_120 = arith.constant 0 : i32
        %dma_start3A_121 = arith.constant 0 : i32
        %dma_start3A_122 = tpu.memref_slice %arg9[%dma_start3A_120, %dma_start3A_121] : memref<10240x128xf32, #tpu.memory_space<vmem_shared>> -> memref<10240x128xf32, #tpu.memory_space<vmem_shared>>
        tpu.enqueue_indirect_dma source(%arg7 : memref<128x128xf32, #tpu.memory_space<vmem>>) target(%dma_start3A_122 : memref<10240x128xf32, #tpu.memory_space<vmem_shared>>) offsets(%dma_start3A_119 : memref<128xi32, #tpu.memory_space<vmem>>) semaphore(%run_scoped3A_116 : memref<!tpu.dma_semaphore, #tpu.memory_space<semaphore_mem>>) {add = true}
        %dma_wait3A_123 = arith.constant 0 : i32
        %dma_wait3A_124 = tpu.memref_slice %arg6[%mul3A_81, %dma_wait3A_123] : memref<40x128xi32, #tpu.memory_space<vmem>> -> memref<1x128xi32, #tpu.memory_space<vmem>>
        %dma_wait3A_125 = tpu.memref_squeeze %dma_wait3A_124 : memref<1x128xi32, #tpu.memory_space<vmem>> -> memref<128xi32, #tpu.memory_space<vmem>>
        %dma_wait3A_126 = arith.constant 0 : i32
        %dma_wait3A_127 = arith.constant 0 : i32
        %dma_wait3A_128 = tpu.memref_slice %arg9[%dma_wait3A_126, %dma_wait3A_127] : memref<10240x128xf32, #tpu.memory_space<vmem_shared>> -> memref<10240x128xf32, #tpu.memory_space<vmem_shared>>
        tpu.wait_indirect_dma semaphore(%run_scoped3A_116 : memref<!tpu.dma_semaphore, #tpu.memory_space<semaphore_mem>>) src(%arg7 : memref<128x128xf32, #tpu.memory_space<vmem>>) dst(%dma_wait3A_128 : memref<10240x128xf32, #tpu.memory_space<vmem_shared>>)
        tpu.yield
      }) : () -> ()
      %add3A_90 = arith.constant 1 : i32
      %add3A_91 = arith.addi %mul3A_81, %add3A_90 : i32
      %dma_wait3A_92 = arith.constant 0 : i32
      %dma_wait3A_93 = tpu.memref_slice %arg5[%add3A_91, %dma_wait3A_92] : memref<40x128xi32, #tpu.memory_space<vmem>> -> memref<1x128xi32, #tpu.memory_space<vmem>>
      %dma_wait3A_94 = tpu.memref_squeeze %dma_wait3A_93 : memref<1x128xi32, #tpu.memory_space<vmem>> -> memref<128xi32, #tpu.memory_space<vmem>>
      %dma_wait3A_95 = arith.constant 0 : i32
      %dma_wait3A_96 = arith.constant 0 : i32
      %dma_wait3A_97 = tpu.memref_slice %arg2[%dma_wait3A_95, %dma_wait3A_96] : memref<10240x128xf32, #tpu.memory_space<hbm>> -> memref<10240x128xf32, #tpu.memory_space<hbm>>
      tpu.wait_indirect_dma semaphore(%arg11 : memref<!tpu.dma_semaphore, #tpu.memory_space<semaphore_mem>>) src(%dma_wait3A_97 : memref<10240x128xf32, #tpu.memory_space<hbm>>) dst(%arg8 : memref<128x128xf32, #tpu.memory_space<vmem>>)
      %add3A_98 = arith.constant 2 : i32
      %add3A_99 = arith.addi %mul3A_81, %add3A_98 : i32
      %dma_start3A_100 = arith.constant 0 : i32
      %dma_start3A_101 = tpu.memref_slice %arg5[%add3A_99, %dma_start3A_100] : memref<40x128xi32, #tpu.memory_space<vmem>> -> memref<1x128xi32, #tpu.memory_space<vmem>>
      %dma_start3A_102 = tpu.memref_squeeze %dma_start3A_101 : memref<1x128xi32, #tpu.memory_space<vmem>> -> memref<128xi32, #tpu.memory_space<vmem>>
      %dma_start3A_103 = arith.constant 0 : i32
      %dma_start3A_104 = arith.constant 0 : i32
      %dma_start3A_105 = tpu.memref_slice %arg2[%dma_start3A_103, %dma_start3A_104] : memref<10240x128xf32, #tpu.memory_space<hbm>> -> memref<10240x128xf32, #tpu.memory_space<hbm>>
      tpu.enqueue_indirect_dma source(%dma_start3A_105 : memref<10240x128xf32, #tpu.memory_space<hbm>>) target(%arg7 : memref<128x128xf32, #tpu.memory_space<vmem>>) offsets(%dma_start3A_102 : memref<128xi32, #tpu.memory_space<vmem>>) semaphore(%arg10 : memref<!tpu.dma_semaphore, #tpu.memory_space<semaphore_mem>>)
      %add3A_106 = arith.constant 1 : i32
      %add3A_107 = arith.addi %mul3A_81, %add3A_106 : i32
      "tpu.region"() ({
        %run_scoped3A_116 = tpu.sem_alloc : memref<!tpu.dma_semaphore, #tpu.memory_space<semaphore_mem>>
        %dma_start3A_117 = arith.constant 0 : i32
        %dma_start3A_118 = tpu.memref_slice %arg6[%add3A_107, %dma_start3A_117] : memref<40x128xi32, #tpu.memory_space<vmem>> -> memref<1x128xi32, #tpu.memory_space<vmem>>
        %dma_start3A_119 = tpu.memref_squeeze %dma_start3A_118 : memref<1x128xi32, #tpu.memory_space<vmem>> -> memref<128xi32, #tpu.memory_space<vmem>>
        %dma_start3A_120 = arith.constant 0 : i32
        %dma_start3A_121 = arith.constant 0 : i32
        %dma_start3A_122 = tpu.memref_slice %arg9[%dma_start3A_120, %dma_start3A_121] : memref<10240x128xf32, #tpu.memory_space<vmem_shared>> -> memref<10240x128xf32, #tpu.memory_space<vmem_shared>>
        tpu.enqueue_indirect_dma source(%arg8 : memref<128x128xf32, #tpu.memory_space<vmem>>) target(%dma_start3A_122 : memref<10240x128xf32, #tpu.memory_space<vmem_shared>>) offsets(%dma_start3A_119 : memref<128xi32, #tpu.memory_space<vmem>>) semaphore(%run_scoped3A_116 : memref<!tpu.dma_semaphore, #tpu.memory_space<semaphore_mem>>) {add = true}
        %dma_wait3A_123 = arith.constant 0 : i32
        %dma_wait3A_124 = tpu.memref_slice %arg6[%add3A_107, %dma_wait3A_123] : memref<40x128xi32, #tpu.memory_space<vmem>> -> memref<1x128xi32, #tpu.memory_space<vmem>>
        %dma_wait3A_125 = tpu.memref_squeeze %dma_wait3A_124 : memref<1x128xi32, #tpu.memory_space<vmem>> -> memref<128xi32, #tpu.memory_space<vmem>>
        %dma_wait3A_126 = arith.constant 0 : i32
        %dma_wait3A_127 = arith.constant 0 : i32
        %dma_wait3A_128 = tpu.memref_slice %arg9[%dma_wait3A_126, %dma_wait3A_127] : memref<10240x128xf32, #tpu.memory_space<vmem_shared>> -> memref<10240x128xf32, #tpu.memory_space<vmem_shared>>
        tpu.wait_indirect_dma semaphore(%run_scoped3A_116 : memref<!tpu.dma_semaphore, #tpu.memory_space<semaphore_mem>>) src(%arg8 : memref<128x128xf32, #tpu.memory_space<vmem>>) dst(%dma_wait3A_128 : memref<10240x128xf32, #tpu.memory_space<vmem_shared>>)
        tpu.yield
      }) : () -> ()
      %add3A_108 = arith.constant 2 : i32
      %add3A_109 = arith.addi %mul3A_81, %add3A_108 : i32
      %dma_wait3A_110 = arith.constant 0 : i32
      %dma_wait3A_111 = tpu.memref_slice %arg5[%add3A_109, %dma_wait3A_110] : memref<40x128xi32, #tpu.memory_space<vmem>> -> memref<1x128xi32, #tpu.memory_space<vmem>>
      %dma_wait3A_112 = tpu.memref_squeeze %dma_wait3A_111 : memref<1x128xi32, #tpu.memory_space<vmem>> -> memref<128xi32, #tpu.memory_space<vmem>>
      %dma_wait3A_113 = arith.constant 0 : i32
      %dma_wait3A_114 = arith.constant 0 : i32
      %dma_wait3A_115 = tpu.memref_slice %arg2[%dma_wait3A_113, %dma_wait3A_114] : memref<10240x128xf32, #tpu.memory_space<hbm>> -> memref<10240x128xf32, #tpu.memory_space<hbm>>
      tpu.wait_indirect_dma semaphore(%arg10 : memref<!tpu.dma_semaphore, #tpu.memory_space<semaphore_mem>>) src(%dma_wait3A_115 : memref<10240x128xf32, #tpu.memory_space<hbm>>) dst(%arg7 : memref<128x128xf32, #tpu.memory_space<vmem>>)
    }
    %scan3A_57 = arith.constant 19 : i32
    %dma_start3A_58 = arith.constant 39 : i32
    %dma_start3A_59 = arith.constant 0 : i32
    %dma_start3A_60 = tpu.memref_slice %arg5[%dma_start3A_58, %dma_start3A_59] : memref<40x128xi32, #tpu.memory_space<vmem>> -> memref<1x128xi32, #tpu.memory_space<vmem>>
    %dma_start3A_61 = tpu.memref_squeeze %dma_start3A_60 : memref<1x128xi32, #tpu.memory_space<vmem>> -> memref<128xi32, #tpu.memory_space<vmem>>
    %dma_start3A_62 = arith.constant 0 : i32
    %dma_start3A_63 = arith.constant 0 : i32
    %dma_start3A_64 = tpu.memref_slice %arg2[%dma_start3A_62, %dma_start3A_63] : memref<10240x128xf32, #tpu.memory_space<hbm>> -> memref<10240x128xf32, #tpu.memory_space<hbm>>
    tpu.enqueue_indirect_dma source(%dma_start3A_64 : memref<10240x128xf32, #tpu.memory_space<hbm>>) target(%arg8 : memref<128x128xf32, #tpu.memory_space<vmem>>) offsets(%dma_start3A_61 : memref<128xi32, #tpu.memory_space<vmem>>) semaphore(%arg11 : memref<!tpu.dma_semaphore, #tpu.memory_space<semaphore_mem>>)
    %run_scoped3A_65 = arith.constant 38 : i32
    "tpu.region"() ({
      %run_scoped3A_79 = tpu.sem_alloc : memref<!tpu.dma_semaphore, #tpu.memory_space<semaphore_mem>>
      %dma_start3A_80 = arith.constant 0 : i32
      %dma_start3A_81 = tpu.memref_slice %arg6[%run_scoped3A_65, %dma_start3A_80] : memref<40x128xi32, #tpu.memory_space<vmem>> -> memref<1x128xi32, #tpu.memory_space<vmem>>
      %dma_start3A_82 = tpu.memref_squeeze %dma_start3A_81 : memref<1x128xi32, #tpu.memory_space<vmem>> -> memref<128xi32, #tpu.memory_space<vmem>>
      %dma_start3A_83 = arith.constant 0 : i32
      %dma_start3A_84 = arith.constant 0 : i32
      %dma_start3A_85 = tpu.memref_slice %arg9[%dma_start3A_83, %dma_start3A_84] : memref<10240x128xf32, #tpu.memory_space<vmem_shared>> -> memref<10240x128xf32, #tpu.memory_space<vmem_shared>>
      tpu.enqueue_indirect_dma source(%arg7 : memref<128x128xf32, #tpu.memory_space<vmem>>) target(%dma_start3A_85 : memref<10240x128xf32, #tpu.memory_space<vmem_shared>>) offsets(%dma_start3A_82 : memref<128xi32, #tpu.memory_space<vmem>>) semaphore(%run_scoped3A_79 : memref<!tpu.dma_semaphore, #tpu.memory_space<semaphore_mem>>) {add = true}
      %dma_wait3A_86 = arith.constant 0 : i32
      %dma_wait3A_87 = tpu.memref_slice %arg6[%run_scoped3A_65, %dma_wait3A_86] : memref<40x128xi32, #tpu.memory_space<vmem>> -> memref<1x128xi32, #tpu.memory_space<vmem>>
      %dma_wait3A_88 = tpu.memref_squeeze %dma_wait3A_87 : memref<1x128xi32, #tpu.memory_space<vmem>> -> memref<128xi32, #tpu.memory_space<vmem>>
      %dma_wait3A_89 = arith.constant 0 : i32
      %dma_wait3A_90 = arith.constant 0 : i32
      %dma_wait3A_91 = tpu.memref_slice %arg9[%dma_wait3A_89, %dma_wait3A_90] : memref<10240x128xf32, #tpu.memory_space<vmem_shared>> -> memref<10240x128xf32, #tpu.memory_space<vmem_shared>>
      tpu.wait_indirect_dma semaphore(%run_scoped3A_79 : memref<!tpu.dma_semaphore, #tpu.memory_space<semaphore_mem>>) src(%arg7 : memref<128x128xf32, #tpu.memory_space<vmem>>) dst(%dma_wait3A_91 : memref<10240x128xf32, #tpu.memory_space<vmem_shared>>)
      tpu.yield
    }) : () -> ()
    %dma_wait3A_66 = arith.constant 39 : i32
    %dma_wait3A_67 = arith.constant 0 : i32
    %dma_wait3A_68 = tpu.memref_slice %arg5[%dma_wait3A_66, %dma_wait3A_67] : memref<40x128xi32, #tpu.memory_space<vmem>> -> memref<1x128xi32, #tpu.memory_space<vmem>>
    %dma_wait3A_69 = tpu.memref_squeeze %dma_wait3A_68 : memref<1x128xi32, #tpu.memory_space<vmem>> -> memref<128xi32, #tpu.memory_space<vmem>>
    %dma_wait3A_70 = arith.constant 0 : i32
    %dma_wait3A_71 = arith.constant 0 : i32
    %dma_wait3A_72 = tpu.memref_slice %arg2[%dma_wait3A_70, %dma_wait3A_71] : memref<10240x128xf32, #tpu.memory_space<hbm>> -> memref<10240x128xf32, #tpu.memory_space<hbm>>
    tpu.wait_indirect_dma semaphore(%arg11 : memref<!tpu.dma_semaphore, #tpu.memory_space<semaphore_mem>>) src(%dma_wait3A_72 : memref<10240x128xf32, #tpu.memory_space<hbm>>) dst(%arg8 : memref<128x128xf32, #tpu.memory_space<vmem>>)
    %run_scoped3A_73 = arith.constant 39 : i32
    "tpu.region"() ({
      %run_scoped3A_79 = tpu.sem_alloc : memref<!tpu.dma_semaphore, #tpu.memory_space<semaphore_mem>>
      %dma_start3A_80 = arith.constant 0 : i32
      %dma_start3A_81 = tpu.memref_slice %arg6[%run_scoped3A_73, %dma_start3A_80] : memref<40x128xi32, #tpu.memory_space<vmem>> -> memref<1x128xi32, #tpu.memory_space<vmem>>
      %dma_start3A_82 = tpu.memref_squeeze %dma_start3A_81 : memref<1x128xi32, #tpu.memory_space<vmem>> -> memref<128xi32, #tpu.memory_space<vmem>>
      %dma_start3A_83 = arith.constant 0 : i32
      %dma_start3A_84 = arith.constant 0 : i32
      %dma_start3A_85 = tpu.memref_slice %arg9[%dma_start3A_83, %dma_start3A_84] : memref<10240x128xf32, #tpu.memory_space<vmem_shared>> -> memref<10240x128xf32, #tpu.memory_space<vmem_shared>>
      tpu.enqueue_indirect_dma source(%arg8 : memref<128x128xf32, #tpu.memory_space<vmem>>) target(%dma_start3A_85 : memref<10240x128xf32, #tpu.memory_space<vmem_shared>>) offsets(%dma_start3A_82 : memref<128xi32, #tpu.memory_space<vmem>>) semaphore(%run_scoped3A_79 : memref<!tpu.dma_semaphore, #tpu.memory_space<semaphore_mem>>) {add = true}
      %dma_wait3A_86 = arith.constant 0 : i32
      %dma_wait3A_87 = tpu.memref_slice %arg6[%run_scoped3A_73, %dma_wait3A_86] : memref<40x128xi32, #tpu.memory_space<vmem>> -> memref<1x128xi32, #tpu.memory_space<vmem>>
      %dma_wait3A_88 = tpu.memref_squeeze %dma_wait3A_87 : memref<1x128xi32, #tpu.memory_space<vmem>> -> memref<128xi32, #tpu.memory_space<vmem>>
      %dma_wait3A_89 = arith.constant 0 : i32
      %dma_wait3A_90 = arith.constant 0 : i32
      %dma_wait3A_91 = tpu.memref_slice %arg9[%dma_wait3A_89, %dma_wait3A_90] : memref<10240x128xf32, #tpu.memory_space<vmem_shared>> -> memref<10240x128xf32, #tpu.memory_space<vmem_shared>>
      tpu.wait_indirect_dma semaphore(%run_scoped3A_79 : memref<!tpu.dma_semaphore, #tpu.memory_space<semaphore_mem>>) src(%arg8 : memref<128x128xf32, #tpu.memory_space<vmem>>) dst(%dma_wait3A_91 : memref<10240x128xf32, #tpu.memory_space<vmem_shared>>)
      tpu.yield
    }) : () -> ()
    %barrier3A_74 = arith.constant 0 : index
    tpu.barrier barrier_id(%barrier3A_74)
    %mul3A_75 = arith.constant 640 : i32
    %mul3A_76 = arith.muli %arg1, %mul3A_75 : i32
    %mul3A_77 = arith.constant 640 : i32
    %mul3A_78 = arith.muli %arg1, %mul3A_77 : i32
    "tpu.region"() ({
      %run_scoped3A_79 = tpu.sem_alloc : memref<!tpu.dma_semaphore, #tpu.memory_space<semaphore_mem>>
      %dma_start3A_80 = arith.constant 0 : i32
      %dma_start3A_81 = tpu.memref_slice %arg4[%arg0, %mul3A_78, %dma_start3A_80] : memref<2x10240x128xf32, #tpu.memory_space<hbm>> -> memref<1x640x128xf32, #tpu.memory_space<hbm>>
      %dma_start3A_82 = tpu.memref_squeeze %dma_start3A_81 : memref<1x640x128xf32, #tpu.memory_space<hbm>> -> memref<640x128xf32, #tpu.memory_space<hbm>>
      %dma_start3A_83 = arith.constant 0 : i32
      %dma_start3A_84 = tpu.memref_slice %arg9[%mul3A_76, %dma_start3A_83] : memref<10240x128xf32, #tpu.memory_space<vmem_shared>> -> memref<640x128xf32, #tpu.memory_space<vmem_shared>>
      tpu.enqueue_dma source(%dma_start3A_84 : memref<640x128xf32, #tpu.memory_space<vmem_shared>>) target(%dma_start3A_82 : memref<640x128xf32, #tpu.memory_space<hbm>>) target_semaphore(%run_scoped3A_79 : memref<!tpu.dma_semaphore, #tpu.memory_space<semaphore_mem>>)
      %dma_wait3A_85 = arith.constant 0 : i32
      %dma_wait3A_86 = tpu.memref_slice %arg4[%arg0, %mul3A_78, %dma_wait3A_85] : memref<2x10240x128xf32, #tpu.memory_space<hbm>> -> memref<1x640x128xf32, #tpu.memory_space<hbm>>
      %dma_wait3A_87 = tpu.memref_squeeze %dma_wait3A_86 : memref<1x640x128xf32, #tpu.memory_space<hbm>> -> memref<640x128xf32, #tpu.memory_space<hbm>>
      %dma_wait3A_88 = arith.constant 0 : i32
      %dma_wait3A_89 = tpu.memref_slice %arg9[%mul3A_76, %dma_wait3A_88] : memref<10240x128xf32, #tpu.memory_space<vmem_shared>> -> memref<640x128xf32, #tpu.memory_space<vmem_shared>>
      tpu.wait_dma2 semaphore(%run_scoped3A_79 : memref<!tpu.dma_semaphore, #tpu.memory_space<semaphore_mem>>) src(%dma_wait3A_89 : memref<640x128xf32, #tpu.memory_space<vmem_shared>>) dst(%dma_wait3A_87 : memref<640x128xf32, #tpu.memory_space<hbm>>)
      tpu.yield
    }) : () -> ()
    return
  }
}

#map = affine_map<(d0, d1) -> (0, 0)>
#map1 = affine_map<(d0, d1) -> (0, 0, 0, 0)>
#map2 = affine_map<(d0, d1) -> (0, 0, 0)>
module attributes {stable_mosaic.version = 14 : i64} {
  func.func @_hop_body(%arg0: i32, %arg1: i32, %arg2: memref<10240x128xf32, #tpu.memory_space<hbm>>, %arg3: memref<2x32x80x128xi32, #tpu.memory_space<hbm>>, %arg4: memref<2x10240x128xf32, #tpu.memory_space<hbm>>, %arg5: memref<40x128xi32, #tpu.memory_space<vmem>>, %arg6: memref<40x128xi32, #tpu.memory_space<vmem>>, %arg7: memref<128x128xf32, #tpu.memory_space<vmem>>, %arg8: memref<128x128xf32, #tpu.memory_space<vmem>>, %arg9: memref<10240x128xf32, #tpu.memory_space<vmem_shared>>, %arg10: memref<!tpu.dma_semaphore, #tpu.memory_space<semaphore_mem>>, %arg11: memref<!tpu.dma_semaphore, #tpu.memory_space<semaphore_mem>>) attributes {dimension_semantics = [#tpu.dimension_semantics<core_parallel>, #tpu.dimension_semantics<subcore_parallel>], iteration_bounds = array<i64: 2, 16>, scalar_prefetch = 0 : i64, scratch_operands = 7 : i64, tpu.core_type = #tpu.core_type<sc_vector_subcore>, window_params = [{transform_indices = #map}, {transform_indices = #map1}, {transform_indices = #map2}]} {
    %mul3A = arith.constant 16 : i32
    %mul3A_0 = arith.muli %arg0, %mul3A : i32
    %add3A = arith.addi %mul3A_0, %arg1 : i32
    %broadcast_in_dim3A = arith.constant 0.000000e+00 : f32
    %broadcast_in_dim3A_1 = vector.broadcast %broadcast_in_dim3A : f32 to vector<16xf32>
    %scan3A = arith.constant 0 : i32
    %scan3A_2 = arith.constant 0 : i32
    %scan3A_3 = arith.constant 128 : i32
    %scan3A_4 = arith.addi %scan3A_2, %scan3A_3 : i32
    %scan3A_5 = arith.constant 1 : i32
    scf.for %scan3A_79 = %scan3A_2 to %scan3A_4 step %scan3A_5  : i32 {
      %swap3A = arith.index_cast %scan3A_79 : i32 to index
      %swap3A_80 = arith.constant 0 : index
      %swap3A_81 = tpu.vector_load %arg7[%swap3A, %swap3A_80] {strides = array<i32>} : memref<128x128xf32, #tpu.memory_space<vmem>>, vector<1x16xf32>,
      %swap3A_82 = vector.shape_cast %swap3A_81 : vector<1x16xf32> to vector<16xf32>
      %swap3A_83 = vector.shape_cast %broadcast_in_dim3A_1 : vector<16xf32> to vector<1x16xf32>
      tpu.vector_store %arg7[%swap3A, %swap3A_80], %swap3A_83 {strides = array<i32>} : memref<128x128xf32, #tpu.memory_space<vmem>>, vector<1x16xf32>,
      %swap3A_84 = arith.index_cast %scan3A_79 : i32 to index
      %swap3A_85 = arith.constant 16 : index
      %swap3A_86 = tpu.vector_load %arg7[%swap3A_84, %swap3A_85] {strides = array<i32>} : memref<128x128xf32, #tpu.memory_space<vmem>>, vector<1x16xf32>,
      %swap3A_87 = vector.shape_cast %swap3A_86 : vector<1x16xf32> to vector<16xf32>
      %swap3A_88 = vector.shape_cast %broadcast_in_dim3A_1 : vector<16xf32> to vector<1x16xf32>
      tpu.vector_store %arg7[%swap3A_84, %swap3A_85], %swap3A_88 {strides = array<i32>} : memref<128x128xf32, #tpu.memory_space<vmem>>, vector<1x16xf32>,
      %swap3A_89 = arith.index_cast %scan3A_79 : i32 to index
      %swap3A_90 = arith.constant 32 : index
      %swap3A_91 = tpu.vector_load %arg7[%swap3A_89, %swap3A_90] {strides = array<i32>} : memref<128x128xf32, #tpu.memory_space<vmem>>, vector<1x16xf32>,
      %swap3A_92 = vector.shape_cast %swap3A_91 : vector<1x16xf32> to vector<16xf32>
      %swap3A_93 = vector.shape_cast %broadcast_in_dim3A_1 : vector<16xf32> to vector<1x16xf32>
      tpu.vector_store %arg7[%swap3A_89, %swap3A_90], %swap3A_93 {strides = array<i32>} : memref<128x128xf32, #tpu.memory_space<vmem>>, vector<1x16xf32>,
      %swap3A_94 = arith.index_cast %scan3A_79 : i32 to index
      %swap3A_95 = arith.constant 48 : index
      %swap3A_96 = tpu.vector_load %arg7[%swap3A_94, %swap3A_95] {strides = array<i32>} : memref<128x128xf32, #tpu.memory_space<vmem>>, vector<1x16xf32>,
      %swap3A_97 = vector.shape_cast %swap3A_96 : vector<1x16xf32> to vector<16xf32>
      %swap3A_98 = vector.shape_cast %broadcast_in_dim3A_1 : vector<16xf32> to vector<1x16xf32>
      tpu.vector_store %arg7[%swap3A_94, %swap3A_95], %swap3A_98 {strides = array<i32>} : memref<128x128xf32, #tpu.memory_space<vmem>>, vector<1x16xf32>,
      %swap3A_99 = arith.index_cast %scan3A_79 : i32 to index
      %swap3A_100 = arith.constant 64 : index
      %swap3A_101 = tpu.vector_load %arg7[%swap3A_99, %swap3A_100] {strides = array<i32>} : memref<128x128xf32, #tpu.memory_space<vmem>>, vector<1x16xf32>,
      %swap3A_102 = vector.shape_cast %swap3A_101 : vector<1x16xf32> to vector<16xf32>
      %swap3A_103 = vector.shape_cast %broadcast_in_dim3A_1 : vector<16xf32> to vector<1x16xf32>
      tpu.vector_store %arg7[%swap3A_99, %swap3A_100], %swap3A_103 {strides = array<i32>} : memref<128x128xf32, #tpu.memory_space<vmem>>, vector<1x16xf32>,
      %swap3A_104 = arith.index_cast %scan3A_79 : i32 to index
      %swap3A_105 = arith.constant 80 : index
      %swap3A_106 = tpu.vector_load %arg7[%swap3A_104, %swap3A_105] {strides = array<i32>} : memref<128x128xf32, #tpu.memory_space<vmem>>, vector<1x16xf32>,
      %swap3A_107 = vector.shape_cast %swap3A_106 : vector<1x16xf32> to vector<16xf32>
      %swap3A_108 = vector.shape_cast %broadcast_in_dim3A_1 : vector<16xf32> to vector<1x16xf32>
      tpu.vector_store %arg7[%swap3A_104, %swap3A_105], %swap3A_108 {strides = array<i32>} : memref<128x128xf32, #tpu.memory_space<vmem>>, vector<1x16xf32>,
      %swap3A_109 = arith.index_cast %scan3A_79 : i32 to index
      %swap3A_110 = arith.constant 96 : index
      %swap3A_111 = tpu.vector_load %arg7[%swap3A_109, %swap3A_110] {strides = array<i32>} : memref<128x128xf32, #tpu.memory_space<vmem>>, vector<1x16xf32>,
      %swap3A_112 = vector.shape_cast %swap3A_111 : vector<1x16xf32> to vector<16xf32>
      %swap3A_113 = vector.shape_cast %broadcast_in_dim3A_1 : vector<16xf32> to vector<1x16xf32>
      tpu.vector_store %arg7[%swap3A_109, %swap3A_110], %swap3A_113 {strides = array<i32>} : memref<128x128xf32, #tpu.memory_space<vmem>>, vector<1x16xf32>,
      %swap3A_114 = arith.index_cast %scan3A_79 : i32 to index
      %swap3A_115 = arith.constant 112 : index
      %swap3A_116 = tpu.vector_load %arg7[%swap3A_114, %swap3A_115] {strides = array<i32>} : memref<128x128xf32, #tpu.memory_space<vmem>>, vector<1x16xf32>,
      %swap3A_117 = vector.shape_cast %swap3A_116 : vector<1x16xf32> to vector<16xf32>
      %swap3A_118 = vector.shape_cast %broadcast_in_dim3A_1 : vector<16xf32> to vector<1x16xf32>
      tpu.vector_store %arg7[%swap3A_114, %swap3A_115], %swap3A_118 {strides = array<i32>} : memref<128x128xf32, #tpu.memory_space<vmem>>, vector<1x16xf32>,
    }
    %scan3A_6 = arith.constant 128 : i32
    %mul3A_7 = arith.constant 640 : i32
    %mul3A_8 = arith.muli %arg1, %mul3A_7 : i32
    %add3A_9 = arith.constant 0 : i32
    %add3A_10 = arith.addi %mul3A_8, %add3A_9 : i32
    "tpu.region"() ({
      %run_scoped3A_79 = tpu.sem_alloc : memref<!tpu.dma_semaphore, #tpu.memory_space<semaphore_mem>>
      %dma_start3A_80 = arith.constant 0 : i32
      %dma_start3A_81 = tpu.memref_slice %arg9[%add3A_10, %dma_start3A_80] : memref<10240x128xf32, #tpu.memory_space<vmem_shared>> -> memref<128x128xf32, #tpu.memory_space<vmem_shared>>
      %dma_start3A_82 = arith.constant 0 : i32
      %dma_start3A_83 = tpu.memref_slice %arg9[%add3A_10, %dma_start3A_82] : memref<10240x128xf32, #tpu.memory_space<vmem_shared>> -> memref<128x128xf32, #tpu.memory_space<vmem_shared>>
      tpu.enqueue_dma source(%arg7 : memref<128x128xf32, #tpu.memory_space<vmem>>) target(%dma_start3A_83 : memref<128x128xf32, #tpu.memory_space<vmem_shared>>) target_semaphore(%run_scoped3A_79 : memref<!tpu.dma_semaphore, #tpu.memory_space<semaphore_mem>>)
      %dma_wait3A_84 = arith.constant 0 : i32
      %dma_wait3A_85 = tpu.memref_slice %arg9[%add3A_10, %dma_wait3A_84] : memref<10240x128xf32, #tpu.memory_space<vmem_shared>> -> memref<128x128xf32, #tpu.memory_space<vmem_shared>>
      %dma_wait3A_86 = arith.constant 0 : i32
      %dma_wait3A_87 = tpu.memref_slice %arg9[%add3A_10, %dma_wait3A_86] : memref<10240x128xf32, #tpu.memory_space<vmem_shared>> -> memref<128x128xf32, #tpu.memory_space<vmem_shared>>
      tpu.wait_dma2 semaphore(%run_scoped3A_79 : memref<!tpu.dma_semaphore, #tpu.memory_space<semaphore_mem>>) src(%arg7 : memref<128x128xf32, #tpu.memory_space<vmem>>) dst(%dma_wait3A_87 : memref<128x128xf32, #tpu.memory_space<vmem_shared>>)
      tpu.yield
    }) : () -> ()
    %mul3A_11 = arith.constant 640 : i32
    %mul3A_12 = arith.muli %arg1, %mul3A_11 : i32
    %add3A_13 = arith.constant 128 : i32
    %add3A_14 = arith.addi %mul3A_12, %add3A_13 : i32
    "tpu.region"() ({
      %run_scoped3A_79 = tpu.sem_alloc : memref<!tpu.dma_semaphore, #tpu.memory_space<semaphore_mem>>
      %dma_start3A_80 = arith.constant 0 : i32
      %dma_start3A_81 = tpu.memref_slice %arg9[%add3A_14, %dma_start3A_80] : memref<10240x128xf32, #tpu.memory_space<vmem_shared>> -> memref<128x128xf32, #tpu.memory_space<vmem_shared>>
      %dma_start3A_82 = arith.constant 0 : i32
      %dma_start3A_83 = tpu.memref_slice %arg9[%add3A_14, %dma_start3A_82] : memref<10240x128xf32, #tpu.memory_space<vmem_shared>> -> memref<128x128xf32, #tpu.memory_space<vmem_shared>>
      tpu.enqueue_dma source(%arg7 : memref<128x128xf32, #tpu.memory_space<vmem>>) target(%dma_start3A_83 : memref<128x128xf32, #tpu.memory_space<vmem_shared>>) target_semaphore(%run_scoped3A_79 : memref<!tpu.dma_semaphore, #tpu.memory_space<semaphore_mem>>)
      %dma_wait3A_84 = arith.constant 0 : i32
      %dma_wait3A_85 = tpu.memref_slice %arg9[%add3A_14, %dma_wait3A_84] : memref<10240x128xf32, #tpu.memory_space<vmem_shared>> -> memref<128x128xf32, #tpu.memory_space<vmem_shared>>
      %dma_wait3A_86 = arith.constant 0 : i32
      %dma_wait3A_87 = tpu.memref_slice %arg9[%add3A_14, %dma_wait3A_86] : memref<10240x128xf32, #tpu.memory_space<vmem_shared>> -> memref<128x128xf32, #tpu.memory_space<vmem_shared>>
      tpu.wait_dma2 semaphore(%run_scoped3A_79 : memref<!tpu.dma_semaphore, #tpu.memory_space<semaphore_mem>>) src(%arg7 : memref<128x128xf32, #tpu.memory_space<vmem>>) dst(%dma_wait3A_87 : memref<128x128xf32, #tpu.memory_space<vmem_shared>>)
      tpu.yield
    }) : () -> ()
    %mul3A_15 = arith.constant 640 : i32
    %mul3A_16 = arith.muli %arg1, %mul3A_15 : i32
    %add3A_17 = arith.constant 256 : i32
    %add3A_18 = arith.addi %mul3A_16, %add3A_17 : i32
    "tpu.region"() ({
      %run_scoped3A_79 = tpu.sem_alloc : memref<!tpu.dma_semaphore, #tpu.memory_space<semaphore_mem>>
      %dma_start3A_80 = arith.constant 0 : i32
      %dma_start3A_81 = tpu.memref_slice %arg9[%add3A_18, %dma_start3A_80] : memref<10240x128xf32, #tpu.memory_space<vmem_shared>> -> memref<128x128xf32, #tpu.memory_space<vmem_shared>>
      %dma_start3A_82 = arith.constant 0 : i32
      %dma_start3A_83 = tpu.memref_slice %arg9[%add3A_18, %dma_start3A_82] : memref<10240x128xf32, #tpu.memory_space<vmem_shared>> -> memref<128x128xf32, #tpu.memory_space<vmem_shared>>
      tpu.enqueue_dma source(%arg7 : memref<128x128xf32, #tpu.memory_space<vmem>>) target(%dma_start3A_83 : memref<128x128xf32, #tpu.memory_space<vmem_shared>>) target_semaphore(%run_scoped3A_79 : memref<!tpu.dma_semaphore, #tpu.memory_space<semaphore_mem>>)
      %dma_wait3A_84 = arith.constant 0 : i32
      %dma_wait3A_85 = tpu.memref_slice %arg9[%add3A_18, %dma_wait3A_84] : memref<10240x128xf32, #tpu.memory_space<vmem_shared>> -> memref<128x128xf32, #tpu.memory_space<vmem_shared>>
      %dma_wait3A_86 = arith.constant 0 : i32
      %dma_wait3A_87 = tpu.memref_slice %arg9[%add3A_18, %dma_wait3A_86] : memref<10240x128xf32, #tpu.memory_space<vmem_shared>> -> memref<128x128xf32, #tpu.memory_space<vmem_shared>>
      tpu.wait_dma2 semaphore(%run_scoped3A_79 : memref<!tpu.dma_semaphore, #tpu.memory_space<semaphore_mem>>) src(%arg7 : memref<128x128xf32, #tpu.memory_space<vmem>>) dst(%dma_wait3A_87 : memref<128x128xf32, #tpu.memory_space<vmem_shared>>)
      tpu.yield
    }) : () -> ()
    %mul3A_19 = arith.constant 640 : i32
    %mul3A_20 = arith.muli %arg1, %mul3A_19 : i32
    %add3A_21 = arith.constant 384 : i32
    %add3A_22 = arith.addi %mul3A_20, %add3A_21 : i32
    "tpu.region"() ({
      %run_scoped3A_79 = tpu.sem_alloc : memref<!tpu.dma_semaphore, #tpu.memory_space<semaphore_mem>>
      %dma_start3A_80 = arith.constant 0 : i32
      %dma_start3A_81 = tpu.memref_slice %arg9[%add3A_22, %dma_start3A_80] : memref<10240x128xf32, #tpu.memory_space<vmem_shared>> -> memref<128x128xf32, #tpu.memory_space<vmem_shared>>
      %dma_start3A_82 = arith.constant 0 : i32
      %dma_start3A_83 = tpu.memref_slice %arg9[%add3A_22, %dma_start3A_82] : memref<10240x128xf32, #tpu.memory_space<vmem_shared>> -> memref<128x128xf32, #tpu.memory_space<vmem_shared>>
      tpu.enqueue_dma source(%arg7 : memref<128x128xf32, #tpu.memory_space<vmem>>) target(%dma_start3A_83 : memref<128x128xf32, #tpu.memory_space<vmem_shared>>) target_semaphore(%run_scoped3A_79 : memref<!tpu.dma_semaphore, #tpu.memory_space<semaphore_mem>>)
      %dma_wait3A_84 = arith.constant 0 : i32
      %dma_wait3A_85 = tpu.memref_slice %arg9[%add3A_22, %dma_wait3A_84] : memref<10240x128xf32, #tpu.memory_space<vmem_shared>> -> memref<128x128xf32, #tpu.memory_space<vmem_shared>>
      %dma_wait3A_86 = arith.constant 0 : i32
      %dma_wait3A_87 = tpu.memref_slice %arg9[%add3A_22, %dma_wait3A_86] : memref<10240x128xf32, #tpu.memory_space<vmem_shared>> -> memref<128x128xf32, #tpu.memory_space<vmem_shared>>
      tpu.wait_dma2 semaphore(%run_scoped3A_79 : memref<!tpu.dma_semaphore, #tpu.memory_space<semaphore_mem>>) src(%arg7 : memref<128x128xf32, #tpu.memory_space<vmem>>) dst(%dma_wait3A_87 : memref<128x128xf32, #tpu.memory_space<vmem_shared>>)
      tpu.yield
    }) : () -> ()
    %mul3A_23 = arith.constant 640 : i32
    %mul3A_24 = arith.muli %arg1, %mul3A_23 : i32
    %add3A_25 = arith.constant 512 : i32
    %add3A_26 = arith.addi %mul3A_24, %add3A_25 : i32
    "tpu.region"() ({
      %run_scoped3A_79 = tpu.sem_alloc : memref<!tpu.dma_semaphore, #tpu.memory_space<semaphore_mem>>
      %dma_start3A_80 = arith.constant 0 : i32
      %dma_start3A_81 = tpu.memref_slice %arg9[%add3A_26, %dma_start3A_80] : memref<10240x128xf32, #tpu.memory_space<vmem_shared>> -> memref<128x128xf32, #tpu.memory_space<vmem_shared>>
      %dma_start3A_82 = arith.constant 0 : i32
      %dma_start3A_83 = tpu.memref_slice %arg9[%add3A_26, %dma_start3A_82] : memref<10240x128xf32, #tpu.memory_space<vmem_shared>> -> memref<128x128xf32, #tpu.memory_space<vmem_shared>>
      tpu.enqueue_dma source(%arg7 : memref<128x128xf32, #tpu.memory_space<vmem>>) target(%dma_start3A_83 : memref<128x128xf32, #tpu.memory_space<vmem_shared>>) target_semaphore(%run_scoped3A_79 : memref<!tpu.dma_semaphore, #tpu.memory_space<semaphore_mem>>)
      %dma_wait3A_84 = arith.constant 0 : i32
      %dma_wait3A_85 = tpu.memref_slice %arg9[%add3A_26, %dma_wait3A_84] : memref<10240x128xf32, #tpu.memory_space<vmem_shared>> -> memref<128x128xf32, #tpu.memory_space<vmem_shared>>
      %dma_wait3A_86 = arith.constant 0 : i32
      %dma_wait3A_87 = tpu.memref_slice %arg9[%add3A_26, %dma_wait3A_86] : memref<10240x128xf32, #tpu.memory_space<vmem_shared>> -> memref<128x128xf32, #tpu.memory_space<vmem_shared>>
      tpu.wait_dma2 semaphore(%run_scoped3A_79 : memref<!tpu.dma_semaphore, #tpu.memory_space<semaphore_mem>>) src(%arg7 : memref<128x128xf32, #tpu.memory_space<vmem>>) dst(%dma_wait3A_87 : memref<128x128xf32, #tpu.memory_space<vmem_shared>>)
      tpu.yield
    }) : () -> ()
    %barrier3A = arith.constant 0 : index
    tpu.barrier barrier_id(%barrier3A)
    %run_scoped3A = arith.constant 0 : i32
    "tpu.region"() ({
      %run_scoped3A_79 = tpu.sem_alloc : memref<!tpu.dma_semaphore, #tpu.memory_space<semaphore_mem>>
      %dma_start3A_80 = arith.constant 0 : i32
      %dma_start3A_81 = arith.constant 0 : i32
      %dma_start3A_82 = tpu.memref_slice %arg3[%run_scoped3A, %add3A, %dma_start3A_80, %dma_start3A_81] : memref<2x32x80x128xi32, #tpu.memory_space<hbm>> -> memref<1x1x40x128xi32, #tpu.memory_space<hbm>>
      %dma_start3A_83 = tpu.memref_squeeze %dma_start3A_82 : memref<1x1x40x128xi32, #tpu.memory_space<hbm>> -> memref<40x128xi32, #tpu.memory_space<hbm>>
      %dma_start3A_84 = arith.constant 0 : i32
      %dma_start3A_85 = arith.constant 0 : i32
      %dma_start3A_86 = tpu.memref_slice %arg3[%run_scoped3A, %add3A, %dma_start3A_84, %dma_start3A_85] : memref<2x32x80x128xi32, #tpu.memory_space<hbm>> -> memref<1x1x40x128xi32, #tpu.memory_space<hbm>>
      %dma_start3A_87 = tpu.memref_squeeze %dma_start3A_86 : memref<1x1x40x128xi32, #tpu.memory_space<hbm>> -> memref<40x128xi32, #tpu.memory_space<hbm>>
      tpu.enqueue_dma source(%dma_start3A_87 : memref<40x128xi32, #tpu.memory_space<hbm>>) target(%arg5 : memref<40x128xi32, #tpu.memory_space<vmem>>) target_semaphore(%run_scoped3A_79 : memref<!tpu.dma_semaphore, #tpu.memory_space<semaphore_mem>>)
      %dma_wait3A_88 = arith.constant 0 : i32
      %dma_wait3A_89 = arith.constant 0 : i32
      %dma_wait3A_90 = tpu.memref_slice %arg3[%run_scoped3A, %add3A, %dma_wait3A_88, %dma_wait3A_89] : memref<2x32x80x128xi32, #tpu.memory_space<hbm>> -> memref<1x1x40x128xi32, #tpu.memory_space<hbm>>
      %dma_wait3A_91 = tpu.memref_squeeze %dma_wait3A_90 : memref<1x1x40x128xi32, #tpu.memory_space<hbm>> -> memref<40x128xi32, #tpu.memory_space<hbm>>
      %dma_wait3A_92 = arith.constant 0 : i32
      %dma_wait3A_93 = arith.constant 0 : i32
      %dma_wait3A_94 = tpu.memref_slice %arg3[%run_scoped3A, %add3A, %dma_wait3A_92, %dma_wait3A_93] : memref<2x32x80x128xi32, #tpu.memory_space<hbm>> -> memref<1x1x40x128xi32, #tpu.memory_space<hbm>>
      %dma_wait3A_95 = tpu.memref_squeeze %dma_wait3A_94 : memref<1x1x40x128xi32, #tpu.memory_space<hbm>> -> memref<40x128xi32, #tpu.memory_space<hbm>>
      tpu.wait_dma2 semaphore(%run_scoped3A_79 : memref<!tpu.dma_semaphore, #tpu.memory_space<semaphore_mem>>) src(%dma_wait3A_95 : memref<40x128xi32, #tpu.memory_space<hbm>>) dst(%arg5 : memref<40x128xi32, #tpu.memory_space<vmem>>)
      tpu.yield
    }) : () -> ()
    %run_scoped3A_27 = arith.constant 1 : i32
    "tpu.region"() ({
      %run_scoped3A_79 = tpu.sem_alloc : memref<!tpu.dma_semaphore, #tpu.memory_space<semaphore_mem>>
      %dma_start3A_80 = arith.constant 0 : i32
      %dma_start3A_81 = arith.constant 0 : i32
      %dma_start3A_82 = tpu.memref_slice %arg3[%run_scoped3A_27, %add3A, %dma_start3A_80, %dma_start3A_81] : memref<2x32x80x128xi32, #tpu.memory_space<hbm>> -> memref<1x1x40x128xi32, #tpu.memory_space<hbm>>
      %dma_start3A_83 = tpu.memref_squeeze %dma_start3A_82 : memref<1x1x40x128xi32, #tpu.memory_space<hbm>> -> memref<40x128xi32, #tpu.memory_space<hbm>>
      %dma_start3A_84 = arith.constant 0 : i32
      %dma_start3A_85 = arith.constant 0 : i32
      %dma_start3A_86 = tpu.memref_slice %arg3[%run_scoped3A_27, %add3A, %dma_start3A_84, %dma_start3A_85] : memref<2x32x80x128xi32, #tpu.memory_space<hbm>> -> memref<1x1x40x128xi32, #tpu.memory_space<hbm>>
      %dma_start3A_87 = tpu.memref_squeeze %dma_start3A_86 : memref<1x1x40x128xi32, #tpu.memory_space<hbm>> -> memref<40x128xi32, #tpu.memory_space<hbm>>
      tpu.enqueue_dma source(%dma_start3A_87 : memref<40x128xi32, #tpu.memory_space<hbm>>) target(%arg6 : memref<40x128xi32, #tpu.memory_space<vmem>>) target_semaphore(%run_scoped3A_79 : memref<!tpu.dma_semaphore, #tpu.memory_space<semaphore_mem>>)
      %dma_wait3A_88 = arith.constant 0 : i32
      %dma_wait3A_89 = arith.constant 0 : i32
      %dma_wait3A_90 = tpu.memref_slice %arg3[%run_scoped3A_27, %add3A, %dma_wait3A_88, %dma_wait3A_89] : memref<2x32x80x128xi32, #tpu.memory_space<hbm>> -> memref<1x1x40x128xi32, #tpu.memory_space<hbm>>
      %dma_wait3A_91 = tpu.memref_squeeze %dma_wait3A_90 : memref<1x1x40x128xi32, #tpu.memory_space<hbm>> -> memref<40x128xi32, #tpu.memory_space<hbm>>
      %dma_wait3A_92 = arith.constant 0 : i32
      %dma_wait3A_93 = arith.constant 0 : i32
      %dma_wait3A_94 = tpu.memref_slice %arg3[%run_scoped3A_27, %add3A, %dma_wait3A_92, %dma_wait3A_93] : memref<2x32x80x128xi32, #tpu.memory_space<hbm>> -> memref<1x1x40x128xi32, #tpu.memory_space<hbm>>
      %dma_wait3A_95 = tpu.memref_squeeze %dma_wait3A_94 : memref<1x1x40x128xi32, #tpu.memory_space<hbm>> -> memref<40x128xi32, #tpu.memory_space<hbm>>
      tpu.wait_dma2 semaphore(%run_scoped3A_79 : memref<!tpu.dma_semaphore, #tpu.memory_space<semaphore_mem>>) src(%dma_wait3A_95 : memref<40x128xi32, #tpu.memory_space<hbm>>) dst(%arg6 : memref<40x128xi32, #tpu.memory_space<vmem>>)
      tpu.yield
    }) : () -> ()
    %run_scoped3A_28 = arith.constant 0 : i32
    "tpu.region"() ({
      %run_scoped3A_79 = tpu.sem_alloc : memref<!tpu.dma_semaphore, #tpu.memory_space<semaphore_mem>>
      %dma_start3A_80 = arith.constant 0 : i32
      %dma_start3A_81 = tpu.memref_slice %arg5[%run_scoped3A_28, %dma_start3A_80] : memref<40x128xi32, #tpu.memory_space<vmem>> -> memref<1x128xi32, #tpu.memory_space<vmem>>
      %dma_start3A_82 = tpu.memref_squeeze %dma_start3A_81 : memref<1x128xi32, #tpu.memory_space<vmem>> -> memref<128xi32, #tpu.memory_space<vmem>>
      %dma_start3A_83 = arith.constant 0 : i32
      %dma_start3A_84 = arith.constant 0 : i32
      %dma_start3A_85 = tpu.memref_slice %arg2[%dma_start3A_83, %dma_start3A_84] : memref<10240x128xf32, #tpu.memory_space<hbm>> -> memref<10240x128xf32, #tpu.memory_space<hbm>>
      tpu.enqueue_indirect_dma source(%dma_start3A_85 : memref<10240x128xf32, #tpu.memory_space<hbm>>) target(%arg7 : memref<128x128xf32, #tpu.memory_space<vmem>>) offsets(%dma_start3A_82 : memref<128xi32, #tpu.memory_space<vmem>>) semaphore(%run_scoped3A_79 : memref<!tpu.dma_semaphore, #tpu.memory_space<semaphore_mem>>)
      %dma_wait3A_86 = arith.constant 0 : i32
      %dma_wait3A_87 = tpu.memref_slice %arg5[%run_scoped3A_28, %dma_wait3A_86] : memref<40x128xi32, #tpu.memory_space<vmem>> -> memref<1x128xi32, #tpu.memory_space<vmem>>
      %dma_wait3A_88 = tpu.memref_squeeze %dma_wait3A_87 : memref<1x128xi32, #tpu.memory_space<vmem>> -> memref<128xi32, #tpu.memory_space<vmem>>
      %dma_wait3A_89 = arith.constant 0 : i32
      %dma_wait3A_90 = arith.constant 0 : i32
      %dma_wait3A_91 = tpu.memref_slice %arg2[%dma_wait3A_89, %dma_wait3A_90] : memref<10240x128xf32, #tpu.memory_space<hbm>> -> memref<10240x128xf32, #tpu.memory_space<hbm>>
      tpu.wait_indirect_dma semaphore(%run_scoped3A_79 : memref<!tpu.dma_semaphore, #tpu.memory_space<semaphore_mem>>) src(%dma_wait3A_91 : memref<10240x128xf32, #tpu.memory_space<hbm>>) dst(%arg7 : memref<128x128xf32, #tpu.memory_space<vmem>>)
      tpu.yield
    }) : () -> ()
    %scan3A_29 = arith.constant 0 : i32
    %scan3A_30 = arith.constant 0 : i32
    %scan3A_31 = arith.constant 19 : i32
    %scan3A_32 = arith.addi %scan3A_30, %scan3A_31 : i32
    %scan3A_33 = arith.constant 1 : i32
    scf.for %scan3A_79 = %scan3A_30 to %scan3A_32 step %scan3A_33  : i32 {
      %mul3A_80 = arith.constant 2 : i32
      %mul3A_81 = arith.muli %scan3A_79, %mul3A_80 : i32
      %add3A_82 = arith.constant 1 : i32
      %add3A_83 = arith.addi %mul3A_81, %add3A_82 : i32
      %dma_start3A_84 = arith.constant 0 : i32
      %dma_start3A_85 = tpu.memref_slice %arg5[%add3A_83, %dma_start3A_84] : memref<40x128xi32, #tpu.memory_space<vmem>> -> memref<1x128xi32, #tpu.memory_space<vmem>>
      %dma_start3A_86 = tpu.memref_squeeze %dma_start3A_85 : memref<1x128xi32, #tpu.memory_space<vmem>> -> memref<128xi32, #tpu.memory_space<vmem>>
      %dma_start3A_87 = arith.constant 0 : i32
      %dma_start3A_88 = arith.constant 0 : i32
      %dma_start3A_89 = tpu.memref_slice %arg2[%dma_start3A_87, %dma_start3A_88] : memref<10240x128xf32, #tpu.memory_space<hbm>> -> memref<10240x128xf32, #tpu.memory_space<hbm>>
      tpu.enqueue_indirect_dma source(%dma_start3A_89 : memref<10240x128xf32, #tpu.memory_space<hbm>>) target(%arg8 : memref<128x128xf32, #tpu.memory_space<vmem>>) offsets(%dma_start3A_86 : memref<128xi32, #tpu.memory_space<vmem>>) semaphore(%arg11 : memref<!tpu.dma_semaphore, #tpu.memory_space<semaphore_mem>>)
      "tpu.region"() ({
        %run_scoped3A_116 = tpu.sem_alloc : memref<!tpu.dma_semaphore, #tpu.memory_space<semaphore_mem>>
        %dma_start3A_117 = arith.constant 0 : i32
        %dma_start3A_118 = tpu.memref_slice %arg6[%mul3A_81, %dma_start3A_117] : memref<40x128xi32, #tpu.memory_space<vmem>> -> memref<1x128xi32, #tpu.memory_space<vmem>>
        %dma_start3A_119 = tpu.memref_squeeze %dma_start3A_118 : memref<1x128xi32, #tpu.memory_space<vmem>> -> memref<128xi32, #tpu.memory_space<vmem>>
        %dma_start3A_120 = arith.constant 0 : i32
        %dma_start3A_121 = arith.constant 0 : i32
        %dma_start3A_122 = tpu.memref_slice %arg9[%dma_start3A_120, %dma_start3A_121] : memref<10240x128xf32, #tpu.memory_space<vmem_shared>> -> memref<10240x128xf32, #tpu.memory_space<vmem_shared>>
        tpu.enqueue_indirect_dma source(%arg7 : memref<128x128xf32, #tpu.memory_space<vmem>>) target(%dma_start3A_122 : memref<10240x128xf32, #tpu.memory_space<vmem_shared>>) offsets(%dma_start3A_119 : memref<128xi32, #tpu.memory_space<vmem>>) semaphore(%run_scoped3A_116 : memref<!tpu.dma_semaphore, #tpu.memory_space<semaphore_mem>>) {add = true}
        %dma_wait3A_123 = arith.constant 0 : i32
        %dma_wait3A_124 = tpu.memref_slice %arg6[%mul3A_81, %dma_wait3A_123] : memref<40x128xi32, #tpu.memory_space<vmem>> -> memref<1x128xi32, #tpu.memory_space<vmem>>
        %dma_wait3A_125 = tpu.memref_squeeze %dma_wait3A_124 : memref<1x128xi32, #tpu.memory_space<vmem>> -> memref<128xi32, #tpu.memory_space<vmem>>
        %dma_wait3A_126 = arith.constant 0 : i32
        %dma_wait3A_127 = arith.constant 0 : i32
        %dma_wait3A_128 = tpu.memref_slice %arg9[%dma_wait3A_126, %dma_wait3A_127] : memref<10240x128xf32, #tpu.memory_space<vmem_shared>> -> memref<10240x128xf32, #tpu.memory_space<vmem_shared>>
        tpu.wait_indirect_dma semaphore(%run_scoped3A_116 : memref<!tpu.dma_semaphore, #tpu.memory_space<semaphore_mem>>) src(%arg7 : memref<128x128xf32, #tpu.memory_space<vmem>>) dst(%dma_wait3A_128 : memref<10240x128xf32, #tpu.memory_space<vmem_shared>>)
        tpu.yield
      }) : () -> ()
      %add3A_90 = arith.constant 1 : i32
      %add3A_91 = arith.addi %mul3A_81, %add3A_90 : i32
      %dma_wait3A_92 = arith.constant 0 : i32
      %dma_wait3A_93 = tpu.memref_slice %arg5[%add3A_91, %dma_wait3A_92] : memref<40x128xi32, #tpu.memory_space<vmem>> -> memref<1x128xi32, #tpu.memory_space<vmem>>
      %dma_wait3A_94 = tpu.memref_squeeze %dma_wait3A_93 : memref<1x128xi32, #tpu.memory_space<vmem>> -> memref<128xi32, #tpu.memory_space<vmem>>
      %dma_wait3A_95 = arith.constant 0 : i32
      %dma_wait3A_96 = arith.constant 0 : i32
      %dma_wait3A_97 = tpu.memref_slice %arg2[%dma_wait3A_95, %dma_wait3A_96] : memref<10240x128xf32, #tpu.memory_space<hbm>> -> memref<10240x128xf32, #tpu.memory_space<hbm>>
      tpu.wait_indirect_dma semaphore(%arg11 : memref<!tpu.dma_semaphore, #tpu.memory_space<semaphore_mem>>) src(%dma_wait3A_97 : memref<10240x128xf32, #tpu.memory_space<hbm>>) dst(%arg8 : memref<128x128xf32, #tpu.memory_space<vmem>>)
      %add3A_98 = arith.constant 2 : i32
      %add3A_99 = arith.addi %mul3A_81, %add3A_98 : i32
      %dma_start3A_100 = arith.constant 0 : i32
      %dma_start3A_101 = tpu.memref_slice %arg5[%add3A_99, %dma_start3A_100] : memref<40x128xi32, #tpu.memory_space<vmem>> -> memref<1x128xi32, #tpu.memory_space<vmem>>
      %dma_start3A_102 = tpu.memref_squeeze %dma_start3A_101 : memref<1x128xi32, #tpu.memory_space<vmem>> -> memref<128xi32, #tpu.memory_space<vmem>>
      %dma_start3A_103 = arith.constant 0 : i32
      %dma_start3A_104 = arith.constant 0 : i32
      %dma_start3A_105 = tpu.memref_slice %arg2[%dma_start3A_103, %dma_start3A_104] : memref<10240x128xf32, #tpu.memory_space<hbm>> -> memref<10240x128xf32, #tpu.memory_space<hbm>>
      tpu.enqueue_indirect_dma source(%dma_start3A_105 : memref<10240x128xf32, #tpu.memory_space<hbm>>) target(%arg7 : memref<128x128xf32, #tpu.memory_space<vmem>>) offsets(%dma_start3A_102 : memref<128xi32, #tpu.memory_space<vmem>>) semaphore(%arg10 : memref<!tpu.dma_semaphore, #tpu.memory_space<semaphore_mem>>)
      %add3A_106 = arith.constant 1 : i32
      %add3A_107 = arith.addi %mul3A_81, %add3A_106 : i32
      "tpu.region"() ({
        %run_scoped3A_116 = tpu.sem_alloc : memref<!tpu.dma_semaphore, #tpu.memory_space<semaphore_mem>>
        %dma_start3A_117 = arith.constant 0 : i32
        %dma_start3A_118 = tpu.memref_slice %arg6[%add3A_107, %dma_start3A_117] : memref<40x128xi32, #tpu.memory_space<vmem>> -> memref<1x128xi32, #tpu.memory_space<vmem>>
        %dma_start3A_119 = tpu.memref_squeeze %dma_start3A_118 : memref<1x128xi32, #tpu.memory_space<vmem>> -> memref<128xi32, #tpu.memory_space<vmem>>
        %dma_start3A_120 = arith.constant 0 : i32
        %dma_start3A_121 = arith.constant 0 : i32
        %dma_start3A_122 = tpu.memref_slice %arg9[%dma_start3A_120, %dma_start3A_121] : memref<10240x128xf32, #tpu.memory_space<vmem_shared>> -> memref<10240x128xf32, #tpu.memory_space<vmem_shared>>
        tpu.enqueue_indirect_dma source(%arg8 : memref<128x128xf32, #tpu.memory_space<vmem>>) target(%dma_start3A_122 : memref<10240x128xf32, #tpu.memory_space<vmem_shared>>) offsets(%dma_start3A_119 : memref<128xi32, #tpu.memory_space<vmem>>) semaphore(%run_scoped3A_116 : memref<!tpu.dma_semaphore, #tpu.memory_space<semaphore_mem>>) {add = true}
        %dma_wait3A_123 = arith.constant 0 : i32
        %dma_wait3A_124 = tpu.memref_slice %arg6[%add3A_107, %dma_wait3A_123] : memref<40x128xi32, #tpu.memory_space<vmem>> -> memref<1x128xi32, #tpu.memory_space<vmem>>
        %dma_wait3A_125 = tpu.memref_squeeze %dma_wait3A_124 : memref<1x128xi32, #tpu.memory_space<vmem>> -> memref<128xi32, #tpu.memory_space<vmem>>
        %dma_wait3A_126 = arith.constant 0 : i32
        %dma_wait3A_127 = arith.constant 0 : i32
        %dma_wait3A_128 = tpu.memref_slice %arg9[%dma_wait3A_126, %dma_wait3A_127] : memref<10240x128xf32, #tpu.memory_space<vmem_shared>> -> memref<10240x128xf32, #tpu.memory_space<vmem_shared>>
        tpu.wait_indirect_dma semaphore(%run_scoped3A_116 : memref<!tpu.dma_semaphore, #tpu.memory_space<semaphore_mem>>) src(%arg8 : memref<128x128xf32, #tpu.memory_space<vmem>>) dst(%dma_wait3A_128 : memref<10240x128xf32, #tpu.memory_space<vmem_shared>>)
        tpu.yield
      }) : () -> ()
      %add3A_108 = arith.constant 2 : i32
      %add3A_109 = arith.addi %mul3A_81, %add3A_108 : i32
      %dma_wait3A_110 = arith.constant 0 : i32
      %dma_wait3A_111 = tpu.memref_slice %arg5[%add3A_109, %dma_wait3A_110] : memref<40x128xi32, #tpu.memory_space<vmem>> -> memref<1x128xi32, #tpu.memory_space<vmem>>
      %dma_wait3A_112 = tpu.memref_squeeze %dma_wait3A_111 : memref<1x128xi32, #tpu.memory_space<vmem>> -> memref<128xi32, #tpu.memory_space<vmem>>
      %dma_wait3A_113 = arith.constant 0 : i32
      %dma_wait3A_114 = arith.constant 0 : i32
      %dma_wait3A_115 = tpu.memref_slice %arg2[%dma_wait3A_113, %dma_wait3A_114] : memref<10240x128xf32, #tpu.memory_space<hbm>> -> memref<10240x128xf32, #tpu.memory_space<hbm>>
      tpu.wait_indirect_dma semaphore(%arg10 : memref<!tpu.dma_semaphore, #tpu.memory_space<semaphore_mem>>) src(%dma_wait3A_115 : memref<10240x128xf32, #tpu.memory_space<hbm>>) dst(%arg7 : memref<128x128xf32, #tpu.memory_space<vmem>>)
    }
    %scan3A_34 = arith.constant 19 : i32
    %dma_start3A = arith.constant 39 : i32
    %dma_start3A_35 = arith.constant 0 : i32
    %dma_start3A_36 = tpu.memref_slice %arg5[%dma_start3A, %dma_start3A_35] : memref<40x128xi32, #tpu.memory_space<vmem>> -> memref<1x128xi32, #tpu.memory_space<vmem>>
    %dma_start3A_37 = tpu.memref_squeeze %dma_start3A_36 : memref<1x128xi32, #tpu.memory_space<vmem>> -> memref<128xi32, #tpu.memory_space<vmem>>
    %dma_start3A_38 = arith.constant 0 : i32
    %dma_start3A_39 = arith.constant 0 : i32
    %dma_start3A_40 = tpu.memref_slice %arg2[%dma_start3A_38, %dma_start3A_39] : memref<10240x128xf32, #tpu.memory_space<hbm>> -> memref<10240x128xf32, #tpu.memory_space<hbm>>
    tpu.enqueue_indirect_dma source(%dma_start3A_40 : memref<10240x128xf32, #tpu.memory_space<hbm>>) target(%arg8 : memref<128x128xf32, #tpu.memory_space<vmem>>) offsets(%dma_start3A_37 : memref<128xi32, #tpu.memory_space<vmem>>) semaphore(%arg11 : memref<!tpu.dma_semaphore, #tpu.memory_space<semaphore_mem>>)
    %run_scoped3A_41 = arith.constant 38 : i32
    "tpu.region"() ({
      %run_scoped3A_79 = tpu.sem_alloc : memref<!tpu.dma_semaphore, #tpu.memory_space<semaphore_mem>>
      %dma_start3A_80 = arith.constant 0 : i32
      %dma_start3A_81 = tpu.memref_slice %arg6[%run_scoped3A_41, %dma_start3A_80] : memref<40x128xi32, #tpu.memory_space<vmem>> -> memref<1x128xi32, #tpu.memory_space<vmem>>
      %dma_start3A_82 = tpu.memref_squeeze %dma_start3A_81 : memref<1x128xi32, #tpu.memory_space<vmem>> -> memref<128xi32, #tpu.memory_space<vmem>>
      %dma_start3A_83 = arith.constant 0 : i32
      %dma_start3A_84 = arith.constant 0 : i32
      %dma_start3A_85 = tpu.memref_slice %arg9[%dma_start3A_83, %dma_start3A_84] : memref<10240x128xf32, #tpu.memory_space<vmem_shared>> -> memref<10240x128xf32, #tpu.memory_space<vmem_shared>>
      tpu.enqueue_indirect_dma source(%arg7 : memref<128x128xf32, #tpu.memory_space<vmem>>) target(%dma_start3A_85 : memref<10240x128xf32, #tpu.memory_space<vmem_shared>>) offsets(%dma_start3A_82 : memref<128xi32, #tpu.memory_space<vmem>>) semaphore(%run_scoped3A_79 : memref<!tpu.dma_semaphore, #tpu.memory_space<semaphore_mem>>) {add = true}
      %dma_wait3A_86 = arith.constant 0 : i32
      %dma_wait3A_87 = tpu.memref_slice %arg6[%run_scoped3A_41, %dma_wait3A_86] : memref<40x128xi32, #tpu.memory_space<vmem>> -> memref<1x128xi32, #tpu.memory_space<vmem>>
      %dma_wait3A_88 = tpu.memref_squeeze %dma_wait3A_87 : memref<1x128xi32, #tpu.memory_space<vmem>> -> memref<128xi32, #tpu.memory_space<vmem>>
      %dma_wait3A_89 = arith.constant 0 : i32
      %dma_wait3A_90 = arith.constant 0 : i32
      %dma_wait3A_91 = tpu.memref_slice %arg9[%dma_wait3A_89, %dma_wait3A_90] : memref<10240x128xf32, #tpu.memory_space<vmem_shared>> -> memref<10240x128xf32, #tpu.memory_space<vmem_shared>>
      tpu.wait_indirect_dma semaphore(%run_scoped3A_79 : memref<!tpu.dma_semaphore, #tpu.memory_space<semaphore_mem>>) src(%arg7 : memref<128x128xf32, #tpu.memory_space<vmem>>) dst(%dma_wait3A_91 : memref<10240x128xf32, #tpu.memory_space<vmem_shared>>)
      tpu.yield
    }) : () -> ()
    %dma_wait3A = arith.constant 39 : i32
    %dma_wait3A_42 = arith.constant 0 : i32
    %dma_wait3A_43 = tpu.memref_slice %arg5[%dma_wait3A, %dma_wait3A_42] : memref<40x128xi32, #tpu.memory_space<vmem>> -> memref<1x128xi32, #tpu.memory_space<vmem>>
    %dma_wait3A_44 = tpu.memref_squeeze %dma_wait3A_43 : memref<1x128xi32, #tpu.memory_space<vmem>> -> memref<128xi32, #tpu.memory_space<vmem>>
    %dma_wait3A_45 = arith.constant 0 : i32
    %dma_wait3A_46 = arith.constant 0 : i32
    %dma_wait3A_47 = tpu.memref_slice %arg2[%dma_wait3A_45, %dma_wait3A_46] : memref<10240x128xf32, #tpu.memory_space<hbm>> -> memref<10240x128xf32, #tpu.memory_space<hbm>>
    tpu.wait_indirect_dma semaphore(%arg11 : memref<!tpu.dma_semaphore, #tpu.memory_space<semaphore_mem>>) src(%dma_wait3A_47 : memref<10240x128xf32, #tpu.memory_space<hbm>>) dst(%arg8 : memref<128x128xf32, #tpu.memory_space<vmem>>)
    %run_scoped3A_48 = arith.constant 39 : i32
    "tpu.region"() ({
      %run_scoped3A_79 = tpu.sem_alloc : memref<!tpu.dma_semaphore, #tpu.memory_space<semaphore_mem>>
      %dma_start3A_80 = arith.constant 0 : i32
      %dma_start3A_81 = tpu.memref_slice %arg6[%run_scoped3A_48, %dma_start3A_80] : memref<40x128xi32, #tpu.memory_space<vmem>> -> memref<1x128xi32, #tpu.memory_space<vmem>>
      %dma_start3A_82 = tpu.memref_squeeze %dma_start3A_81 : memref<1x128xi32, #tpu.memory_space<vmem>> -> memref<128xi32, #tpu.memory_space<vmem>>
      %dma_start3A_83 = arith.constant 0 : i32
      %dma_start3A_84 = arith.constant 0 : i32
      %dma_start3A_85 = tpu.memref_slice %arg9[%dma_start3A_83, %dma_start3A_84] : memref<10240x128xf32, #tpu.memory_space<vmem_shared>> -> memref<10240x128xf32, #tpu.memory_space<vmem_shared>>
      tpu.enqueue_indirect_dma source(%arg8 : memref<128x128xf32, #tpu.memory_space<vmem>>) target(%dma_start3A_85 : memref<10240x128xf32, #tpu.memory_space<vmem_shared>>) offsets(%dma_start3A_82 : memref<128xi32, #tpu.memory_space<vmem>>) semaphore(%run_scoped3A_79 : memref<!tpu.dma_semaphore, #tpu.memory_space<semaphore_mem>>) {add = true}
      %dma_wait3A_86 = arith.constant 0 : i32
      %dma_wait3A_87 = tpu.memref_slice %arg6[%run_scoped3A_48, %dma_wait3A_86] : memref<40x128xi32, #tpu.memory_space<vmem>> -> memref<1x128xi32, #tpu.memory_space<vmem>>
      %dma_wait3A_88 = tpu.memref_squeeze %dma_wait3A_87 : memref<1x128xi32, #tpu.memory_space<vmem>> -> memref<128xi32, #tpu.memory_space<vmem>>
      %dma_wait3A_89 = arith.constant 0 : i32
      %dma_wait3A_90 = arith.constant 0 : i32
      %dma_wait3A_91 = tpu.memref_slice %arg9[%dma_wait3A_89, %dma_wait3A_90] : memref<10240x128xf32, #tpu.memory_space<vmem_shared>> -> memref<10240x128xf32, #tpu.memory_space<vmem_shared>>
      tpu.wait_indirect_dma semaphore(%run_scoped3A_79 : memref<!tpu.dma_semaphore, #tpu.memory_space<semaphore_mem>>) src(%arg8 : memref<128x128xf32, #tpu.memory_space<vmem>>) dst(%dma_wait3A_91 : memref<10240x128xf32, #tpu.memory_space<vmem_shared>>)
      tpu.yield
    }) : () -> ()
    %run_scoped3A_49 = arith.constant 0 : i32
    "tpu.region"() ({
      %run_scoped3A_79 = tpu.sem_alloc : memref<!tpu.dma_semaphore, #tpu.memory_space<semaphore_mem>>
      %dma_start3A_80 = arith.constant 40 : i32
      %dma_start3A_81 = arith.constant 0 : i32
      %dma_start3A_82 = tpu.memref_slice %arg3[%run_scoped3A_49, %add3A, %dma_start3A_80, %dma_start3A_81] : memref<2x32x80x128xi32, #tpu.memory_space<hbm>> -> memref<1x1x40x128xi32, #tpu.memory_space<hbm>>
      %dma_start3A_83 = tpu.memref_squeeze %dma_start3A_82 : memref<1x1x40x128xi32, #tpu.memory_space<hbm>> -> memref<40x128xi32, #tpu.memory_space<hbm>>
      %dma_start3A_84 = arith.constant 40 : i32
      %dma_start3A_85 = arith.constant 0 : i32
      %dma_start3A_86 = tpu.memref_slice %arg3[%run_scoped3A_49, %add3A, %dma_start3A_84, %dma_start3A_85] : memref<2x32x80x128xi32, #tpu.memory_space<hbm>> -> memref<1x1x40x128xi32, #tpu.memory_space<hbm>>
      %dma_start3A_87 = tpu.memref_squeeze %dma_start3A_86 : memref<1x1x40x128xi32, #tpu.memory_space<hbm>> -> memref<40x128xi32, #tpu.memory_space<hbm>>
      tpu.enqueue_dma source(%dma_start3A_87 : memref<40x128xi32, #tpu.memory_space<hbm>>) target(%arg5 : memref<40x128xi32, #tpu.memory_space<vmem>>) target_semaphore(%run_scoped3A_79 : memref<!tpu.dma_semaphore, #tpu.memory_space<semaphore_mem>>)
      %dma_wait3A_88 = arith.constant 40 : i32
      %dma_wait3A_89 = arith.constant 0 : i32
      %dma_wait3A_90 = tpu.memref_slice %arg3[%run_scoped3A_49, %add3A, %dma_wait3A_88, %dma_wait3A_89] : memref<2x32x80x128xi32, #tpu.memory_space<hbm>> -> memref<1x1x40x128xi32, #tpu.memory_space<hbm>>
      %dma_wait3A_91 = tpu.memref_squeeze %dma_wait3A_90 : memref<1x1x40x128xi32, #tpu.memory_space<hbm>> -> memref<40x128xi32, #tpu.memory_space<hbm>>
      %dma_wait3A_92 = arith.constant 40 : i32
      %dma_wait3A_93 = arith.constant 0 : i32
      %dma_wait3A_94 = tpu.memref_slice %arg3[%run_scoped3A_49, %add3A, %dma_wait3A_92, %dma_wait3A_93] : memref<2x32x80x128xi32, #tpu.memory_space<hbm>> -> memref<1x1x40x128xi32, #tpu.memory_space<hbm>>
      %dma_wait3A_95 = tpu.memref_squeeze %dma_wait3A_94 : memref<1x1x40x128xi32, #tpu.memory_space<hbm>> -> memref<40x128xi32, #tpu.memory_space<hbm>>
      tpu.wait_dma2 semaphore(%run_scoped3A_79 : memref<!tpu.dma_semaphore, #tpu.memory_space<semaphore_mem>>) src(%dma_wait3A_95 : memref<40x128xi32, #tpu.memory_space<hbm>>) dst(%arg5 : memref<40x128xi32, #tpu.memory_space<vmem>>)
      tpu.yield
    }) : () -> ()
    %run_scoped3A_50 = arith.constant 1 : i32
    "tpu.region"() ({
      %run_scoped3A_79 = tpu.sem_alloc : memref<!tpu.dma_semaphore, #tpu.memory_space<semaphore_mem>>
      %dma_start3A_80 = arith.constant 40 : i32
      %dma_start3A_81 = arith.constant 0 : i32
      %dma_start3A_82 = tpu.memref_slice %arg3[%run_scoped3A_50, %add3A, %dma_start3A_80, %dma_start3A_81] : memref<2x32x80x128xi32, #tpu.memory_space<hbm>> -> memref<1x1x40x128xi32, #tpu.memory_space<hbm>>
      %dma_start3A_83 = tpu.memref_squeeze %dma_start3A_82 : memref<1x1x40x128xi32, #tpu.memory_space<hbm>> -> memref<40x128xi32, #tpu.memory_space<hbm>>
      %dma_start3A_84 = arith.constant 40 : i32
      %dma_start3A_85 = arith.constant 0 : i32
      %dma_start3A_86 = tpu.memref_slice %arg3[%run_scoped3A_50, %add3A, %dma_start3A_84, %dma_start3A_85] : memref<2x32x80x128xi32, #tpu.memory_space<hbm>> -> memref<1x1x40x128xi32, #tpu.memory_space<hbm>>
      %dma_start3A_87 = tpu.memref_squeeze %dma_start3A_86 : memref<1x1x40x128xi32, #tpu.memory_space<hbm>> -> memref<40x128xi32, #tpu.memory_space<hbm>>
      tpu.enqueue_dma source(%dma_start3A_87 : memref<40x128xi32, #tpu.memory_space<hbm>>) target(%arg6 : memref<40x128xi32, #tpu.memory_space<vmem>>) target_semaphore(%run_scoped3A_79 : memref<!tpu.dma_semaphore, #tpu.memory_space<semaphore_mem>>)
      %dma_wait3A_88 = arith.constant 40 : i32
      %dma_wait3A_89 = arith.constant 0 : i32
      %dma_wait3A_90 = tpu.memref_slice %arg3[%run_scoped3A_50, %add3A, %dma_wait3A_88, %dma_wait3A_89] : memref<2x32x80x128xi32, #tpu.memory_space<hbm>> -> memref<1x1x40x128xi32, #tpu.memory_space<hbm>>
      %dma_wait3A_91 = tpu.memref_squeeze %dma_wait3A_90 : memref<1x1x40x128xi32, #tpu.memory_space<hbm>> -> memref<40x128xi32, #tpu.memory_space<hbm>>
      %dma_wait3A_92 = arith.constant 40 : i32
      %dma_wait3A_93 = arith.constant 0 : i32
      %dma_wait3A_94 = tpu.memref_slice %arg3[%run_scoped3A_50, %add3A, %dma_wait3A_92, %dma_wait3A_93] : memref<2x32x80x128xi32, #tpu.memory_space<hbm>> -> memref<1x1x40x128xi32, #tpu.memory_space<hbm>>
      %dma_wait3A_95 = tpu.memref_squeeze %dma_wait3A_94 : memref<1x1x40x128xi32, #tpu.memory_space<hbm>> -> memref<40x128xi32, #tpu.memory_space<hbm>>
      tpu.wait_dma2 semaphore(%run_scoped3A_79 : memref<!tpu.dma_semaphore, #tpu.memory_space<semaphore_mem>>) src(%dma_wait3A_95 : memref<40x128xi32, #tpu.memory_space<hbm>>) dst(%arg6 : memref<40x128xi32, #tpu.memory_space<vmem>>)
      tpu.yield
    }) : () -> ()
    %run_scoped3A_51 = arith.constant 0 : i32
    "tpu.region"() ({
      %run_scoped3A_79 = tpu.sem_alloc : memref<!tpu.dma_semaphore, #tpu.memory_space<semaphore_mem>>
      %dma_start3A_80 = arith.constant 0 : i32
      %dma_start3A_81 = tpu.memref_slice %arg5[%run_scoped3A_51, %dma_start3A_80] : memref<40x128xi32, #tpu.memory_space<vmem>> -> memref<1x128xi32, #tpu.memory_space<vmem>>
      %dma_start3A_82 = tpu.memref_squeeze %dma_start3A_81 : memref<1x128xi32, #tpu.memory_space<vmem>> -> memref<128xi32, #tpu.memory_space<vmem>>
      %dma_start3A_83 = arith.constant 0 : i32
      %dma_start3A_84 = arith.constant 0 : i32
      %dma_start3A_85 = tpu.memref_slice %arg2[%dma_start3A_83, %dma_start3A_84] : memref<10240x128xf32, #tpu.memory_space<hbm>> -> memref<10240x128xf32, #tpu.memory_space<hbm>>
      tpu.enqueue_indirect_dma source(%dma_start3A_85 : memref<10240x128xf32, #tpu.memory_space<hbm>>) target(%arg7 : memref<128x128xf32, #tpu.memory_space<vmem>>) offsets(%dma_start3A_82 : memref<128xi32, #tpu.memory_space<vmem>>) semaphore(%run_scoped3A_79 : memref<!tpu.dma_semaphore, #tpu.memory_space<semaphore_mem>>)
      %dma_wait3A_86 = arith.constant 0 : i32
      %dma_wait3A_87 = tpu.memref_slice %arg5[%run_scoped3A_51, %dma_wait3A_86] : memref<40x128xi32, #tpu.memory_space<vmem>> -> memref<1x128xi32, #tpu.memory_space<vmem>>
      %dma_wait3A_88 = tpu.memref_squeeze %dma_wait3A_87 : memref<1x128xi32, #tpu.memory_space<vmem>> -> memref<128xi32, #tpu.memory_space<vmem>>
      %dma_wait3A_89 = arith.constant 0 : i32
      %dma_wait3A_90 = arith.constant 0 : i32
      %dma_wait3A_91 = tpu.memref_slice %arg2[%dma_wait3A_89, %dma_wait3A_90] : memref<10240x128xf32, #tpu.memory_space<hbm>> -> memref<10240x128xf32, #tpu.memory_space<hbm>>
      tpu.wait_indirect_dma semaphore(%run_scoped3A_79 : memref<!tpu.dma_semaphore, #tpu.memory_space<semaphore_mem>>) src(%dma_wait3A_91 : memref<10240x128xf32, #tpu.memory_space<hbm>>) dst(%arg7 : memref<128x128xf32, #tpu.memory_space<vmem>>)
      tpu.yield
    }) : () -> ()
    %scan3A_52 = arith.constant 0 : i32
    %scan3A_53 = arith.constant 0 : i32
    %scan3A_54 = arith.constant 19 : i32
    %scan3A_55 = arith.addi %scan3A_53, %scan3A_54 : i32
    %scan3A_56 = arith.constant 1 : i32
    scf.for %scan3A_79 = %scan3A_53 to %scan3A_55 step %scan3A_56  : i32 {
      %mul3A_80 = arith.constant 2 : i32
      %mul3A_81 = arith.muli %scan3A_79, %mul3A_80 : i32
      %add3A_82 = arith.constant 1 : i32
      %add3A_83 = arith.addi %mul3A_81, %add3A_82 : i32
      %dma_start3A_84 = arith.constant 0 : i32
      %dma_start3A_85 = tpu.memref_slice %arg5[%add3A_83, %dma_start3A_84] : memref<40x128xi32, #tpu.memory_space<vmem>> -> memref<1x128xi32, #tpu.memory_space<vmem>>
      %dma_start3A_86 = tpu.memref_squeeze %dma_start3A_85 : memref<1x128xi32, #tpu.memory_space<vmem>> -> memref<128xi32, #tpu.memory_space<vmem>>
      %dma_start3A_87 = arith.constant 0 : i32
      %dma_start3A_88 = arith.constant 0 : i32
      %dma_start3A_89 = tpu.memref_slice %arg2[%dma_start3A_87, %dma_start3A_88] : memref<10240x128xf32, #tpu.memory_space<hbm>> -> memref<10240x128xf32, #tpu.memory_space<hbm>>
      tpu.enqueue_indirect_dma source(%dma_start3A_89 : memref<10240x128xf32, #tpu.memory_space<hbm>>) target(%arg8 : memref<128x128xf32, #tpu.memory_space<vmem>>) offsets(%dma_start3A_86 : memref<128xi32, #tpu.memory_space<vmem>>) semaphore(%arg11 : memref<!tpu.dma_semaphore, #tpu.memory_space<semaphore_mem>>)
      "tpu.region"() ({
        %run_scoped3A_116 = tpu.sem_alloc : memref<!tpu.dma_semaphore, #tpu.memory_space<semaphore_mem>>
        %dma_start3A_117 = arith.constant 0 : i32
        %dma_start3A_118 = tpu.memref_slice %arg6[%mul3A_81, %dma_start3A_117] : memref<40x128xi32, #tpu.memory_space<vmem>> -> memref<1x128xi32, #tpu.memory_space<vmem>>
        %dma_start3A_119 = tpu.memref_squeeze %dma_start3A_118 : memref<1x128xi32, #tpu.memory_space<vmem>> -> memref<128xi32, #tpu.memory_space<vmem>>
        %dma_start3A_120 = arith.constant 0 : i32
        %dma_start3A_121 = arith.constant 0 : i32
        %dma_start3A_122 = tpu.memref_slice %arg9[%dma_start3A_120, %dma_start3A_121] : memref<10240x128xf32, #tpu.memory_space<vmem_shared>> -> memref<10240x128xf32, #tpu.memory_space<vmem_shared>>
        tpu.enqueue_indirect_dma source(%arg7 : memref<128x128xf32, #tpu.memory_space<vmem>>) target(%dma_start3A_122 : memref<10240x128xf32, #tpu.memory_space<vmem_shared>>) offsets(%dma_start3A_119 : memref<128xi32, #tpu.memory_space<vmem>>) semaphore(%run_scoped3A_116 : memref<!tpu.dma_semaphore, #tpu.memory_space<semaphore_mem>>) {add = true}
        %dma_wait3A_123 = arith.constant 0 : i32
        %dma_wait3A_124 = tpu.memref_slice %arg6[%mul3A_81, %dma_wait3A_123] : memref<40x128xi32, #tpu.memory_space<vmem>> -> memref<1x128xi32, #tpu.memory_space<vmem>>
        %dma_wait3A_125 = tpu.memref_squeeze %dma_wait3A_124 : memref<1x128xi32, #tpu.memory_space<vmem>> -> memref<128xi32, #tpu.memory_space<vmem>>
        %dma_wait3A_126 = arith.constant 0 : i32
        %dma_wait3A_127 = arith.constant 0 : i32
        %dma_wait3A_128 = tpu.memref_slice %arg9[%dma_wait3A_126, %dma_wait3A_127] : memref<10240x128xf32, #tpu.memory_space<vmem_shared>> -> memref<10240x128xf32, #tpu.memory_space<vmem_shared>>
        tpu.wait_indirect_dma semaphore(%run_scoped3A_116 : memref<!tpu.dma_semaphore, #tpu.memory_space<semaphore_mem>>) src(%arg7 : memref<128x128xf32, #tpu.memory_space<vmem>>) dst(%dma_wait3A_128 : memref<10240x128xf32, #tpu.memory_space<vmem_shared>>)
        tpu.yield
      }) : () -> ()
      %add3A_90 = arith.constant 1 : i32
      %add3A_91 = arith.addi %mul3A_81, %add3A_90 : i32
      %dma_wait3A_92 = arith.constant 0 : i32
      %dma_wait3A_93 = tpu.memref_slice %arg5[%add3A_91, %dma_wait3A_92] : memref<40x128xi32, #tpu.memory_space<vmem>> -> memref<1x128xi32, #tpu.memory_space<vmem>>
      %dma_wait3A_94 = tpu.memref_squeeze %dma_wait3A_93 : memref<1x128xi32, #tpu.memory_space<vmem>> -> memref<128xi32, #tpu.memory_space<vmem>>
      %dma_wait3A_95 = arith.constant 0 : i32
      %dma_wait3A_96 = arith.constant 0 : i32
      %dma_wait3A_97 = tpu.memref_slice %arg2[%dma_wait3A_95, %dma_wait3A_96] : memref<10240x128xf32, #tpu.memory_space<hbm>> -> memref<10240x128xf32, #tpu.memory_space<hbm>>
      tpu.wait_indirect_dma semaphore(%arg11 : memref<!tpu.dma_semaphore, #tpu.memory_space<semaphore_mem>>) src(%dma_wait3A_97 : memref<10240x128xf32, #tpu.memory_space<hbm>>) dst(%arg8 : memref<128x128xf32, #tpu.memory_space<vmem>>)
      %add3A_98 = arith.constant 2 : i32
      %add3A_99 = arith.addi %mul3A_81, %add3A_98 : i32
      %dma_start3A_100 = arith.constant 0 : i32
      %dma_start3A_101 = tpu.memref_slice %arg5[%add3A_99, %dma_start3A_100] : memref<40x128xi32, #tpu.memory_space<vmem>> -> memref<1x128xi32, #tpu.memory_space<vmem>>
      %dma_start3A_102 = tpu.memref_squeeze %dma_start3A_101 : memref<1x128xi32, #tpu.memory_space<vmem>> -> memref<128xi32, #tpu.memory_space<vmem>>
      %dma_start3A_103 = arith.constant 0 : i32
      %dma_start3A_104 = arith.constant 0 : i32
      %dma_start3A_105 = tpu.memref_slice %arg2[%dma_start3A_103, %dma_start3A_104] : memref<10240x128xf32, #tpu.memory_space<hbm>> -> memref<10240x128xf32, #tpu.memory_space<hbm>>
      tpu.enqueue_indirect_dma source(%dma_start3A_105 : memref<10240x128xf32, #tpu.memory_space<hbm>>) target(%arg7 : memref<128x128xf32, #tpu.memory_space<vmem>>) offsets(%dma_start3A_102 : memref<128xi32, #tpu.memory_space<vmem>>) semaphore(%arg10 : memref<!tpu.dma_semaphore, #tpu.memory_space<semaphore_mem>>)
      %add3A_106 = arith.constant 1 : i32
      %add3A_107 = arith.addi %mul3A_81, %add3A_106 : i32
      "tpu.region"() ({
        %run_scoped3A_116 = tpu.sem_alloc : memref<!tpu.dma_semaphore, #tpu.memory_space<semaphore_mem>>
        %dma_start3A_117 = arith.constant 0 : i32
        %dma_start3A_118 = tpu.memref_slice %arg6[%add3A_107, %dma_start3A_117] : memref<40x128xi32, #tpu.memory_space<vmem>> -> memref<1x128xi32, #tpu.memory_space<vmem>>
        %dma_start3A_119 = tpu.memref_squeeze %dma_start3A_118 : memref<1x128xi32, #tpu.memory_space<vmem>> -> memref<128xi32, #tpu.memory_space<vmem>>
        %dma_start3A_120 = arith.constant 0 : i32
        %dma_start3A_121 = arith.constant 0 : i32
        %dma_start3A_122 = tpu.memref_slice %arg9[%dma_start3A_120, %dma_start3A_121] : memref<10240x128xf32, #tpu.memory_space<vmem_shared>> -> memref<10240x128xf32, #tpu.memory_space<vmem_shared>>
        tpu.enqueue_indirect_dma source(%arg8 : memref<128x128xf32, #tpu.memory_space<vmem>>) target(%dma_start3A_122 : memref<10240x128xf32, #tpu.memory_space<vmem_shared>>) offsets(%dma_start3A_119 : memref<128xi32, #tpu.memory_space<vmem>>) semaphore(%run_scoped3A_116 : memref<!tpu.dma_semaphore, #tpu.memory_space<semaphore_mem>>) {add = true}
        %dma_wait3A_123 = arith.constant 0 : i32
        %dma_wait3A_124 = tpu.memref_slice %arg6[%add3A_107, %dma_wait3A_123] : memref<40x128xi32, #tpu.memory_space<vmem>> -> memref<1x128xi32, #tpu.memory_space<vmem>>
        %dma_wait3A_125 = tpu.memref_squeeze %dma_wait3A_124 : memref<1x128xi32, #tpu.memory_space<vmem>> -> memref<128xi32, #tpu.memory_space<vmem>>
        %dma_wait3A_126 = arith.constant 0 : i32
        %dma_wait3A_127 = arith.constant 0 : i32
        %dma_wait3A_128 = tpu.memref_slice %arg9[%dma_wait3A_126, %dma_wait3A_127] : memref<10240x128xf32, #tpu.memory_space<vmem_shared>> -> memref<10240x128xf32, #tpu.memory_space<vmem_shared>>
        tpu.wait_indirect_dma semaphore(%run_scoped3A_116 : memref<!tpu.dma_semaphore, #tpu.memory_space<semaphore_mem>>) src(%arg8 : memref<128x128xf32, #tpu.memory_space<vmem>>) dst(%dma_wait3A_128 : memref<10240x128xf32, #tpu.memory_space<vmem_shared>>)
        tpu.yield
      }) : () -> ()
      %add3A_108 = arith.constant 2 : i32
      %add3A_109 = arith.addi %mul3A_81, %add3A_108 : i32
      %dma_wait3A_110 = arith.constant 0 : i32
      %dma_wait3A_111 = tpu.memref_slice %arg5[%add3A_109, %dma_wait3A_110] : memref<40x128xi32, #tpu.memory_space<vmem>> -> memref<1x128xi32, #tpu.memory_space<vmem>>
      %dma_wait3A_112 = tpu.memref_squeeze %dma_wait3A_111 : memref<1x128xi32, #tpu.memory_space<vmem>> -> memref<128xi32, #tpu.memory_space<vmem>>
      %dma_wait3A_113 = arith.constant 0 : i32
      %dma_wait3A_114 = arith.constant 0 : i32
      %dma_wait3A_115 = tpu.memref_slice %arg2[%dma_wait3A_113, %dma_wait3A_114] : memref<10240x128xf32, #tpu.memory_space<hbm>> -> memref<10240x128xf32, #tpu.memory_space<hbm>>
      tpu.wait_indirect_dma semaphore(%arg10 : memref<!tpu.dma_semaphore, #tpu.memory_space<semaphore_mem>>) src(%dma_wait3A_115 : memref<10240x128xf32, #tpu.memory_space<hbm>>) dst(%arg7 : memref<128x128xf32, #tpu.memory_space<vmem>>)
    }
    %scan3A_57 = arith.constant 19 : i32
    %dma_start3A_58 = arith.constant 39 : i32
    %dma_start3A_59 = arith.constant 0 : i32
    %dma_start3A_60 = tpu.memref_slice %arg5[%dma_start3A_58, %dma_start3A_59] : memref<40x128xi32, #tpu.memory_space<vmem>> -> memref<1x128xi32, #tpu.memory_space<vmem>>
    %dma_start3A_61 = tpu.memref_squeeze %dma_start3A_60 : memref<1x128xi32, #tpu.memory_space<vmem>> -> memref<128xi32, #tpu.memory_space<vmem>>
    %dma_start3A_62 = arith.constant 0 : i32
    %dma_start3A_63 = arith.constant 0 : i32
    %dma_start3A_64 = tpu.memref_slice %arg2[%dma_start3A_62, %dma_start3A_63] : memref<10240x128xf32, #tpu.memory_space<hbm>> -> memref<10240x128xf32, #tpu.memory_space<hbm>>
    tpu.enqueue_indirect_dma source(%dma_start3A_64 : memref<10240x128xf32, #tpu.memory_space<hbm>>) target(%arg8 : memref<128x128xf32, #tpu.memory_space<vmem>>) offsets(%dma_start3A_61 : memref<128xi32, #tpu.memory_space<vmem>>) semaphore(%arg11 : memref<!tpu.dma_semaphore, #tpu.memory_space<semaphore_mem>>)
    %run_scoped3A_65 = arith.constant 38 : i32
    "tpu.region"() ({
      %run_scoped3A_79 = tpu.sem_alloc : memref<!tpu.dma_semaphore, #tpu.memory_space<semaphore_mem>>
      %dma_start3A_80 = arith.constant 0 : i32
      %dma_start3A_81 = tpu.memref_slice %arg6[%run_scoped3A_65, %dma_start3A_80] : memref<40x128xi32, #tpu.memory_space<vmem>> -> memref<1x128xi32, #tpu.memory_space<vmem>>
      %dma_start3A_82 = tpu.memref_squeeze %dma_start3A_81 : memref<1x128xi32, #tpu.memory_space<vmem>> -> memref<128xi32, #tpu.memory_space<vmem>>
      %dma_start3A_83 = arith.constant 0 : i32
      %dma_start3A_84 = arith.constant 0 : i32
      %dma_start3A_85 = tpu.memref_slice %arg9[%dma_start3A_83, %dma_start3A_84] : memref<10240x128xf32, #tpu.memory_space<vmem_shared>> -> memref<10240x128xf32, #tpu.memory_space<vmem_shared>>
      tpu.enqueue_indirect_dma source(%arg7 : memref<128x128xf32, #tpu.memory_space<vmem>>) target(%dma_start3A_85 : memref<10240x128xf32, #tpu.memory_space<vmem_shared>>) offsets(%dma_start3A_82 : memref<128xi32, #tpu.memory_space<vmem>>) semaphore(%run_scoped3A_79 : memref<!tpu.dma_semaphore, #tpu.memory_space<semaphore_mem>>) {add = true}
      %dma_wait3A_86 = arith.constant 0 : i32
      %dma_wait3A_87 = tpu.memref_slice %arg6[%run_scoped3A_65, %dma_wait3A_86] : memref<40x128xi32, #tpu.memory_space<vmem>> -> memref<1x128xi32, #tpu.memory_space<vmem>>
      %dma_wait3A_88 = tpu.memref_squeeze %dma_wait3A_87 : memref<1x128xi32, #tpu.memory_space<vmem>> -> memref<128xi32, #tpu.memory_space<vmem>>
      %dma_wait3A_89 = arith.constant 0 : i32
      %dma_wait3A_90 = arith.constant 0 : i32
      %dma_wait3A_91 = tpu.memref_slice %arg9[%dma_wait3A_89, %dma_wait3A_90] : memref<10240x128xf32, #tpu.memory_space<vmem_shared>> -> memref<10240x128xf32, #tpu.memory_space<vmem_shared>>
      tpu.wait_indirect_dma semaphore(%run_scoped3A_79 : memref<!tpu.dma_semaphore, #tpu.memory_space<semaphore_mem>>) src(%arg7 : memref<128x128xf32, #tpu.memory_space<vmem>>) dst(%dma_wait3A_91 : memref<10240x128xf32, #tpu.memory_space<vmem_shared>>)
      tpu.yield
    }) : () -> ()
    %dma_wait3A_66 = arith.constant 39 : i32
    %dma_wait3A_67 = arith.constant 0 : i32
    %dma_wait3A_68 = tpu.memref_slice %arg5[%dma_wait3A_66, %dma_wait3A_67] : memref<40x128xi32, #tpu.memory_space<vmem>> -> memref<1x128xi32, #tpu.memory_space<vmem>>
    %dma_wait3A_69 = tpu.memref_squeeze %dma_wait3A_68 : memref<1x128xi32, #tpu.memory_space<vmem>> -> memref<128xi32, #tpu.memory_space<vmem>>
    %dma_wait3A_70 = arith.constant 0 : i32
    %dma_wait3A_71 = arith.constant 0 : i32
    %dma_wait3A_72 = tpu.memref_slice %arg2[%dma_wait3A_70, %dma_wait3A_71] : memref<10240x128xf32, #tpu.memory_space<hbm>> -> memref<10240x128xf32, #tpu.memory_space<hbm>>
    tpu.wait_indirect_dma semaphore(%arg11 : memref<!tpu.dma_semaphore, #tpu.memory_space<semaphore_mem>>) src(%dma_wait3A_72 : memref<10240x128xf32, #tpu.memory_space<hbm>>) dst(%arg8 : memref<128x128xf32, #tpu.memory_space<vmem>>)
    %run_scoped3A_73 = arith.constant 39 : i32
    "tpu.region"() ({
      %run_scoped3A_79 = tpu.sem_alloc : memref<!tpu.dma_semaphore, #tpu.memory_space<semaphore_mem>>
      %dma_start3A_80 = arith.constant 0 : i32
      %dma_start3A_81 = tpu.memref_slice %arg6[%run_scoped3A_73, %dma_start3A_80] : memref<40x128xi32, #tpu.memory_space<vmem>> -> memref<1x128xi32, #tpu.memory_space<vmem>>
      %dma_start3A_82 = tpu.memref_squeeze %dma_start3A_81 : memref<1x128xi32, #tpu.memory_space<vmem>> -> memref<128xi32, #tpu.memory_space<vmem>>
      %dma_start3A_83 = arith.constant 0 : i32
      %dma_start3A_84 = arith.constant 0 : i32
      %dma_start3A_85 = tpu.memref_slice %arg9[%dma_start3A_83, %dma_start3A_84] : memref<10240x128xf32, #tpu.memory_space<vmem_shared>> -> memref<10240x128xf32, #tpu.memory_space<vmem_shared>>
      tpu.enqueue_indirect_dma source(%arg8 : memref<128x128xf32, #tpu.memory_space<vmem>>) target(%dma_start3A_85 : memref<10240x128xf32, #tpu.memory_space<vmem_shared>>) offsets(%dma_start3A_82 : memref<128xi32, #tpu.memory_space<vmem>>) semaphore(%run_scoped3A_79 : memref<!tpu.dma_semaphore, #tpu.memory_space<semaphore_mem>>) {add = true}
      %dma_wait3A_86 = arith.constant 0 : i32
      %dma_wait3A_87 = tpu.memref_slice %arg6[%run_scoped3A_73, %dma_wait3A_86] : memref<40x128xi32, #tpu.memory_space<vmem>> -> memref<1x128xi32, #tpu.memory_space<vmem>>
      %dma_wait3A_88 = tpu.memref_squeeze %dma_wait3A_87 : memref<1x128xi32, #tpu.memory_space<vmem>> -> memref<128xi32, #tpu.memory_space<vmem>>
      %dma_wait3A_89 = arith.constant 0 : i32
      %dma_wait3A_90 = arith.constant 0 : i32
      %dma_wait3A_91 = tpu.memref_slice %arg9[%dma_wait3A_89, %dma_wait3A_90] : memref<10240x128xf32, #tpu.memory_space<vmem_shared>> -> memref<10240x128xf32, #tpu.memory_space<vmem_shared>>
      tpu.wait_indirect_dma semaphore(%run_scoped3A_79 : memref<!tpu.dma_semaphore, #tpu.memory_space<semaphore_mem>>) src(%arg8 : memref<128x128xf32, #tpu.memory_space<vmem>>) dst(%dma_wait3A_91 : memref<10240x128xf32, #tpu.memory_space<vmem_shared>>)
      tpu.yield
    }) : () -> ()
    %barrier3A_74 = arith.constant 0 : index
    tpu.barrier barrier_id(%barrier3A_74)
    %mul3A_75 = arith.constant 640 : i32
    %mul3A_76 = arith.muli %arg1, %mul3A_75 : i32
    %mul3A_77 = arith.constant 640 : i32
    %mul3A_78 = arith.muli %arg1, %mul3A_77 : i32
    "tpu.region"() ({
      %run_scoped3A_79 = tpu.sem_alloc : memref<!tpu.dma_semaphore, #tpu.memory_space<semaphore_mem>>
      %dma_start3A_80 = arith.constant 0 : i32
      %dma_start3A_81 = tpu.memref_slice %arg4[%arg0, %mul3A_78, %dma_start3A_80] : memref<2x10240x128xf32, #tpu.memory_space<hbm>> -> memref<1x640x128xf32, #tpu.memory_space<hbm>>
      %dma_start3A_82 = tpu.memref_squeeze %dma_start3A_81 : memref<1x640x128xf32, #tpu.memory_space<hbm>> -> memref<640x128xf32, #tpu.memory_space<hbm>>
      %dma_start3A_83 = arith.constant 0 : i32
      %dma_start3A_84 = tpu.memref_slice %arg9[%mul3A_76, %dma_start3A_83] : memref<10240x128xf32, #tpu.memory_space<vmem_shared>> -> memref<640x128xf32, #tpu.memory_space<vmem_shared>>
      tpu.enqueue_dma source(%dma_start3A_84 : memref<640x128xf32, #tpu.memory_space<vmem_shared>>) target(%dma_start3A_82 : memref<640x128xf32, #tpu.memory_space<hbm>>) target_semaphore(%run_scoped3A_79 : memref<!tpu.dma_semaphore, #tpu.memory_space<semaphore_mem>>)
      %dma_wait3A_85 = arith.constant 0 : i32
      %dma_wait3A_86 = tpu.memref_slice %arg4[%arg0, %mul3A_78, %dma_wait3A_85] : memref<2x10240x128xf32, #tpu.memory_space<hbm>> -> memref<1x640x128xf32, #tpu.memory_space<hbm>>
      %dma_wait3A_87 = tpu.memref_squeeze %dma_wait3A_86 : memref<1x640x128xf32, #tpu.memory_space<hbm>> -> memref<640x128xf32, #tpu.memory_space<hbm>>
      %dma_wait3A_88 = arith.constant 0 : i32
      %dma_wait3A_89 = tpu.memref_slice %arg9[%mul3A_76, %dma_wait3A_88] : memref<10240x128xf32, #tpu.memory_space<vmem_shared>> -> memref<640x128xf32, #tpu.memory_space<vmem_shared>>
      tpu.wait_dma2 semaphore(%run_scoped3A_79 : memref<!tpu.dma_semaphore, #tpu.memory_space<semaphore_mem>>) src(%dma_wait3A_89 : memref<640x128xf32, #tpu.memory_space<vmem_shared>>) dst(%dma_wait3A_87 : memref<640x128xf32, #tpu.memory_space<hbm>>)
      tpu.yield
    }) : () -> ()
    return
  }
}

module attributes {stable_mosaic.version = 14 : i64} {
  func.func @_scale1_body(%arg0: i32, %arg1: memref<2x1280x128xf32, #tpu.memory_space<vmem>>, %arg2: memref<1280x128xf32, #tpu.memory_space<vmem>>, %arg3: memref<1280x128xf32, #tpu.memory_space<vmem>>, %arg4: memref<1280x16xf32, #tpu.memory_space<vmem>>) attributes {dimension_semantics = [#tpu.dimension_semantics<arbitrary>], iteration_bounds = array<i64: 8>, scalar_prefetch = 0 : i64, scratch_operands = 0 : i64, tpu.core_type = #tpu.core_type<tc>, window_params = [{transform_indices = @transform_0, window_bounds = array<i64: 2, 1280, 128>}, {transform_indices = @transform_1, window_bounds = array<i64: 1280, 128>}, {transform_indices = @transform_2, window_bounds = array<i64: 1280, 128>}, {transform_indices = @transform_3, window_bounds = array<i64: 1280, 16>}]} {
    %get3A = arith.constant 0 : index
    %get3A_0 = arith.constant 0 : index
    %get3A_1 = arith.constant 0 : index
    %get3A_2 = vector.load %arg1[%get3A, %get3A_0, %get3A_1] : memref<2x1280x128xf32, #tpu.memory_space<vmem>>, vector<1x1280x1xf32>
    %get3A_3 = vector.shape_cast %get3A_2 : vector<1x1280x1xf32> to vector<1280x1xf32>
    %get3A_4 = arith.constant 1 : index
    %get3A_5 = arith.constant 0 : index
    %get3A_6 = arith.constant 0 : index
    %get3A_7 = vector.load %arg1[%get3A_4, %get3A_5, %get3A_6] : memref<2x1280x128xf32, #tpu.memory_space<vmem>>, vector<1x1280x1xf32>
    %get3A_8 = vector.shape_cast %get3A_7 : vector<1x1280x1xf32> to vector<1280x1xf32>
    %add3A = arith.addf %get3A_3, %get3A_8 : vector<1280x1xf32>
    %add3A_9 = arith.constant 1.000000e+00 : f32
    %add3A_10 = vector.broadcast %add3A_9 : f32 to vector<1280x1xf32>
    %add3A_11 = arith.addf %add3A, %add3A_10 : vector<1280x1xf32>
    %iota3A = tpu.iota {dimensions = array<i32: 0>} : vector<1280x1xi32>
    %mul3A = arith.constant 1280 : i32
    %mul3A_12 = arith.muli %arg0, %mul3A : i32
    %add3A_13 = vector.broadcast %mul3A_12 : i32 to vector<1280x1xi32>
    %add3A_14 = arith.addi %iota3A, %add3A_13 : vector<1280x1xi32>
    %lt3A = arith.constant 10000 : i32
    %lt3A_15 = vector.broadcast %lt3A : i32 to vector<1280x1xi32>
    %lt3A_16 = arith.cmpi slt, %add3A_14, %lt3A_15 : vector<1280x1xi32>
    %rsqrt3A = math.rsqrt %add3A_11 : vector<1280x1xf32>
    %jit3A = arith.constant 0.000000e+00 : f32
    %broadcast_in_dim3A = vector.broadcast %jit3A : f32 to vector<1280x1xf32>
    %select_n3A = arith.select %lt3A_16, %rsqrt3A, %broadcast_in_dim3A : vector<1280x1xi1>, vector<1280x1xf32>
    %broadcast_in_dim3A_17 = vector.shape_cast %select_n3A : vector<1280x1xf32> to vector<1280x1xf32>
    %broadcast_in_dim3A_18 = vector.broadcast %broadcast_in_dim3A_17 : vector<1280x1xf32> to vector<1280x16xf32>
    %swap3A = arith.constant 0 : index
    %swap3A_19 = arith.constant 0 : index
    %swap3A_20 = vector.load %arg4[%swap3A, %swap3A_19] : memref<1280x16xf32, #tpu.memory_space<vmem>>, vector<1280x16xf32>
    tpu.vector_store %arg4[%swap3A, %swap3A_19], %broadcast_in_dim3A_18 {strides = array<i32>} : memref<1280x16xf32, #tpu.memory_space<vmem>>, vector<1280x16xf32>,
    %lt3A_21 = arith.constant 10000 : i32
    %lt3A_22 = vector.broadcast %lt3A_21 : i32 to vector<1280x1xi32>
    %lt3A_23 = arith.cmpi slt, %add3A_14, %lt3A_22 : vector<1280x1xi32>
    %get3A_24 = arith.constant 0 : index
    %get3A_25 = arith.constant 0 : index
    %get3A_26 = vector.load %arg2[%get3A_24, %get3A_25] : memref<1280x128xf32, #tpu.memory_space<vmem>>, vector<1280x128xf32>
    %mul3A_27 = vector.broadcast %select_n3A : vector<1280x1xf32> to vector<1280x128xf32>
    %mul3A_28 = arith.mulf %mul3A_27, %get3A_26 : vector<1280x128xf32>
    %jit3A_29 = arith.constant 0.000000e+00 : f32
    %broadcast_in_dim3A_30 = vector.shape_cast %lt3A_23 : vector<1280x1xi1> to vector<1280x1xi1>
    %broadcast_in_dim3A_31 = vector.broadcast %broadcast_in_dim3A_30 : vector<1280x1xi1> to vector<1280x128xi1>
    %broadcast_in_dim3A_32 = vector.broadcast %jit3A_29 : f32 to vector<1280x128xf32>
    %select_n3A_33 = arith.select %broadcast_in_dim3A_31, %mul3A_28, %broadcast_in_dim3A_32 : vector<1280x128xi1>, vector<1280x128xf32>
    %swap3A_34 = arith.constant 0 : index
    %swap3A_35 = arith.constant 0 : index
    %swap3A_36 = vector.load %arg3[%swap3A_34, %swap3A_35] : memref<1280x128xf32, #tpu.memory_space<vmem>>, vector<1280x128xf32>
    tpu.vector_store %arg3[%swap3A_34, %swap3A_35], %select_n3A_33 {strides = array<i32>} : memref<1280x128xf32, #tpu.memory_space<vmem>>, vector<1280x128xf32>,
    return
  }
  func.func @transform_0(%arg0: i32) -> (i32, i32, i32) {
    %c0_i32 = arith.constant 0 : i32
    %c0_i32_0 = arith.constant 0 : i32
    %c0_i32_1 = arith.constant 0 : i32
    return %c0_i32, %arg0, %c0_i32_0 : i32, i32, i32
  }
  func.func @transform_1(%arg0: i32) -> (i32, i32) {
    %c0_i32 = arith.constant 0 : i32
    %c0_i32_0 = arith.constant 0 : i32
    return %arg0, %c0_i32 : i32, i32
  }
  func.func @transform_2(%arg0: i32) -> (i32, i32) {
    %c0_i32 = arith.constant 0 : i32
    %c0_i32_0 = arith.constant 0 : i32
    return %arg0, %c0_i32 : i32, i32
  }
  func.func @transform_3(%arg0: i32) -> (i32, i32) {
    %c0_i32 = arith.constant 0 : i32
    %c0_i32_0 = arith.constant 0 : i32
    return %arg0, %c0_i32 : i32, i32
  }
}

module attributes {stable_mosaic.version = 14 : i64} {
  func.func @_scale2_body(%arg0: i32, %arg1: memref<2x1280x128xf32, #tpu.memory_space<vmem>>, %arg2: memref<1280x128xf32, #tpu.memory_space<vmem>>, %arg3: memref<1280x16xf32, #tpu.memory_space<vmem>>, %arg4: memref<1280x128xf32, #tpu.memory_space<vmem>>) attributes {dimension_semantics = [#tpu.dimension_semantics<arbitrary>], iteration_bounds = array<i64: 8>, scalar_prefetch = 0 : i64, scratch_operands = 0 : i64, tpu.core_type = #tpu.core_type<tc>, window_params = [{transform_indices = @transform_0, window_bounds = array<i64: 2, 1280, 128>}, {transform_indices = @transform_1, window_bounds = array<i64: 1280, 128>}, {transform_indices = @transform_2, window_bounds = array<i64: 1280, 16>}, {transform_indices = @transform_3, window_bounds = array<i64: 1280, 128>}]} {
    %get3A = arith.constant 0 : index
    %get3A_0 = arith.constant 0 : index
    %get3A_1 = vector.load %arg3[%get3A, %get3A_0] : memref<1280x16xf32, #tpu.memory_space<vmem>>, vector<1280x1xf32>
    %mul3A = arith.mulf %get3A_1, %get3A_1 : vector<1280x1xf32>
    %get3A_2 = arith.constant 0 : index
    %get3A_3 = arith.constant 0 : index
    %get3A_4 = arith.constant 0 : index
    %get3A_5 = vector.load %arg1[%get3A_2, %get3A_3, %get3A_4] : memref<2x1280x128xf32, #tpu.memory_space<vmem>>, vector<1x1280x128xf32>
    %get3A_6 = vector.shape_cast %get3A_5 : vector<1x1280x128xf32> to vector<1280x128xf32>
    %get3A_7 = arith.constant 1 : index
    %get3A_8 = arith.constant 0 : index
    %get3A_9 = arith.constant 0 : index
    %get3A_10 = vector.load %arg1[%get3A_7, %get3A_8, %get3A_9] : memref<2x1280x128xf32, #tpu.memory_space<vmem>>, vector<1x1280x128xf32>
    %get3A_11 = vector.shape_cast %get3A_10 : vector<1x1280x128xf32> to vector<1280x128xf32>
    %add3A = arith.addf %get3A_6, %get3A_11 : vector<1280x128xf32>
    %get3A_12 = arith.constant 0 : index
    %get3A_13 = arith.constant 0 : index
    %get3A_14 = vector.load %arg2[%get3A_12, %get3A_13] : memref<1280x128xf32, #tpu.memory_space<vmem>>, vector<1280x128xf32>
    %add3A_15 = arith.addf %add3A, %get3A_14 : vector<1280x128xf32>
    %mul3A_16 = vector.broadcast %mul3A : vector<1280x1xf32> to vector<1280x128xf32>
    %mul3A_17 = arith.mulf %mul3A_16, %add3A_15 : vector<1280x128xf32>
    %swap3A = arith.constant 0 : index
    %swap3A_18 = arith.constant 0 : index
    %swap3A_19 = vector.load %arg4[%swap3A, %swap3A_18] : memref<1280x128xf32, #tpu.memory_space<vmem>>, vector<1280x128xf32>
    tpu.vector_store %arg4[%swap3A, %swap3A_18], %mul3A_17 {strides = array<i32>} : memref<1280x128xf32, #tpu.memory_space<vmem>>, vector<1280x128xf32>,
    return
  }
  func.func @transform_0(%arg0: i32) -> (i32, i32, i32) {
    %c0_i32 = arith.constant 0 : i32
    %c0_i32_0 = arith.constant 0 : i32
    %c0_i32_1 = arith.constant 0 : i32
    return %c0_i32, %arg0, %c0_i32_0 : i32, i32, i32
  }
  func.func @transform_1(%arg0: i32) -> (i32, i32) {
    %c0_i32 = arith.constant 0 : i32
    %c0_i32_0 = arith.constant 0 : i32
    return %arg0, %c0_i32 : i32, i32
  }
  func.func @transform_2(%arg0: i32) -> (i32, i32) {
    %c0_i32 = arith.constant 0 : i32
    %c0_i32_0 = arith.constant 0 : i32
    return %arg0, %c0_i32 : i32, i32
  }
  func.func @transform_3(%arg0: i32) -> (i32, i32) {
    %c0_i32 = arith.constant 0 : i32
    %c0_i32_0 = arith.constant 0 : i32
    return %arg0, %c0_i32 : i32, i32
  }
}

module attributes {stable_mosaic.version = 14 : i64} {
  func.func @_final_body(%arg0: i32, %arg1: memref<2x1000x128xf32, #tpu.memory_space<vmem>>, %arg2: memref<1000x128xf32, #tpu.memory_space<vmem>>, %arg3: memref<1000x16xf32, #tpu.memory_space<vmem>>, %arg4: memref<128x128xf32, #tpu.memory_space<vmem>>, %arg5: memref<1x128xf32, #tpu.memory_space<vmem>>, %arg6: memref<1000x128xf32, #tpu.memory_space<vmem>>) attributes {dimension_semantics = [#tpu.dimension_semantics<arbitrary>], iteration_bounds = array<i64: 10>, scalar_prefetch = 0 : i64, scratch_operands = 0 : i64, tpu.core_type = #tpu.core_type<tc>, window_params = [{transform_indices = @transform_0, window_bounds = array<i64: 2, 1000, 128>}, {transform_indices = @transform_1, window_bounds = array<i64: 1000, 128>}, {transform_indices = @transform_2, window_bounds = array<i64: 1000, 16>}, {pipeline_mode = #tpu.pipeline_mode<synchronous>, transform_indices = @transform_3, window_bounds = array<i64: 128, 128>}, {pipeline_mode = #tpu.pipeline_mode<synchronous>, transform_indices = @transform_4, window_bounds = array<i64: 1, 128>}, {transform_indices = @transform_5, window_bounds = array<i64: 1000, 128>}]} {
    %get3A = arith.constant 0 : index
    %get3A_0 = arith.constant 0 : index
    %get3A_1 = vector.load %arg3[%get3A, %get3A_0] : memref<1000x16xf32, #tpu.memory_space<vmem>>, vector<1000x1xf32>
    %get3A_2 = arith.constant 0 : index
    %get3A_3 = arith.constant 0 : index
    %get3A_4 = arith.constant 0 : index
    %get3A_5 = vector.load %arg1[%get3A_2, %get3A_3, %get3A_4] : memref<2x1000x128xf32, #tpu.memory_space<vmem>>, vector<1x1000x128xf32>
    %get3A_6 = vector.shape_cast %get3A_5 : vector<1x1000x128xf32> to vector<1000x128xf32>
    %get3A_7 = arith.constant 1 : index
    %get3A_8 = arith.constant 0 : index
    %get3A_9 = arith.constant 0 : index
    %get3A_10 = vector.load %arg1[%get3A_7, %get3A_8, %get3A_9] : memref<2x1000x128xf32, #tpu.memory_space<vmem>>, vector<1x1000x128xf32>
    %get3A_11 = vector.shape_cast %get3A_10 : vector<1x1000x128xf32> to vector<1000x128xf32>
    %add3A = arith.addf %get3A_6, %get3A_11 : vector<1000x128xf32>
    %get3A_12 = arith.constant 0 : index
    %get3A_13 = arith.constant 0 : index
    %get3A_14 = vector.load %arg2[%get3A_12, %get3A_13] : memref<1000x128xf32, #tpu.memory_space<vmem>>, vector<1000x128xf32>
    %add3A_15 = arith.addf %add3A, %get3A_14 : vector<1000x128xf32>
    %mul3A = vector.broadcast %get3A_1 : vector<1000x1xf32> to vector<1000x128xf32>
    %mul3A_16 = arith.mulf %mul3A, %add3A_15 : vector<1000x128xf32>
    %get3A_17 = arith.constant 0 : index
    %get3A_18 = arith.constant 0 : index
    %get3A_19 = vector.load %arg4[%get3A_17, %get3A_18] : memref<128x128xf32, #tpu.memory_space<vmem>>, vector<128x128xf32>
    %dot_general3A = arith.constant dense<0.000000e+00> : vector<1000x128xf32>
    %dot_general3A_20 = tpu.matmul %mul3A_16, %get3A_19, %dot_general3A {dimension_numbers = #tpu.dot_dimension_numbers<[1], [0], [0], [1], [0, 0, 1, 1], [], []>, transpose_lhs_hint = false} : vector<1000x128xf32>, vector<128x128xf32>, vector<1000x128xf32> -> vector<1000x128xf32>
    %get3A_21 = arith.constant 0 : index
    %get3A_22 = arith.constant 0 : index
    %get3A_23 = vector.load %arg5[%get3A_21, %get3A_22] : memref<1x128xf32, #tpu.memory_space<vmem>>, vector<1x128xf32>
    %add3A_24 = vector.broadcast %get3A_23 : vector<1x128xf32> to vector<1000x128xf32>
    %add3A_25 = arith.addf %dot_general3A_20, %add3A_24 : vector<1000x128xf32>
    %reduce_max3A = arith.constant dense<0xFF800000> : vector<1000xf32>
    %reduce_max3A_26 = vector.multi_reduction <maximumf>, %add3A_25, %reduce_max3A [1] : vector<1000x128xf32> to vector<1000xf32>
    %broadcast_in_dim3A = vector.shape_cast %reduce_max3A_26 : vector<1000xf32> to vector<1000x1xf32>
    %sub3A = vector.broadcast %broadcast_in_dim3A : vector<1000x1xf32> to vector<1000x128xf32>
    %sub3A_27 = arith.subf %add3A_25, %sub3A : vector<1000x128xf32>
    %exp3A = math.exp %sub3A_27 : vector<1000x128xf32>
    %reduce_sum3A = arith.constant dense<0.000000e+00> : vector<1000xf32>
    %reduce_sum3A_28 = vector.multi_reduction <add>, %exp3A, %reduce_sum3A [1] : vector<1000x128xf32> to vector<1000xf32>
    %broadcast_in_dim3A_29 = vector.shape_cast %reduce_sum3A_28 : vector<1000xf32> to vector<1000x1xf32>
    %log3A = math.log %broadcast_in_dim3A_29 : vector<1000x1xf32>
    %add3A_30 = arith.addf %log3A, %broadcast_in_dim3A : vector<1000x1xf32>
    %sub3A_31 = vector.broadcast %add3A_30 : vector<1000x1xf32> to vector<1000x128xf32>
    %sub3A_32 = arith.subf %add3A_25, %sub3A_31 : vector<1000x128xf32>
    %swap3A = arith.constant 0 : index
    %swap3A_33 = arith.constant 0 : index
    %swap3A_34 = vector.load %arg6[%swap3A, %swap3A_33] : memref<1000x128xf32, #tpu.memory_space<vmem>>, vector<1000x128xf32>
    tpu.vector_store %arg6[%swap3A, %swap3A_33], %sub3A_32 {strides = array<i32>} : memref<1000x128xf32, #tpu.memory_space<vmem>>, vector<1000x128xf32>,
    return
  }
  func.func @transform_0(%arg0: i32) -> (i32, i32, i32) {
    %c0_i32 = arith.constant 0 : i32
    %c0_i32_0 = arith.constant 0 : i32
    %c0_i32_1 = arith.constant 0 : i32
    return %c0_i32, %arg0, %c0_i32_0 : i32, i32, i32
  }
  func.func @transform_1(%arg0: i32) -> (i32, i32) {
    %c0_i32 = arith.constant 0 : i32
    %c0_i32_0 = arith.constant 0 : i32
    return %arg0, %c0_i32 : i32, i32
  }
  func.func @transform_2(%arg0: i32) -> (i32, i32) {
    %c0_i32 = arith.constant 0 : i32
    %c0_i32_0 = arith.constant 0 : i32
    return %arg0, %c0_i32 : i32, i32
  }
  func.func @transform_3(%arg0: i32) -> (i32, i32) {
    %c0_i32 = arith.constant 0 : i32
    %c0_i32_0 = arith.constant 0 : i32
    %c0_i32_1 = arith.constant 0 : i32
    return %c0_i32, %c0_i32_0 : i32, i32
  }
  func.func @transform_4(%arg0: i32) -> (i32, i32) {
    %c0_i32 = arith.constant 0 : i32
    %c0_i32_0 = arith.constant 0 : i32
    %c0_i32_1 = arith.constant 0 : i32
    return %c0_i32, %c0_i32_0 : i32, i32
  }
  func.func @transform_5(%arg0: i32) -> (i32, i32) {
    %c0_i32 = arith.constant 0 : i32
    %c0_i32_0 = arith.constant 0 : i32
    return %arg0, %c0_i32 : i32, i32
  }
}

</mosaic_0001>

<sc_bundles>
// kernel: kernel.11.cloned.1.call-start
scs
__scs_entry_jumppad:
0x0: {  	(pc) =	sbr.rel $0x88, $3  }
0x1: {  	(tag) =	ssettag $0x0;
	lr =	simm.s32 $0x1  }
0x2: {  	[smem:$0x3F9D] =	sst lr;
	_ =	strace $0xD0000000  }
0x3: {  	_ = 	snop  }
0x4: {  	_ = 	snop  }
0x5: {  	_ = 	snop  }
0x6: {  	_ = 	snop  }
0x7: {  	_ = 	snop  }
__scs_overlays_trampoline_lowered:
0x8: {  	[smem:$0x3FAC] =	sst s0  }
0x9: {  	[smem:$0x3FAD] =	sst s1  }
0xa: {  	[smem:$0x3FAE] =	sst s2  }
0xb: {  	[smem:$0x3FAF] =	sst s3  }
0xc: {  	[smem:$0x3FB0] =	sst s4  }
0xd: {  	[smem:$0x3FB1] =	sst s5  }
0xe: {  	[smem:$0x3FB2] =	sst s6  }
0xf: {  	[smem:$0x3FB3] =	sst s7  }
0x10: {  	[smem:$0x3FB4] =	sst s8  }
0x11: {  	[smem:$0x3FB5] =	sst s9;
	s0 =	simm.s32 @!p0 $0x0  }
0x12: {  	s1 =	sld [smem:$0x3F9B];
	s0 =	simm.s32 @p0 $0x1  }
0x13: {  	[smem:$0x3FB6] =	sst s0;
	s0 =	simm.s32 @!p1 $0x0  }
0x14: {  	s2 =	sld [smem:$0x3F9A];
	s0 =	simm.s32 @p1 $0x1  }
0x15: {  	[smem:$0x3FB7] =	sst s0;
	s0 =	simm.s32 @!p2 $0x0  }
0x16: {  	s3 =	sld [smem:$0x3FDB];
	s0 =	simm.s32 @p2 $0x1  }
0x17: {  	s4 =	simm.s32 $0x1BF5;
	[smem:$0x3FB9] =	sst s0  }
0x18: {  	s0 =	sld [smem:$0x3F9C];
	_ =	swait.ge [sflag:s4], $0x0  }
0x19: {  	s7 =	sld [smem:$0x3F9D]  }
0x1a: {  	s8 =	sadd.s32 $0xFFFFE003, lr  }
0x1b: {  	s9 =	sadd.s32 $0xFFFFFEF7, lr;
	s5 =	simm.s32 $0xFFFFFFFF;
	p2 =	slt.u32 s8, $0xFFFFF086  }
0x1c: {  	p1 =	slt.u32 s9, $0xF7A;
	s5 =	simm.s32 @!p2 $0x0  }
0x1d: {  	s5 =	simm.s32 @p1 $0x1;
	p0 =	seq.s32 s7, s2  }
0x1e: {  	s7 =	smul.u32 @!p0 $0xF7A, s2;
	p2 =	seq.s32 @!p0 s5, $0x0  }
0x1f: {  	s9 =	smul.u32 $0xF7A, s1;
	s8 =	simm.s32 @!p0 $0x1BF5;
	p2 =	por !p2, p0  }
0x20: {  	[sflag:s8] =	ssyncset.s32 @!p0 $0xFFFFF086;
	s6 =	sadd.s32 @!p0 s3, s7;
	s7 =	simm.s32 @!p0 $0x108  }
0x21: {  	s3 =	sadd.s32 s3, s9;
	s6 =	sadd.s32 @!p0 $0x88, s6;
	s7 =	simm.s32 @p2 $0x1082  }
0x22: {  	[simem:s7], [sflag:s8] =	dma.local @!p0 [hbm:s6], $0xF7A  }
0x23: {  	s9 =	sor.u32 $0xD0000000, s2;
	s6 =	simm.s32 $0x108;
	_ =	swait.ge @!p0 [sflag:s8], $0x0  }
0x24: {  	s3 =	sadd.s32 $0x88, s3;
	s6 =	simm.s32 @!p1 $0x1082;
	[sflag:s4] =	ssyncset.s32 $0xFFFFF086  }
0x25: {  	[simem:s6], [sflag:s4] =	dma.local [hbm:s3], $0xF7A  }
0x26: {  	[smem:$0x3F9D] =	sst s1;
	(tag) =	ssettag s2;
	_ =	strace s9  }
0x27: {  	s1 =	sld [smem:$0x3FAD]  }
0x28: {  	s2 =	sld [smem:$0x3FAE]  }
0x29: {  	s4 =	sld [smem:$0x3FB0]  }
0x2a: {  	p0 =	seq.s32 s5, $0x0;
	s5 =	sld [smem:$0x3FB1]  }
0x2b: {  	s6 =	sld [smem:$0x3FB2]  }
0x2c: {  	s7 =	sld [smem:$0x3FB3]  }
0x2d: {  	s3 =	simm.s32 $0x108;
	s8 =	sld [smem:$0x3FB4]  }
0x2e: {  	s3 =	simm.s32 @!p0 $0x1082;
	s9 =	sld [smem:$0x3FB5]  }
0x2f: {  	lr =	sadd.s32 s0, s3;
	s0 =	sld [smem:$0x3FAC]  }
0x30: {  	s3 =	sld [smem:$0x3FAF]  }
0x31: {  	[smem:$0x3FB8] =	sst s10  }
0x32: {  	s10 =	sld [smem:$0x3FB6];
	_ =	sdelay $0x3  }
0x33: {  	p0 =	seq.s32 s10, $0x1;
	s10 =	sld [smem:$0x3FB8];
	_ =	sdelay $0x3  }
0x34: {  	[smem:$0x3FB8] =	sst s10  }
0x35: {  	s10 =	sld [smem:$0x3FB7];
	_ =	sdelay $0x3  }
0x36: {  	p1 =	seq.s32 s10, $0x1;
	s10 =	sld [smem:$0x3FB8];
	_ =	sdelay $0x3  }
0x37: {  	[smem:$0x3FB8] =	sst s10  }
0x38: {  	s10 =	sld [smem:$0x3FB9]  }
0x39: {  	_ = 	snop;
	(pc) =	sbr.ind lr, $3  }
0x3a: {  	_ = 	snop  }
0x3b: {  	_ = 	snop  }
0x3c: {  	p2 =	seq.s32 s10, $0x1;
	s10 =	sld [smem:$0x3FB8]  }
0x3d: {  	_ =	shalt  }
0x3e: {  	_ =	shalt  }
0x3f: {  	_ =	shalt  }
0x40: {  	_ =	shalt  }
0x41: {  	_ =	shalt  }
0x42: {  	_ =	shalt  }
0x43: {  	_ =	shalt  }
0x44: {  	_ =	shalt  }
0x45: {  	_ =	shalt  }
0x46: {  	_ =	shalt  }
0x47: {  	_ =	shalt  }
0x48: {  	_ =	shalt  }
0x49: {  	_ =	shalt  }
0x4a: {  	_ =	shalt  }
0x4b: {  	_ =	shalt  }
0x4c: {  	_ =	shalt  }
0x4d: {  	_ =	shalt  }
0x4e: {  	_ =	shalt  }
0x4f: {  	_ =	shalt  }
0x50: {  	_ =	shalt  }
0x51: {  	_ =	shalt  }
0x52: {  	_ =	shalt  }
0x53: {  	_ =	shalt  }
0x54: {  	_ =	shalt  }
0x55: {  	_ =	shalt  }
0x56: {  	_ =	shalt  }
0x57: {  	_ =	shalt  }
0x58: {  	_ =	shalt  }
0x59: {  	_ =	shalt  }
0x5a: {  	_ =	shalt  }
0x5b: {  	_ =	shalt  }
0x5c: {  	_ =	shalt  }
0x5d: {  	_ =	shalt  }
0x5e: {  	_ =	shalt  }
0x5f: {  	_ =	shalt  }
0x60: {  	_ =	shalt  }
0x61: {  	_ =	shalt  }
0x62: {  	_ =	shalt  }
0x63: {  	_ =	shalt  }
0x64: {  	_ =	shalt  }
0x65: {  	_ =	shalt  }
0x66: {  	_ =	shalt  }
0x67: {  	_ =	shalt  }
0x68: {  	_ =	shalt  }
0x69: {  	_ =	shalt  }
0x6a: {  	_ =	shalt  }
0x6b: {  	_ =	shalt  }
0x6c: {  	_ =	shalt  }
0x6d: {  	_ =	shalt  }
0x6e: {  	_ =	shalt  }
0x6f: {  	_ =	shalt  }
0x70: {  	_ =	shalt  }
0x71: {  	_ =	shalt  }
0x72: {  	_ =	shalt  }
0x73: {  	_ =	shalt  }
0x74: {  	_ =	shalt  }
0x75: {  	_ =	shalt  }
0x76: {  	_ =	shalt  }
0x77: {  	_ =	shalt  }
0x78: {  	_ =	shalt  }
0x79: {  	_ =	shalt  }
0x7a: {  	_ =	shalt  }
0x7b: {  	_ =	shalt  }
0x7c: {  	_ =	shalt  }
0x7d: {  	_ =	shalt  }
0x7e: {  	_ =	shalt  }
0x7f: {  	_ =	shalt  }
0x80: {  	_ =	shalt  }
0x81: {  	_ =	shalt  }
0x82: {  	_ =	shalt  }
0x83: {  	_ =	shalt  }
0x84: {  	_ =	shalt  }
0x85: {  	_ =	shalt  }
0x86: {  	_ =	shalt  }
0x87: {  	_ =	shalt  }
.Lfunc_end0:
.L_simem_size_0:
called_computation.1_lowered:
.L_overlay_start_0:
0x88: {  	s2 =	sld [smem:$0x3FD9]  }
0x89: {  	s3 =	sld [smem:$0x3FFE];
	_ =	sdelay $0x1  }
0x8a: {  	s1 =	srdreg.scid  }
0x8b: {  	s0 =	sand.u32 $0x1, s1  }
0x8c: {  	s17 =	sshll.u32 s0, $0xA;
	s2 =	sadd.s32 s3, s2  }
0x8d: {  	s2 =	sadd.s32 s2, s17  }
0x8e: {  	[smem:$0x3FC4] =	sst s2  }
0x8f: {  	_ = 	snop  }
0x90: {  	s2 =	sld [smem:$0x3FD0];
	(tm) =	ssettm $0x1  }
0x91: {  	s18 =	sld [smem:$0x3FFB];
	_ =	sdelay $0x3  }
0x92: {  	_ =	strace s18  }
0x93: {  	s3 =	sld [smem:$0x3FFC];
	_ =	sdelay $0x3  }
0x94: {  	_ =	strace s3  }
0x95: {  	s3 =	sld [smem:$0x3FFD];
	_ =	sdelay $0x3  }
0x96: {  	_ =	strace s3  }
0x97: {  	_ =	strace $0x8FFFFFFF  }
0x98: {  	s19 =	sld [smem:$0x3FDB];
	_ =	sdelay $0x1  }
0x99: {  	s4 =	simm.s32 $_scs_section_size  }
0x9a: {  	s5 =	simm.s32 $_size__tile_overlayer_lowered;
	s6 =	simm.s32 $_tile_overlayer_lowered  }
0x9b: {  	s22 =	simm.s32 $0x1BFF;
	s21 =	sshll.u32 s6, $0x1;
	s3 =	sadd.s32 s4, s19  }
0x9c: {  	s7 =	simm.s32 $0x0;
	s20 =	sshll.u32 s5, $0x1;
	s5 =	sadd.s32 s21, s3  }
0x9d: {  	[timem:s7], [sflag:s22] =	dma.local [hbm:s5], s20  }
0x9e: {  	_ =	swait.ge [sflag:s22], s20  }
0x9f: {  	s4 =	ssub.s32 $0x0, s20;
	[sflag:s22] =	ssyncset.done $0x0  }
0xa0: {  	[sflag:s22] =	ssyncadd.s32 s4;
	_ =	sdelay $0x1  }
0xa1: {  	s23 =	simm.s32 $0x1B8B  }
0xa2: {  	_ =	swait.ge [sflag:s23], $0x1  }
0xa3: {  	[sflag:s23] =	ssyncset.done $0x0  }
0xa4: {  	s25 =	simm.s32 $0x1B8E;
	s24 =	sld [smem:$0x3FFE];
	[sflag:s23] =	ssyncadd.s32 $0xFFFFFFFF  }
0xa5: {  	s26 =	simm.s32 $execute0_lowered;
	[smem:$0x3FD2] =	sst s25  }
0xa6: {  	s5 =	sshll.u32 s26, $0x1;
	_ =	strace $0x80000049;
	[dreg:$0x1] =	wrdreg $0xFFFFFFFF  }
0xa7: {  	s28 =	simm.s32 $_size_execute0_lowered;
	s3 =	sadd.s32 s3, s5;
	[dreg:$0x0] =	wrdreg $0x0  }
0xa8: {  	s5 =	sshll.u32 s28, $0x1;
	[dreg:$0x2] =	wrdreg s3  }
0xa9: {  	[dreg:$0x3] =	wrdreg s5  }
0xaa: {  	[dreg:$0x4] =	wrdreg $0xC0  }
0xab: {  	_ =	task [dreg:s7], $0x5FFFF  }
0xac: {  	[dreg:$0x1] =	wrdreg $0xFFFFFFFF  }
0xad: {  	[dreg:$0x0] =	wrdreg $0x60  }
0xae: {  	[dreg:$0x2] =	wrdreg s24  }
0xaf: {  	[dreg:$0x3] =	wrdreg s2  }
0xb0: {  	[dreg:$0x4] =	wrdreg $0xA8000  }
0xb1: {  	[dreg:$0x5] =	wrdreg $0x9  }
0xb2: {  	_ =	task.clear_ibuf [dreg:s7], $0x6FFFF;
	_ =	strace $0x90000049  }
0xb3: {  	s29 =	simm.s32 $0x9;
	_ =	strace $0x8000004B  }
0xb4: {  	_ =	swait.ge [sflag:s29], $0x1  }
0xb5: {  	[sflag:s29] =	ssyncadd.s32 $0xFFFFFFFF  }
0xb6: {  	_ =	strace $0x9000004B  }
0xb7: {  	_ =	sfence  }
0xb8: {  	s30 =	sld [smem:$0x0];
	_ =	sdelay $0x2  }
0xb9: {  	s31 =	sshll.u32 s1, $0xD;
	s1 =	sshrl.u32 s1, $0x2  }
0xba: {  	s3 =	sand.u32 $0x4000, s31;
	s1 =	sadd.s32 s1, s30  }
0xbb: {  	s0 =	sor.u32 s3, s0;
	s1 =	sshll.u32 s1, $0x11  }
0xbc: {  	s0 =	sor.u32 s1, s0  }
0xbd: {  	s0 =	sadd.s32 $0x8F2B, s0  }
0xbe: {  	[sflag:s0] =	ssyncadd.remote.s32 $0x1  }
0xbf: {  	_ =	sfence.sel $0xFFFF  }
0xc0: {  	[dreg:$0x0] =	wrdreg $0xFFFFFFFF;
	(pc) =	sbr.abs _section_cstart, $3  }
0xc1: {  	[dreg:$0x1] =	wrdreg $0xFFFFFFFF  }
0xc2: {  	_ =	task.clear_ibuf [dreg:s7], $0x2FFFF;
	_ =	strace $0x9FFFFFFF  }
0xc3: {  	(tm) =	ssettm $0x7FFFFFFF  }
tec
execute0_lowered:
.L_overlay_start_1:
0x0: {  	(tag) =	ssettag $0x1  }
0x1: {  	s5 =	rddreg [dreg:$0x0]  }
0x2: {  	s10 =	rddreg [dreg:$0x1]  }
0x3: {  	s1 =	rddreg [dreg:$0x2];
	s2 =	srdreg.scid  }
0x4: {  	s0 =	rddreg [dreg:$0x3];
	s3 =	simm.s32 $0x0;
	s16 =	simm.s32 $0x2800  }
0x5: {  	s17 =	simm.s32 $0x3;
	s18 =	simm.s32 $0x1400;
	s19 =	simm.s32 $0x80  }
0x6: {  	s20 =	simm.s32 $0x6800;
	s21 =	simm.s32 $0x2;
	s22 =	simm.s32 $0x1  }
0x7: {  	s23 =	simm.s32 $0x1380;
	s24 =	simm.s32 $0x2700;
	s6 =	sand.u32 $0x1, s2  }
0x8: {  	s25 =	simm.s32 $0x2780;
	s2 =	stileid.u32;
	s7 =	smul.u32 $0x140000, s6  }
0x9: {  	[smem:$0x7FF] =	sst s3;
	s4 =	sadd.s32 $0x2A00, s5;
	s8 =	smul.u32 $0x14000, s2  }
0xa: {  	s30 =	sshll.u32 s6, $0x4;
	s9 =	smul.u32 $0x50000, s2;
	s6 =	ssub.s32 $0x2, s6  }
0xb: {  	s11 =	sshrl.u32 s6, $0x1;
	s7 =	sadd.s32 s8, s7;
	s8 =	sor.u32 s2, s30  }
0xc: {  	s9 =	sshrl.u32 s9, $0x2;
	s15 =	ssub.s32 s6, s11;
	s7 =	sshrl.u32 s7, $0x3  }
0xd: {  	s8 =	smul.u32 $0x2800, s8;
	s14 =	sadd.s32 s7, s5;
	s5 =	sadd.s32 s9, s1  }
0xe: {  	_ =	strace $0x8000004A;
	s15 =	smax.u32 s15, $0x1;
	s6 =	sadd.s32 $0x4000, s5  }
0xf: {  	s7 =	sadd.s32 $0x8000, s5;
	s31 =	sshrl.u32 s8, $0x3;
	s8 =	sadd.s32 $0xC000, s5  }
0x10: {  	s9 =	sadd.s32 $0x10000, s5;
	s14 =	sadd.s32 $0x2AA00, s14;
	s10 =	sadd.s32 s10, s31  }
0x11: {  	v0 =	vimm.f32 $0.0e+00;
	s11 =	sadd.s32 $0xA000, s10;
	s12 =	sadd.s32 $0x280, s10;
	s13 =	sadd.s32 $0xA280, s10  }
.LBB2_1:
0x12: {  	s26 =	simm.s32 $0x0;
	s28 =	simm.s32 $0x200  }
.LBB2_2:
0x13: {  	p0 =	sne.s32 s28, $0xFE00;
	[tilespmem:s26+$0x2870] =	vst v0  }
0x14: {  	[tilespmem:s26+$0x2800] =	vst v0  }
0x15: {  	[tilespmem:s26+$0x2810] =	vst v0  }
.Ltmp0:
0x16: {  	[tilespmem:s26+$0x2820] =	vst v0;
	(pc) =	sbr.rel @p0 .LBB2_2-.Ltmp0, $4  }
0x17: {  	[tilespmem:s26+$0x2830] =	vst v0  }
0x18: {  	[tilespmem:s26+$0x2840] =	vst v0  }
0x19: {  	[tilespmem:s26+$0x2850] =	vst v0  }
0x1a: {  	[tilespmem:s26+$0x2860] =	vst v0;
	s26 =	sshra.s32 s28, $0x2;
	s28 =	sadd.s32 $0x200, s28  }
0x1b: {  	[tilespmem:s26+$0x2870] =	vst v0  }
0x1c: {  	[tilespmem:s26+$0x2800] =	vst v0  }
0x1d: {  	[tilespmem:s26+$0x2810] =	vst v0  }
0x1e: {  	[tilespmem:s26+$0x2820] =	vst v0  }
0x1f: {  	[tilespmem:s26+$0x2830] =	vst v0  }
0x20: {  	[tilespmem:s26+$0x2840] =	vst v0  }
0x21: {  	[tilespmem:s26+$0x2850] =	vst v0  }
0x22: {  	[tilespmem:s26+$0x2860] =	vst v0  }
0x23: {  	[spmem:s5] =	stream.linear.scatter [tilespmem:s16], [sflag:$0x3], $0x4000, $0x38;
	[tilespmem:$0x1E800] =	vst v63  }
0x24: {  	_ =	swait.ge [sflag:s17], $0x4000  }
0x25: {  	[sflag:s17] =	ssyncset.done $0x0  }
0x26: {  	[sflag:s17] =	ssyncadd.s32 $0xFFFFC000  }
0x27: {  	[spmem:s6] =	stream.linear.scatter [tilespmem:s16], [sflag:$0x3], $0x4000, $0x38;
	[tilespmem:$0x1E800] =	vst v63  }
0x28: {  	_ =	swait.ge [sflag:s17], $0x4000  }
0x29: {  	[sflag:s17] =	ssyncset.done $0x0  }
0x2a: {  	[sflag:s17] =	ssyncadd.s32 $0xFFFFC000  }
0x2b: {  	[spmem:s7] =	stream.linear.scatter [tilespmem:s16], [sflag:$0x3], $0x4000, $0x38;
	[tilespmem:$0x1E800] =	vst v63  }
0x2c: {  	_ =	swait.ge [sflag:s17], $0x4000  }
0x2d: {  	[sflag:s17] =	ssyncset.done $0x0  }
0x2e: {  	[sflag:s17] =	ssyncadd.s32 $0xFFFFC000  }
0x2f: {  	[spmem:s8] =	stream.linear.scatter [tilespmem:s16], [sflag:$0x3], $0x4000, $0x38;
	[tilespmem:$0x1E800] =	vst v63  }
0x30: {  	_ =	swait.ge [sflag:s17], $0x4000  }
0x31: {  	[sflag:s17] =	ssyncset.done $0x0  }
0x32: {  	[sflag:s17] =	ssyncadd.s32 $0xFFFFC000  }
0x33: {  	[spmem:s9] =	stream.linear.scatter [tilespmem:s16], [sflag:$0x3], $0x4000, $0x38;
	[tilespmem:$0x1E800] =	vst v63  }
0x34: {  	_ =	swait.ge [sflag:s17], $0x4000  }
0x35: {  	[sflag:s17] =	ssyncset.done $0x0  }
0x36: {  	[sflag:s17] =	ssyncadd.s32 $0xFFFFC000  }
0x37: {  	s30 =	simm.s32 $0x0;
	[bflag:$0x0] =	sbarrier.arrive $0xFFFF  }
0x38: {  	[tilespmem:s30], [sflag:$0x3] =	stream.linear.gather [hbm4b:s10+s30], $0x1400, $0x38;
	[tilespmem:$0x1E800] =	vst v63  }
0x39: {  	_ =	swait.ge [sflag:s17], $0x1400  }
0x3a: {  	[sflag:s17] =	ssyncset.done $0x0  }
0x3b: {  	[sflag:s17] =	ssyncadd.s32 $0xFFFFEC00  }
0x3c: {  	[tilespmem:s18], [sflag:$0x3] =	stream.linear.gather [hbm4b:s11+s30], $0x1400, $0x38;
	[tilespmem:$0x1E800] =	vst v63  }
0x3d: {  	_ =	swait.ge [sflag:s17], $0x1400  }
0x3e: {  	[sflag:s17] =	ssyncset.done $0x0  }
0x3f: {  	[sflag:s17] =	ssyncadd.s32 $0xFFFFEC00  }
0x40: {  	[tilespmem:s16], [sflag:$0x3] =	stream.indirect.gather [hbm4b:s4+s19], $0x80, s30, s19, $0xb8;
	[tilespmem:$0x1E800] =	vst v63  }
0x41: {  	_ =	swait.ge [sflag:s17], $0x4000  }
0x42: {  	[sflag:s17] =	ssyncset.done $0x0  }
0x43: {  	s31 =	simm.s32 $0x80;
	[sflag:s17] =	ssyncadd.s32 $0xFFFFC000  }
0x44: {  	[tilespmem:s20], [sflag:$0x2] =	stream.indirect.gather [hbm4b:s4+s19], $0x80, s31, s19, $0xb8;
	[tilespmem:$0x1E800] =	vst v63  }
0x45: {  	s29 =	simm.s32 $0x1400  }
0x46: {  	[spmem:s1] =	stream.indirect.scatter.add.f32 [tilespmem:s16], [sflag:$0x3], $0x80, s29, s19, $0xb8;
	[tilespmem:$0x1E800] =	vst v63  }
0x47: {  	_ =	swait.ge [sflag:s17], $0x4000  }
0x48: {  	[sflag:s17] =	ssyncset.done $0x0  }
0x49: {  	[sflag:s17] =	ssyncadd.s32 $0xFFFFC000  }
0x4a: {  	_ =	swait.ge [sflag:s21], $0x4000  }
0x4b: {  	[sflag:s21] =	ssyncset.done $0x0  }
0x4c: {  	s30 =	simm.s32 $0x100;
	[sflag:s21] =	ssyncadd.s32 $0xFFFFC000  }
0x4d: {  	[tilespmem:s16], [sflag:$0x1] =	stream.indirect.gather [hbm4b:s4+s19], $0x80, s30, s19, $0xb8;
	[tilespmem:$0x1E800] =	vst v63  }
0x4e: {  	s31 =	simm.s32 $0x1480  }
0x4f: {  	[spmem:s1] =	stream.indirect.scatter.add.f32 [tilespmem:s20], [sflag:$0x3], $0x80, s31, s19, $0xb8;
	[tilespmem:$0x1E800] =	vst v63  }
0x50: {  	_ =	swait.ge [sflag:s17], $0x4000  }
0x51: {  	[sflag:s17] =	ssyncset.done $0x0  }
0x52: {  	[sflag:s17] =	ssyncadd.s32 $0xFFFFC000  }
0x53: {  	_ =	swait.ge [sflag:s22], $0x4000  }
0x54: {  	s28 =	simm.s32 $0x800;
	s26 =	simm.s32 $0x100;
	[sflag:s22] =	ssyncset.done $0x0  }
.LBB2_4:
0x55: {  	s29 =	sadd.s32 $0x80, s26  }
0x56: {  	[sflag:s22] =	ssyncadd.s32 $0xFFFFC000;
	s30 =	smov.u32 s28;
	s31 =	sadd.s32 $0x400, s28  }
0x57: {  	[tilespmem:s20], [sflag:$0x2] =	stream.indirect.gather [hbm4b:s4+s19], $0x80, s29, s19, $0xb8;
	[tilespmem:$0x1E800] =	vst v63  }
0x58: {  	p0 =	sne.s32 s28, $0x4800;
	s28 =	sadd.s32 $0x1400, s26  }
0x59: {  	[spmem:s1] =	stream.indirect.scatter.add.f32 [tilespmem:s16], [sflag:$0x3], $0x80, s28, s19, $0xb8;
	[tilespmem:$0x1E800] =	vst v63  }
0x5a: {  	_ =	swait.ge [sflag:s17], $0x4000  }
0x5b: {  	[sflag:s17] =	ssyncset.done $0x0  }
0x5c: {  	[sflag:s17] =	ssyncadd.s32 $0xFFFFC000  }
0x5d: {  	_ =	swait.ge [sflag:s21], $0x4000  }
0x5e: {  	[sflag:s21] =	ssyncset.done $0x0  }
0x5f: {  	s28 =	sadd.s32 $0x100, s26;
	[sflag:s21] =	ssyncadd.s32 $0xFFFFC000  }
0x60: {  	[tilespmem:s16], [sflag:$0x1] =	stream.indirect.gather [hbm4b:s4+s19], $0x80, s28, s19, $0xb8;
	[tilespmem:$0x1E800] =	vst v63  }
0x61: {  	s26 =	sadd.s32 $0x1480, s26  }
0x62: {  	[spmem:s1] =	stream.indirect.scatter.add.f32 [tilespmem:s20], [sflag:$0x3], $0x80, s26, s19, $0xb8;
	[tilespmem:$0x1E800] =	vst v63  }
.Ltmp1:
0x63: {  	_ =	swait.ge [sflag:s17], $0x4000;
	(pc) =	sbr.rel @p0 .LBB2_4-.Ltmp1, $4  }
0x64: {  	[sflag:s17] =	ssyncset.done $0x0  }
0x65: {  	[sflag:s17] =	ssyncadd.s32 $0xFFFFC000  }
0x66: {  	_ =	swait.ge [sflag:s22], $0x4000  }
0x67: {  	s28 =	smov.u32 s31;
	s26 =	sshra.s32 s30, $0x2;
	[sflag:s22] =	ssyncset.done $0x0  }
0x68: {  	s28 =	sadd.s32 $0x80, s26;
	[sflag:s22] =	ssyncadd.s32 $0xFFFFC000  }
0x69: {  	[tilespmem:s20], [sflag:$0x2] =	stream.indirect.gather [hbm4b:s4+s19], $0x80, s28, s19, $0xb8;
	[tilespmem:$0x1E800] =	vst v63  }
0x6a: {  	s28 =	sadd.s32 $0x1400, s26  }
0x6b: {  	[spmem:s1] =	stream.indirect.scatter.add.f32 [tilespmem:s16], [sflag:$0x3], $0x80, s28, s19, $0xb8;
	[tilespmem:$0x1E800] =	vst v63  }
0x6c: {  	_ =	swait.ge [sflag:s17], $0x4000  }
0x6d: {  	[sflag:s17] =	ssyncset.done $0x0  }
0x6e: {  	[sflag:s17] =	ssyncadd.s32 $0xFFFFC000  }
0x6f: {  	_ =	swait.ge [sflag:s21], $0x4000  }
0x70: {  	[sflag:s21] =	ssyncset.done $0x0  }
0x71: {  	s28 =	sadd.s32 $0x100, s26;
	[sflag:s21] =	ssyncadd.s32 $0xFFFFC000  }
0x72: {  	[tilespmem:s16], [sflag:$0x1] =	stream.indirect.gather [hbm4b:s4+s19], $0x80, s28, s19, $0xb8;
	[tilespmem:$0x1E800] =	vst v63  }
0x73: {  	s29 =	sadd.s32 $0x1480, s26  }
0x74: {  	[spmem:s1] =	stream.indirect.scatter.add.f32 [tilespmem:s20], [sflag:$0x3], $0x80, s29, s19, $0xb8;
	[tilespmem:$0x1E800] =	vst v63  }
0x75: {  	_ =	swait.ge [sflag:s17], $0x4000  }
0x76: {  	[sflag:s17] =	ssyncset.done $0x0  }
0x77: {  	[sflag:s17] =	ssyncadd.s32 $0xFFFFC000  }
0x78: {  	_ =	swait.ge [sflag:s22], $0x4000  }
0x79: {  	[sflag:s22] =	ssyncset.done $0x0  }
0x7a: {  	[sflag:s22] =	ssyncadd.s32 $0xFFFFC000  }
0x7b: {  	[tilespmem:s20], [sflag:$0x2] =	stream.indirect.gather [hbm4b:s4+s19], $0x80, s23, s19, $0xb8;
	[tilespmem:$0x1E800] =	vst v63  }
0x7c: {  	_ = 	snop  }
0x7d: {  	[spmem:s1] =	stream.indirect.scatter.add.f32 [tilespmem:s16], [sflag:$0x3], $0x80, s24, s19, $0xb8;
	[tilespmem:$0x1E800] =	vst v63  }
0x7e: {  	_ =	swait.ge [sflag:s17], $0x4000  }
0x7f: {  	[sflag:s17] =	ssyncset.done $0x0  }
0x80: {  	[sflag:s17] =	ssyncadd.s32 $0xFFFFC000  }
0x81: {  	_ =	swait.ge [sflag:s21], $0x4000  }
0x82: {  	[sflag:s21] =	ssyncset.done $0x0  }
0x83: {  	[sflag:s21] =	ssyncadd.s32 $0xFFFFC000  }
0x84: {  	[spmem:s1] =	stream.indirect.scatter.add.f32 [tilespmem:s20], [sflag:$0x3], $0x80, s25, s19, $0xb8;
	[tilespmem:$0x1E800] =	vst v63  }
0x85: {  	_ =	swait.ge [sflag:s17], $0x4000  }
0x86: {  	[sflag:s17] =	ssyncset.done $0x0  }
0x87: {  	s30 =	simm.s32 $0x0;
	[sflag:s17] =	ssyncadd.s32 $0xFFFFC000  }
0x88: {  	[tilespmem:s30], [sflag:$0x3] =	stream.linear.gather [hbm4b:s12+s30], $0x1400, $0x38;
	[tilespmem:$0x1E800] =	vst v63  }
0x89: {  	_ =	swait.ge [sflag:s17], $0x1400  }
0x8a: {  	[sflag:s17] =	ssyncset.done $0x0  }
0x8b: {  	[sflag:s17] =	ssyncadd.s32 $0xFFFFEC00  }
0x8c: {  	[tilespmem:s18], [sflag:$0x3] =	stream.linear.gather [hbm4b:s13+s30], $0x1400, $0x38;
	[tilespmem:$0x1E800] =	vst v63  }
0x8d: {  	_ =	swait.ge [sflag:s17], $0x1400  }
0x8e: {  	[sflag:s17] =	ssyncset.done $0x0  }
0x8f: {  	[sflag:s17] =	ssyncadd.s32 $0xFFFFEC00  }
0x90: {  	[tilespmem:s16], [sflag:$0x3] =	stream.indirect.gather [hbm4b:s4+s19], $0x80, s30, s19, $0xb8;
	[tilespmem:$0x1E800] =	vst v63  }
0x91: {  	_ =	swait.ge [sflag:s17], $0x4000  }
0x92: {  	[sflag:s17] =	ssyncset.done $0x0  }
0x93: {  	s31 =	simm.s32 $0x80;
	[sflag:s17] =	ssyncadd.s32 $0xFFFFC000  }
0x94: {  	[tilespmem:s20], [sflag:$0x2] =	stream.indirect.gather [hbm4b:s4+s19], $0x80, s31, s19, $0xb8;
	[tilespmem:$0x1E800] =	vst v63  }
0x95: {  	s29 =	simm.s32 $0x1400  }
0x96: {  	[spmem:s1] =	stream.indirect.scatter.add.f32 [tilespmem:s16], [sflag:$0x3], $0x80, s29, s19, $0xb8;
	[tilespmem:$0x1E800] =	vst v63  }
0x97: {  	_ =	swait.ge [sflag:s17], $0x4000  }
0x98: {  	[sflag:s17] =	ssyncset.done $0x0  }
0x99: {  	[sflag:s17] =	ssyncadd.s32 $0xFFFFC000  }
0x9a: {  	_ =	swait.ge [sflag:s21], $0x4000  }
0x9b: {  	[sflag:s21] =	ssyncset.done $0x0  }
0x9c: {  	s30 =	simm.s32 $0x100;
	[sflag:s21] =	ssyncadd.s32 $0xFFFFC000  }
0x9d: {  	[tilespmem:s16], [sflag:$0x1] =	stream.indirect.gather [hbm4b:s4+s19], $0x80, s30, s19, $0xb8;
	[tilespmem:$0x1E800] =	vst v63  }
0x9e: {  	s31 =	simm.s32 $0x1480  }
0x9f: {  	[spmem:s1] =	stream.indirect.scatter.add.f32 [tilespmem:s20], [sflag:$0x3], $0x80, s31, s19, $0xb8;
	[tilespmem:$0x1E800] =	vst v63  }
0xa0: {  	_ =	swait.ge [sflag:s17], $0x4000  }
0xa1: {  	[sflag:s17] =	ssyncset.done $0x0  }
0xa2: {  	[sflag:s17] =	ssyncadd.s32 $0xFFFFC000  }
0xa3: {  	_ =	swait.ge [sflag:s22], $0x4000  }
0xa4: {  	s26 =	simm.s32 $0x100;
	s28 =	simm.s32 $0x800;
	[sflag:s22] =	ssyncset.done $0x0  }
.LBB2_6:
0xa5: {  	s29 =	sadd.s32 $0x80, s26  }
0xa6: {  	[sflag:s22] =	ssyncadd.s32 $0xFFFFC000;
	s30 =	smov.u32 s28;
	s31 =	sadd.s32 $0x400, s28  }
0xa7: {  	[tilespmem:s20], [sflag:$0x2] =	stream.indirect.gather [hbm4b:s4+s19], $0x80, s29, s19, $0xb8;
	[tilespmem:$0x1E800] =	vst v63  }
0xa8: {  	p0 =	sne.s32 s28, $0x4800;
	s28 =	sadd.s32 $0x1400, s26  }
0xa9: {  	[spmem:s1] =	stream.indirect.scatter.add.f32 [tilespmem:s16], [sflag:$0x3], $0x80, s28, s19, $0xb8;
	[tilespmem:$0x1E800] =	vst v63  }
0xaa: {  	_ =	swait.ge [sflag:s17], $0x4000  }
0xab: {  	[sflag:s17] =	ssyncset.done $0x0  }
0xac: {  	[sflag:s17] =	ssyncadd.s32 $0xFFFFC000  }
0xad: {  	_ =	swait.ge [sflag:s21], $0x4000  }
0xae: {  	[sflag:s21] =	ssyncset.done $0x0  }
0xaf: {  	s28 =	sadd.s32 $0x100, s26;
	[sflag:s21] =	ssyncadd.s32 $0xFFFFC000  }
0xb0: {  	[tilespmem:s16], [sflag:$0x1] =	stream.indirect.gather [hbm4b:s4+s19], $0x80, s28, s19, $0xb8;
	[tilespmem:$0x1E800] =	vst v63  }
0xb1: {  	s26 =	sadd.s32 $0x1480, s26  }
0xb2: {  	[spmem:s1] =	stream.indirect.scatter.add.f32 [tilespmem:s20], [sflag:$0x3], $0x80, s26, s19, $0xb8;
	[tilespmem:$0x1E800] =	vst v63  }
.Ltmp2:
0xb3: {  	_ =	swait.ge [sflag:s17], $0x4000;
	(pc) =	sbr.rel @p0 .LBB2_6-.Ltmp2, $4  }
0xb4: {  	[sflag:s17] =	ssyncset.done $0x0  }
0xb5: {  	[sflag:s17] =	ssyncadd.s32 $0xFFFFC000  }
0xb6: {  	_ =	swait.ge [sflag:s22], $0x4000  }
0xb7: {  	s28 =	smov.u32 s31;
	s26 =	sshra.s32 s30, $0x2;
	[sflag:s22] =	ssyncset.done $0x0  }
0xb8: {  	s28 =	sadd.s32 $0x80, s26;
	[sflag:s22] =	ssyncadd.s32 $0xFFFFC000  }
0xb9: {  	[tilespmem:s20], [sflag:$0x2] =	stream.indirect.gather [hbm4b:s4+s19], $0x80, s28, s19, $0xb8;
	[tilespmem:$0x1E800] =	vst v63  }
0xba: {  	s30 =	sadd.s32 $0x1400, s26  }
0xbb: {  	[spmem:s1] =	stream.indirect.scatter.add.f32 [tilespmem:s16], [sflag:$0x3], $0x80, s30, s19, $0xb8;
	[tilespmem:$0x1E800] =	vst v63  }
0xbc: {  	_ =	swait.ge [sflag:s17], $0x4000  }
0xbd: {  	[sflag:s17] =	ssyncset.done $0x0  }
0xbe: {  	[sflag:s17] =	ssyncadd.s32 $0xFFFFC000  }
0xbf: {  	_ =	swait.ge [sflag:s21], $0x4000  }
0xc0: {  	[sflag:s21] =	ssyncset.done $0x0  }
0xc1: {  	s31 =	sadd.s32 $0x100, s26;
	[sflag:s21] =	ssyncadd.s32 $0xFFFFC000  }
0xc2: {  	[tilespmem:s16], [sflag:$0x1] =	stream.indirect.gather [hbm4b:s4+s19], $0x80, s31, s19, $0xb8;
	[tilespmem:$0x1E800] =	vst v63  }
0xc3: {  	s29 =	sadd.s32 $0x1480, s26  }
0xc4: {  	[spmem:s1] =	stream.indirect.scatter.add.f32 [tilespmem:s20], [sflag:$0x3], $0x80, s29, s19, $0xb8;
	[tilespmem:$0x1E800] =	vst v63  }
0xc5: {  	_ =	swait.ge [sflag:s17], $0x4000  }
0xc6: {  	[sflag:s17] =	ssyncset.done $0x0  }
0xc7: {  	[sflag:s17] =	ssyncadd.s32 $0xFFFFC000  }
0xc8: {  	_ =	swait.ge [sflag:s22], $0x4000  }
0xc9: {  	[sflag:s22] =	ssyncset.done $0x0  }
0xca: {  	[sflag:s22] =	ssyncadd.s32 $0xFFFFC000  }
0xcb: {  	[tilespmem:s20], [sflag:$0x2] =	stream.indirect.gather [hbm4b:s4+s19], $0x80, s23, s19, $0xb8;
	[tilespmem:$0x1E800] =	vst v63  }
0xcc: {  	_ = 	snop  }
0xcd: {  	[spmem:s1] =	stream.indirect.scatter.add.f32 [tilespmem:s16], [sflag:$0x3], $0x80, s24, s19, $0xb8;
	[tilespmem:$0x1E800] =	vst v63  }
0xce: {  	_ =	swait.ge [sflag:s17], $0x4000  }
0xcf: {  	[sflag:s17] =	ssyncset.done $0x0  }
0xd0: {  	[sflag:s17] =	ssyncadd.s32 $0xFFFFC000  }
0xd1: {  	_ =	swait.ge [sflag:s21], $0x4000  }
0xd2: {  	[sflag:s21] =	ssyncset.done $0x0  }
0xd3: {  	[sflag:s21] =	ssyncadd.s32 $0xFFFFC000  }
0xd4: {  	[spmem:s1] =	stream.indirect.scatter.add.f32 [tilespmem:s20], [sflag:$0x3], $0x80, s25, s19, $0xb8;
	[tilespmem:$0x1E800] =	vst v63  }
0xd5: {  	_ =	swait.ge [sflag:s17], $0x4000  }
0xd6: {  	s3 =	sadd.s32 $0x1, s3;
	s30 =	sshll.u32 s2, $0x6;
	[sflag:s17] =	ssyncset.done $0x0  }
0xd7: {  	p0 =	sne.s32 s3, s15;
	s26 =	sor.u32 $0x1C03, s30;
	[sflag:s17] =	ssyncadd.s32 $0xFFFFC000  }
.Ltmp3:
0xd8: {  	s31 =	sshrl.u32 s5, $0x3;
	[bflag:$0x0] =	sbarrier.arrive $0xFFFF;
	(pc) =	sbr.rel @p0 .LBB2_1-.Ltmp3, $4  }
0xd9: {  	[hbm:s14], [sflag:s26] =	dma.local [spmem:s31], $0x2800  }
0xda: {  	_ =	swait.ge [sflag:s17], $0x2800  }
0xdb: {  	[sflag:s17] =	ssyncset.done $0x0  }
0xdc: {  	[sflag:s17] =	ssyncadd.s32 $0xFFFFD800  }
0xdd: {  	_ =	sfence.sel $0x180000  }
0xde: {  	[bflag:$0x0] =	sbarrier.arrive $0xFFFF  }
0xdf: {  	p0 =	sne.s32 s2, $0x0;
	_ =	strace $0x9000004A  }
0xe0: {  	s0 =	sadd.s32 @!p0 $0x100000, s0;
	[bflag:$0x2] =	sbarrier.arrive $0xFFFF  }
0xe1: {  	[sflag:s0] =	ssyncadd.tile.s32 @!p0 $0x1;
	_ =	shalt  }
.Lfunc_end2:
_tile_overlayer_lowered:
.L_overlay_start_2:
0xe2: {  	(tag) =	ssettag $0x2  }
0xe3: {  	s0 =	rddreg [dreg:$0x0];
	s2 =	stileid.u32  }
0xe4: {  	s1 =	rddreg [dreg:$0x1];
	p0 =	sne.s32 s2, $0x0  }
0xe5: {  	s3 =	rddreg [dreg:$0x2];
	[bflag:$0x3] =	sbarrier.arrive $0xFFFF;
	s2 =	simm.s32 @!p0 $0x1C03  }
0xe6: {  	[timem:s3], [sflag:s2] =	dma.local @!p0 [hbm:s0], s1  }
0xe7: {  	s0 =	simm.s32 @!p0 $0x3  }
0xe8: {  	_ =	swait.ge @!p0 [sflag:s0], s1  }
0xe9: {  	s1 =	ssub.s32 @!p0 $0x0, s1;
	[sflag:s0] =	ssyncset.done @!p0 $0x0  }
0xea: {  	[sflag:s0] =	ssyncadd.s32 @!p0 s1  }
0xeb: {  	[bflag:$0x3] =	sbarrier.arrive $0xFFFF  }
0xec: {  	_ =	shalt  }

// kernel: kernel.14.cloned.1.call-start
scs
__scs_entry_jumppad:
0x0: {  	(pc) =	sbr.rel $0x88, $3  }
0x1: {  	(tag) =	ssettag $0x0;
	lr =	simm.s32 $0x1  }
0x2: {  	[smem:$0x3F9D] =	sst lr;
	_ =	strace $0xD0000000  }
0x3: {  	_ = 	snop  }
0x4: {  	_ = 	snop  }
0x5: {  	_ = 	snop  }
0x6: {  	_ = 	snop  }
0x7: {  	_ = 	snop  }
__scs_overlays_trampoline_lowered:
0x8: {  	[smem:$0x3FAC] =	sst s0  }
0x9: {  	[smem:$0x3FAD] =	sst s1  }
0xa: {  	[smem:$0x3FAE] =	sst s2  }
0xb: {  	[smem:$0x3FAF] =	sst s3  }
0xc: {  	[smem:$0x3FB0] =	sst s4  }
0xd: {  	[smem:$0x3FB1] =	sst s5  }
0xe: {  	[smem:$0x3FB2] =	sst s6  }
0xf: {  	[smem:$0x3FB3] =	sst s7  }
0x10: {  	[smem:$0x3FB4] =	sst s8  }
0x11: {  	[smem:$0x3FB5] =	sst s9;
	s0 =	simm.s32 @!p0 $0x0  }
0x12: {  	s1 =	sld [smem:$0x3F9B];
	s0 =	simm.s32 @p0 $0x1  }
0x13: {  	[smem:$0x3FB6] =	sst s0;
	s0 =	simm.s32 @!p1 $0x0  }
0x14: {  	s2 =	sld [smem:$0x3F9A];
	s0 =	simm.s32 @p1 $0x1  }
0x15: {  	[smem:$0x3FB7] =	sst s0;
	s0 =	simm.s32 @!p2 $0x0  }
0x16: {  	s3 =	sld [smem:$0x3FDB];
	s0 =	simm.s32 @p2 $0x1  }
0x17: {  	s4 =	simm.s32 $0x1BF5;
	[smem:$0x3FB9] =	sst s0  }
0x18: {  	s0 =	sld [smem:$0x3F9C];
	_ =	swait.ge [sflag:s4], $0x0  }
0x19: {  	s7 =	sld [smem:$0x3F9D]  }
0x1a: {  	s8 =	sadd.s32 $0xFFFFE003, lr  }
0x1b: {  	s9 =	sadd.s32 $0xFFFFFEF7, lr;
	s5 =	simm.s32 $0xFFFFFFFF;
	p2 =	slt.u32 s8, $0xFFFFF086  }
0x1c: {  	p1 =	slt.u32 s9, $0xF7A;
	s5 =	simm.s32 @!p2 $0x0  }
0x1d: {  	s5 =	simm.s32 @p1 $0x1;
	p0 =	seq.s32 s7, s2  }
0x1e: {  	s7 =	smul.u32 @!p0 $0xF7A, s2;
	p2 =	seq.s32 @!p0 s5, $0x0  }
0x1f: {  	s9 =	smul.u32 $0xF7A, s1;
	s8 =	simm.s32 @!p0 $0x1BF5;
	p2 =	por !p2, p0  }
0x20: {  	[sflag:s8] =	ssyncset.s32 @!p0 $0xFFFFF086;
	s6 =	sadd.s32 @!p0 s3, s7;
	s7 =	simm.s32 @!p0 $0x108  }
0x21: {  	s3 =	sadd.s32 s3, s9;
	s6 =	sadd.s32 @!p0 $0x88, s6;
	s7 =	simm.s32 @p2 $0x1082  }
0x22: {  	[simem:s7], [sflag:s8] =	dma.local @!p0 [hbm:s6], $0xF7A  }
0x23: {  	s9 =	sor.u32 $0xD0000000, s2;
	s6 =	simm.s32 $0x108;
	_ =	swait.ge @!p0 [sflag:s8], $0x0  }
0x24: {  	s3 =	sadd.s32 $0x88, s3;
	s6 =	simm.s32 @!p1 $0x1082;
	[sflag:s4] =	ssyncset.s32 $0xFFFFF086  }
0x25: {  	[simem:s6], [sflag:s4] =	dma.local [hbm:s3], $0xF7A  }
0x26: {  	[smem:$0x3F9D] =	sst s1;
	(tag) =	ssettag s2;
	_ =	strace s9  }
0x27: {  	s1 =	sld [smem:$0x3FAD]  }
0x28: {  	s2 =	sld [smem:$0x3FAE]  }
0x29: {  	s4 =	sld [smem:$0x3FB0]  }
0x2a: {  	p0 =	seq.s32 s5, $0x0;
	s5 =	sld [smem:$0x3FB1]  }
0x2b: {  	s6 =	sld [smem:$0x3FB2]  }
0x2c: {  	s7 =	sld [smem:$0x3FB3]  }
0x2d: {  	s3 =	simm.s32 $0x108;
	s8 =	sld [smem:$0x3FB4]  }
0x2e: {  	s3 =	simm.s32 @!p0 $0x1082;
	s9 =	sld [smem:$0x3FB5]  }
0x2f: {  	lr =	sadd.s32 s0, s3;
	s0 =	sld [smem:$0x3FAC]  }
0x30: {  	s3 =	sld [smem:$0x3FAF]  }
0x31: {  	[smem:$0x3FB8] =	sst s10  }
0x32: {  	s10 =	sld [smem:$0x3FB6];
	_ =	sdelay $0x3  }
0x33: {  	p0 =	seq.s32 s10, $0x1;
	s10 =	sld [smem:$0x3FB8];
	_ =	sdelay $0x3  }
0x34: {  	[smem:$0x3FB8] =	sst s10  }
0x35: {  	s10 =	sld [smem:$0x3FB7];
	_ =	sdelay $0x3  }
0x36: {  	p1 =	seq.s32 s10, $0x1;
	s10 =	sld [smem:$0x3FB8];
	_ =	sdelay $0x3  }
0x37: {  	[smem:$0x3FB8] =	sst s10  }
0x38: {  	s10 =	sld [smem:$0x3FB9]  }
0x39: {  	_ = 	snop;
	(pc) =	sbr.ind lr, $3  }
0x3a: {  	_ = 	snop  }
0x3b: {  	_ = 	snop  }
0x3c: {  	p2 =	seq.s32 s10, $0x1;
	s10 =	sld [smem:$0x3FB8]  }
0x3d: {  	_ =	shalt  }
0x3e: {  	_ =	shalt  }
0x3f: {  	_ =	shalt  }
0x40: {  	_ =	shalt  }
0x41: {  	_ =	shalt  }
0x42: {  	_ =	shalt  }
0x43: {  	_ =	shalt  }
0x44: {  	_ =	shalt  }
0x45: {  	_ =	shalt  }
0x46: {  	_ =	shalt  }
0x47: {  	_ =	shalt  }
0x48: {  	_ =	shalt  }
0x49: {  	_ =	shalt  }
0x4a: {  	_ =	shalt  }
0x4b: {  	_ =	shalt  }
0x4c: {  	_ =	shalt  }
0x4d: {  	_ =	shalt  }
0x4e: {  	_ =	shalt  }
0x4f: {  	_ =	shalt  }
0x50: {  	_ =	shalt  }
0x51: {  	_ =	shalt  }
0x52: {  	_ =	shalt  }
0x53: {  	_ =	shalt  }
0x54: {  	_ =	shalt  }
0x55: {  	_ =	shalt  }
0x56: {  	_ =	shalt  }
0x57: {  	_ =	shalt  }
0x58: {  	_ =	shalt  }
0x59: {  	_ =	shalt  }
0x5a: {  	_ =	shalt  }
0x5b: {  	_ =	shalt  }
0x5c: {  	_ =	shalt  }
0x5d: {  	_ =	shalt  }
0x5e: {  	_ =	shalt  }
0x5f: {  	_ =	shalt  }
0x60: {  	_ =	shalt  }
0x61: {  	_ =	shalt  }
0x62: {  	_ =	shalt  }
0x63: {  	_ =	shalt  }
0x64: {  	_ =	shalt  }
0x65: {  	_ =	shalt  }
0x66: {  	_ =	shalt  }
0x67: {  	_ =	shalt  }
0x68: {  	_ =	shalt  }
0x69: {  	_ =	shalt  }
0x6a: {  	_ =	shalt  }
0x6b: {  	_ =	shalt  }
0x6c: {  	_ =	shalt  }
0x6d: {  	_ =	shalt  }
0x6e: {  	_ =	shalt  }
0x6f: {  	_ =	shalt  }
0x70: {  	_ =	shalt  }
0x71: {  	_ =	shalt  }
0x72: {  	_ =	shalt  }
0x73: {  	_ =	shalt  }
0x74: {  	_ =	shalt  }
0x75: {  	_ =	shalt  }
0x76: {  	_ =	shalt  }
0x77: {  	_ =	shalt  }
0x78: {  	_ =	shalt  }
0x79: {  	_ =	shalt  }
0x7a: {  	_ =	shalt  }
0x7b: {  	_ =	shalt  }
0x7c: {  	_ =	shalt  }
0x7d: {  	_ =	shalt  }
0x7e: {  	_ =	shalt  }
0x7f: {  	_ =	shalt  }
0x80: {  	_ =	shalt  }
0x81: {  	_ =	shalt  }
0x82: {  	_ =	shalt  }
0x83: {  	_ =	shalt  }
0x84: {  	_ =	shalt  }
0x85: {  	_ =	shalt  }
0x86: {  	_ =	shalt  }
0x87: {  	_ =	shalt  }
.Lfunc_end0:
.L_simem_size_0:
called_computation.2_lowered:
.L_overlay_start_0:
0x88: {  	s2 =	sld [smem:$0x3FD9]  }
0x89: {  	s3 =	sld [smem:$0x3FFE];
	_ =	sdelay $0x1  }
0x8a: {  	s1 =	srdreg.scid  }
0x8b: {  	s0 =	sand.u32 $0x1, s1  }
0x8c: {  	s17 =	sshll.u32 s0, $0xA;
	s2 =	sadd.s32 s3, s2  }
0x8d: {  	s2 =	sadd.s32 s2, s17  }
0x8e: {  	[smem:$0x3FC4] =	sst s2  }
0x8f: {  	_ = 	snop  }
0x90: {  	s2 =	sld [smem:$0x3FD0];
	(tm) =	ssettm $0x1  }
0x91: {  	s18 =	sld [smem:$0x3FFB];
	_ =	sdelay $0x3  }
0x92: {  	_ =	strace s18  }
0x93: {  	s3 =	sld [smem:$0x3FFC];
	_ =	sdelay $0x3  }
0x94: {  	_ =	strace s3  }
0x95: {  	s3 =	sld [smem:$0x3FFD];
	_ =	sdelay $0x3  }
0x96: {  	_ =	strace s3  }
0x97: {  	_ =	strace $0x8FFFFFFF  }
0x98: {  	s19 =	sld [smem:$0x3FDB];
	_ =	sdelay $0x1  }
0x99: {  	s4 =	simm.s32 $_scs_section_size  }
0x9a: {  	s5 =	simm.s32 $_size__tile_overlayer_lowered;
	s6 =	simm.s32 $_tile_overlayer_lowered  }
0x9b: {  	s22 =	simm.s32 $0x1BFF;
	s21 =	sshll.u32 s6, $0x1;
	s3 =	sadd.s32 s4, s19  }
0x9c: {  	s7 =	simm.s32 $0x0;
	s20 =	sshll.u32 s5, $0x1;
	s5 =	sadd.s32 s21, s3  }
0x9d: {  	[timem:s7], [sflag:s22] =	dma.local [hbm:s5], s20  }
0x9e: {  	_ =	swait.ge [sflag:s22], s20  }
0x9f: {  	s4 =	ssub.s32 $0x0, s20;
	[sflag:s22] =	ssyncset.done $0x0  }
0xa0: {  	[sflag:s22] =	ssyncadd.s32 s4;
	_ =	sdelay $0x1  }
0xa1: {  	s23 =	simm.s32 $0x1B8B  }
0xa2: {  	_ =	swait.ge [sflag:s23], $0x1  }
0xa3: {  	[sflag:s23] =	ssyncset.done $0x0  }
0xa4: {  	s25 =	simm.s32 $0x1B8E;
	s24 =	sld [smem:$0x3FFE];
	[sflag:s23] =	ssyncadd.s32 $0xFFFFFFFF  }
0xa5: {  	s26 =	simm.s32 $execute0_lowered;
	[smem:$0x3FD2] =	sst s25  }
0xa6: {  	s5 =	sshll.u32 s26, $0x1;
	_ =	strace $0x8000004C;
	[dreg:$0x1] =	wrdreg $0xFFFFFFFF  }
0xa7: {  	s28 =	simm.s32 $_size_execute0_lowered;
	s3 =	sadd.s32 s3, s5;
	[dreg:$0x0] =	wrdreg $0x0  }
0xa8: {  	s5 =	sshll.u32 s28, $0x1;
	[dreg:$0x2] =	wrdreg s3  }
0xa9: {  	[dreg:$0x3] =	wrdreg s5  }
0xaa: {  	[dreg:$0x4] =	wrdreg $0xC0  }
0xab: {  	_ =	task [dreg:s7], $0x5FFFF  }
0xac: {  	[dreg:$0x1] =	wrdreg $0xFFFFFFFF  }
0xad: {  	[dreg:$0x0] =	wrdreg $0x60  }
0xae: {  	[dreg:$0x2] =	wrdreg s24  }
0xaf: {  	[dreg:$0x3] =	wrdreg s2  }
0xb0: {  	[dreg:$0x4] =	wrdreg $0xA8000  }
0xb1: {  	[dreg:$0x5] =	wrdreg $0x9  }
0xb2: {  	_ =	task.clear_ibuf [dreg:s7], $0x6FFFF;
	_ =	strace $0x9000004C  }
0xb3: {  	s29 =	simm.s32 $0x9;
	_ =	strace $0x8000004E  }
0xb4: {  	_ =	swait.ge [sflag:s29], $0x1  }
0xb5: {  	[sflag:s29] =	ssyncadd.s32 $0xFFFFFFFF  }
0xb6: {  	_ =	strace $0x9000004E  }
0xb7: {  	_ =	sfence  }
0xb8: {  	s30 =	sld [smem:$0x0];
	_ =	sdelay $0x2  }
0xb9: {  	s31 =	sshll.u32 s1, $0xD;
	s1 =	sshrl.u32 s1, $0x2  }
0xba: {  	s3 =	sand.u32 $0x4000, s31;
	s1 =	sadd.s32 s1, s30  }
0xbb: {  	s0 =	sor.u32 s3, s0;
	s1 =	sshll.u32 s1, $0x11  }
0xbc: {  	s0 =	sor.u32 s1, s0  }
0xbd: {  	s0 =	sadd.s32 $0x8F2B, s0  }
0xbe: {  	[sflag:s0] =	ssyncadd.remote.s32 $0x1  }
0xbf: {  	_ =	sfence.sel $0xFFFF  }
0xc0: {  	[dreg:$0x0] =	wrdreg $0xFFFFFFFF;
	(pc) =	sbr.abs _section_cstart, $3  }
0xc1: {  	[dreg:$0x1] =	wrdreg $0xFFFFFFFF  }
0xc2: {  	_ =	task.clear_ibuf [dreg:s7], $0x2FFFF;
	_ =	strace $0x9FFFFFFF  }
0xc3: {  	(tm) =	ssettm $0x7FFFFFFF  }
tec
execute0_lowered:
.L_overlay_start_1:
0x0: {  	(tag) =	ssettag $0x1  }
0x1: {  	s5 =	rddreg [dreg:$0x0]  }
0x2: {  	s10 =	rddreg [dreg:$0x1]  }
0x3: {  	s1 =	rddreg [dreg:$0x2];
	s2 =	srdreg.scid  }
0x4: {  	s0 =	rddreg [dreg:$0x3];
	s3 =	simm.s32 $0x0;
	s16 =	simm.s32 $0x2800  }
0x5: {  	s17 =	simm.s32 $0x3;
	s18 =	simm.s32 $0x1400;
	s19 =	simm.s32 $0x80  }
0x6: {  	s20 =	simm.s32 $0x6800;
	s21 =	simm.s32 $0x2;
	s22 =	simm.s32 $0x1  }
0x7: {  	s23 =	simm.s32 $0x1380;
	s24 =	simm.s32 $0x2700;
	s6 =	sand.u32 $0x1, s2  }
0x8: {  	s25 =	simm.s32 $0x2780;
	s2 =	stileid.u32;
	s7 =	smul.u32 $0x140000, s6  }
0x9: {  	[smem:$0x7FF] =	sst s3;
	s4 =	sadd.s32 $0x2A00, s5;
	s8 =	smul.u32 $0x14000, s2  }
0xa: {  	s30 =	sshll.u32 s6, $0x4;
	s9 =	smul.u32 $0x50000, s2;
	s6 =	ssub.s32 $0x2, s6  }
0xb: {  	s11 =	sshrl.u32 s6, $0x1;
	s7 =	sadd.s32 s8, s7;
	s8 =	sor.u32 s2, s30  }
0xc: {  	s9 =	sshrl.u32 s9, $0x2;
	s15 =	ssub.s32 s6, s11;
	s7 =	sshrl.u32 s7, $0x3  }
0xd: {  	s8 =	smul.u32 $0x2800, s8;
	s14 =	sadd.s32 s7, s5;
	s5 =	sadd.s32 s9, s1  }
0xe: {  	_ =	strace $0x8000004D;
	s15 =	smax.u32 s15, $0x1;
	s6 =	sadd.s32 $0x4000, s5  }
0xf: {  	s7 =	sadd.s32 $0x8000, s5;
	s31 =	sshrl.u32 s8, $0x3;
	s8 =	sadd.s32 $0xC000, s5  }
0x10: {  	s9 =	sadd.s32 $0x10000, s5;
	s14 =	sadd.s32 $0x2AA00, s14;
	s10 =	sadd.s32 s10, s31  }
0x11: {  	v0 =	vimm.f32 $0.0e+00;
	s11 =	sadd.s32 $0xA000, s10;
	s12 =	sadd.s32 $0x280, s10;
	s13 =	sadd.s32 $0xA280, s10  }
.LBB2_1:
0x12: {  	s26 =	simm.s32 $0x0;
	s28 =	simm.s32 $0x200  }
.LBB2_2:
0x13: {  	p0 =	sne.s32 s28, $0xFE00;
	[tilespmem:s26+$0x2870] =	vst v0  }
0x14: {  	[tilespmem:s26+$0x2800] =	vst v0  }
0x15: {  	[tilespmem:s26+$0x2810] =	vst v0  }
.Ltmp0:
0x16: {  	[tilespmem:s26+$0x2820] =	vst v0;
	(pc) =	sbr.rel @p0 .LBB2_2-.Ltmp0, $4  }
0x17: {  	[tilespmem:s26+$0x2830] =	vst v0  }
0x18: {  	[tilespmem:s26+$0x2840] =	vst v0  }
0x19: {  	[tilespmem:s26+$0x2850] =	vst v0  }
0x1a: {  	[tilespmem:s26+$0x2860] =	vst v0;
	s26 =	sshra.s32 s28, $0x2;
	s28 =	sadd.s32 $0x200, s28  }
0x1b: {  	[tilespmem:s26+$0x2870] =	vst v0  }
0x1c: {  	[tilespmem:s26+$0x2800] =	vst v0  }
0x1d: {  	[tilespmem:s26+$0x2810] =	vst v0  }
0x1e: {  	[tilespmem:s26+$0x2820] =	vst v0  }
0x1f: {  	[tilespmem:s26+$0x2830] =	vst v0  }
0x20: {  	[tilespmem:s26+$0x2840] =	vst v0  }
0x21: {  	[tilespmem:s26+$0x2850] =	vst v0  }
0x22: {  	[tilespmem:s26+$0x2860] =	vst v0  }
0x23: {  	[spmem:s5] =	stream.linear.scatter [tilespmem:s16], [sflag:$0x3], $0x4000, $0x38;
	[tilespmem:$0x1E800] =	vst v63  }
0x24: {  	_ =	swait.ge [sflag:s17], $0x4000  }
0x25: {  	[sflag:s17] =	ssyncset.done $0x0  }
0x26: {  	[sflag:s17] =	ssyncadd.s32 $0xFFFFC000  }
0x27: {  	[spmem:s6] =	stream.linear.scatter [tilespmem:s16], [sflag:$0x3], $0x4000, $0x38;
	[tilespmem:$0x1E800] =	vst v63  }
0x28: {  	_ =	swait.ge [sflag:s17], $0x4000  }
0x29: {  	[sflag:s17] =	ssyncset.done $0x0  }
0x2a: {  	[sflag:s17] =	ssyncadd.s32 $0xFFFFC000  }
0x2b: {  	[spmem:s7] =	stream.linear.scatter [tilespmem:s16], [sflag:$0x3], $0x4000, $0x38;
	[tilespmem:$0x1E800] =	vst v63  }
0x2c: {  	_ =	swait.ge [sflag:s17], $0x4000  }
0x2d: {  	[sflag:s17] =	ssyncset.done $0x0  }
0x2e: {  	[sflag:s17] =	ssyncadd.s32 $0xFFFFC000  }
0x2f: {  	[spmem:s8] =	stream.linear.scatter [tilespmem:s16], [sflag:$0x3], $0x4000, $0x38;
	[tilespmem:$0x1E800] =	vst v63  }
0x30: {  	_ =	swait.ge [sflag:s17], $0x4000  }
0x31: {  	[sflag:s17] =	ssyncset.done $0x0  }
0x32: {  	[sflag:s17] =	ssyncadd.s32 $0xFFFFC000  }
0x33: {  	[spmem:s9] =	stream.linear.scatter [tilespmem:s16], [sflag:$0x3], $0x4000, $0x38;
	[tilespmem:$0x1E800] =	vst v63  }
0x34: {  	_ =	swait.ge [sflag:s17], $0x4000  }
0x35: {  	[sflag:s17] =	ssyncset.done $0x0  }
0x36: {  	[sflag:s17] =	ssyncadd.s32 $0xFFFFC000  }
0x37: {  	s30 =	simm.s32 $0x0;
	[bflag:$0x0] =	sbarrier.arrive $0xFFFF  }
0x38: {  	[tilespmem:s30], [sflag:$0x3] =	stream.linear.gather [hbm4b:s10+s30], $0x1400, $0x38;
	[tilespmem:$0x1E800] =	vst v63  }
0x39: {  	_ =	swait.ge [sflag:s17], $0x1400  }
0x3a: {  	[sflag:s17] =	ssyncset.done $0x0  }
0x3b: {  	[sflag:s17] =	ssyncadd.s32 $0xFFFFEC00  }
0x3c: {  	[tilespmem:s18], [sflag:$0x3] =	stream.linear.gather [hbm4b:s11+s30], $0x1400, $0x38;
	[tilespmem:$0x1E800] =	vst v63  }
0x3d: {  	_ =	swait.ge [sflag:s17], $0x1400  }
0x3e: {  	[sflag:s17] =	ssyncset.done $0x0  }
0x3f: {  	[sflag:s17] =	ssyncadd.s32 $0xFFFFEC00  }
0x40: {  	[tilespmem:s16], [sflag:$0x3] =	stream.indirect.gather [hbm4b:s4+s19], $0x80, s30, s19, $0xb8;
	[tilespmem:$0x1E800] =	vst v63  }
0x41: {  	_ =	swait.ge [sflag:s17], $0x4000  }
0x42: {  	[sflag:s17] =	ssyncset.done $0x0  }
0x43: {  	s31 =	simm.s32 $0x80;
	[sflag:s17] =	ssyncadd.s32 $0xFFFFC000  }
0x44: {  	[tilespmem:s20], [sflag:$0x2] =	stream.indirect.gather [hbm4b:s4+s19], $0x80, s31, s19, $0xb8;
	[tilespmem:$0x1E800] =	vst v63  }
0x45: {  	s29 =	simm.s32 $0x1400  }
0x46: {  	[spmem:s1] =	stream.indirect.scatter.add.f32 [tilespmem:s16], [sflag:$0x3], $0x80, s29, s19, $0xb8;
	[tilespmem:$0x1E800] =	vst v63  }
0x47: {  	_ =	swait.ge [sflag:s17], $0x4000  }
0x48: {  	[sflag:s17] =	ssyncset.done $0x0  }
0x49: {  	[sflag:s17] =	ssyncadd.s32 $0xFFFFC000  }
0x4a: {  	_ =	swait.ge [sflag:s21], $0x4000  }
0x4b: {  	[sflag:s21] =	ssyncset.done $0x0  }
0x4c: {  	s30 =	simm.s32 $0x100;
	[sflag:s21] =	ssyncadd.s32 $0xFFFFC000  }
0x4d: {  	[tilespmem:s16], [sflag:$0x1] =	stream.indirect.gather [hbm4b:s4+s19], $0x80, s30, s19, $0xb8;
	[tilespmem:$0x1E800] =	vst v63  }
0x4e: {  	s31 =	simm.s32 $0x1480  }
0x4f: {  	[spmem:s1] =	stream.indirect.scatter.add.f32 [tilespmem:s20], [sflag:$0x3], $0x80, s31, s19, $0xb8;
	[tilespmem:$0x1E800] =	vst v63  }
0x50: {  	_ =	swait.ge [sflag:s17], $0x4000  }
0x51: {  	[sflag:s17] =	ssyncset.done $0x0  }
0x52: {  	[sflag:s17] =	ssyncadd.s32 $0xFFFFC000  }
0x53: {  	_ =	swait.ge [sflag:s22], $0x4000  }
0x54: {  	s28 =	simm.s32 $0x800;
	s26 =	simm.s32 $0x100;
	[sflag:s22] =	ssyncset.done $0x0  }
.LBB2_4:
0x55: {  	s29 =	sadd.s32 $0x80, s26  }
0x56: {  	[sflag:s22] =	ssyncadd.s32 $0xFFFFC000;
	s30 =	smov.u32 s28;
	s31 =	sadd.s32 $0x400, s28  }
0x57: {  	[tilespmem:s20], [sflag:$0x2] =	stream.indirect.gather [hbm4b:s4+s19], $0x80, s29, s19, $0xb8;
	[tilespmem:$0x1E800] =	vst v63  }
0x58: {  	p0 =	sne.s32 s28, $0x4800;
	s28 =	sadd.s32 $0x1400, s26  }
0x59: {  	[spmem:s1] =	stream.indirect.scatter.add.f32 [tilespmem:s16], [sflag:$0x3], $0x80, s28, s19, $0xb8;
	[tilespmem:$0x1E800] =	vst v63  }
0x5a: {  	_ =	swait.ge [sflag:s17], $0x4000  }
0x5b: {  	[sflag:s17] =	ssyncset.done $0x0  }
0x5c: {  	[sflag:s17] =	ssyncadd.s32 $0xFFFFC000  }
0x5d: {  	_ =	swait.ge [sflag:s21], $0x4000  }
0x5e: {  	[sflag:s21] =	ssyncset.done $0x0  }
0x5f: {  	s28 =	sadd.s32 $0x100, s26;
	[sflag:s21] =	ssyncadd.s32 $0xFFFFC000  }
0x60: {  	[tilespmem:s16], [sflag:$0x1] =	stream.indirect.gather [hbm4b:s4+s19], $0x80, s28, s19, $0xb8;
	[tilespmem:$0x1E800] =	vst v63  }
0x61: {  	s26 =	sadd.s32 $0x1480, s26  }
0x62: {  	[spmem:s1] =	stream.indirect.scatter.add.f32 [tilespmem:s20], [sflag:$0x3], $0x80, s26, s19, $0xb8;
	[tilespmem:$0x1E800] =	vst v63  }
.Ltmp1:
0x63: {  	_ =	swait.ge [sflag:s17], $0x4000;
	(pc) =	sbr.rel @p0 .LBB2_4-.Ltmp1, $4  }
0x64: {  	[sflag:s17] =	ssyncset.done $0x0  }
0x65: {  	[sflag:s17] =	ssyncadd.s32 $0xFFFFC000  }
0x66: {  	_ =	swait.ge [sflag:s22], $0x4000  }
0x67: {  	s28 =	smov.u32 s31;
	s26 =	sshra.s32 s30, $0x2;
	[sflag:s22] =	ssyncset.done $0x0  }
0x68: {  	s28 =	sadd.s32 $0x80, s26;
	[sflag:s22] =	ssyncadd.s32 $0xFFFFC000  }
0x69: {  	[tilespmem:s20], [sflag:$0x2] =	stream.indirect.gather [hbm4b:s4+s19], $0x80, s28, s19, $0xb8;
	[tilespmem:$0x1E800] =	vst v63  }
0x6a: {  	s28 =	sadd.s32 $0x1400, s26  }
0x6b: {  	[spmem:s1] =	stream.indirect.scatter.add.f32 [tilespmem:s16], [sflag:$0x3], $0x80, s28, s19, $0xb8;
	[tilespmem:$0x1E800] =	vst v63  }
0x6c: {  	_ =	swait.ge [sflag:s17], $0x4000  }
0x6d: {  	[sflag:s17] =	ssyncset.done $0x0  }
0x6e: {  	[sflag:s17] =	ssyncadd.s32 $0xFFFFC000  }
0x6f: {  	_ =	swait.ge [sflag:s21], $0x4000  }
0x70: {  	[sflag:s21] =	ssyncset.done $0x0  }
0x71: {  	s28 =	sadd.s32 $0x100, s26;
	[sflag:s21] =	ssyncadd.s32 $0xFFFFC000  }
0x72: {  	[tilespmem:s16], [sflag:$0x1] =	stream.indirect.gather [hbm4b:s4+s19], $0x80, s28, s19, $0xb8;
	[tilespmem:$0x1E800] =	vst v63  }
0x73: {  	s29 =	sadd.s32 $0x1480, s26  }
0x74: {  	[spmem:s1] =	stream.indirect.scatter.add.f32 [tilespmem:s20], [sflag:$0x3], $0x80, s29, s19, $0xb8;
	[tilespmem:$0x1E800] =	vst v63  }
0x75: {  	_ =	swait.ge [sflag:s17], $0x4000  }
0x76: {  	[sflag:s17] =	ssyncset.done $0x0  }
0x77: {  	[sflag:s17] =	ssyncadd.s32 $0xFFFFC000  }
0x78: {  	_ =	swait.ge [sflag:s22], $0x4000  }
0x79: {  	[sflag:s22] =	ssyncset.done $0x0  }
0x7a: {  	[sflag:s22] =	ssyncadd.s32 $0xFFFFC000  }
0x7b: {  	[tilespmem:s20], [sflag:$0x2] =	stream.indirect.gather [hbm4b:s4+s19], $0x80, s23, s19, $0xb8;
	[tilespmem:$0x1E800] =	vst v63  }
0x7c: {  	_ = 	snop  }
0x7d: {  	[spmem:s1] =	stream.indirect.scatter.add.f32 [tilespmem:s16], [sflag:$0x3], $0x80, s24, s19, $0xb8;
	[tilespmem:$0x1E800] =	vst v63  }
0x7e: {  	_ =	swait.ge [sflag:s17], $0x4000  }
0x7f: {  	[sflag:s17] =	ssyncset.done $0x0  }
0x80: {  	[sflag:s17] =	ssyncadd.s32 $0xFFFFC000  }
0x81: {  	_ =	swait.ge [sflag:s21], $0x4000  }
0x82: {  	[sflag:s21] =	ssyncset.done $0x0  }
0x83: {  	[sflag:s21] =	ssyncadd.s32 $0xFFFFC000  }
0x84: {  	[spmem:s1] =	stream.indirect.scatter.add.f32 [tilespmem:s20], [sflag:$0x3], $0x80, s25, s19, $0xb8;
	[tilespmem:$0x1E800] =	vst v63  }
0x85: {  	_ =	swait.ge [sflag:s17], $0x4000  }
0x86: {  	[sflag:s17] =	ssyncset.done $0x0  }
0x87: {  	s30 =	simm.s32 $0x0;
	[sflag:s17] =	ssyncadd.s32 $0xFFFFC000  }
0x88: {  	[tilespmem:s30], [sflag:$0x3] =	stream.linear.gather [hbm4b:s12+s30], $0x1400, $0x38;
	[tilespmem:$0x1E800] =	vst v63  }
0x89: {  	_ =	swait.ge [sflag:s17], $0x1400  }
0x8a: {  	[sflag:s17] =	ssyncset.done $0x0  }
0x8b: {  	[sflag:s17] =	ssyncadd.s32 $0xFFFFEC00  }
0x8c: {  	[tilespmem:s18], [sflag:$0x3] =	stream.linear.gather [hbm4b:s13+s30], $0x1400, $0x38;
	[tilespmem:$0x1E800] =	vst v63  }
0x8d: {  	_ =	swait.ge [sflag:s17], $0x1400  }
0x8e: {  	[sflag:s17] =	ssyncset.done $0x0  }
0x8f: {  	[sflag:s17] =	ssyncadd.s32 $0xFFFFEC00  }
0x90: {  	[tilespmem:s16], [sflag:$0x3] =	stream.indirect.gather [hbm4b:s4+s19], $0x80, s30, s19, $0xb8;
	[tilespmem:$0x1E800] =	vst v63  }
0x91: {  	_ =	swait.ge [sflag:s17], $0x4000  }
0x92: {  	[sflag:s17] =	ssyncset.done $0x0  }
0x93: {  	s31 =	simm.s32 $0x80;
	[sflag:s17] =	ssyncadd.s32 $0xFFFFC000  }
0x94: {  	[tilespmem:s20], [sflag:$0x2] =	stream.indirect.gather [hbm4b:s4+s19], $0x80, s31, s19, $0xb8;
	[tilespmem:$0x1E800] =	vst v63  }
0x95: {  	s29 =	simm.s32 $0x1400  }
0x96: {  	[spmem:s1] =	stream.indirect.scatter.add.f32 [tilespmem:s16], [sflag:$0x3], $0x80, s29, s19, $0xb8;
	[tilespmem:$0x1E800] =	vst v63  }
0x97: {  	_ =	swait.ge [sflag:s17], $0x4000  }
0x98: {  	[sflag:s17] =	ssyncset.done $0x0  }
0x99: {  	[sflag:s17] =	ssyncadd.s32 $0xFFFFC000  }
0x9a: {  	_ =	swait.ge [sflag:s21], $0x4000  }
0x9b: {  	[sflag:s21] =	ssyncset.done $0x0  }
0x9c: {  	s30 =	simm.s32 $0x100;
	[sflag:s21] =	ssyncadd.s32 $0xFFFFC000  }
0x9d: {  	[tilespmem:s16], [sflag:$0x1] =	stream.indirect.gather [hbm4b:s4+s19], $0x80, s30, s19, $0xb8;
	[tilespmem:$0x1E800] =	vst v63  }
0x9e: {  	s31 =	simm.s32 $0x1480  }
0x9f: {  	[spmem:s1] =	stream.indirect.scatter.add.f32 [tilespmem:s20], [sflag:$0x3], $0x80, s31, s19, $0xb8;
	[tilespmem:$0x1E800] =	vst v63  }
0xa0: {  	_ =	swait.ge [sflag:s17], $0x4000  }
0xa1: {  	[sflag:s17] =	ssyncset.done $0x0  }
0xa2: {  	[sflag:s17] =	ssyncadd.s32 $0xFFFFC000  }
0xa3: {  	_ =	swait.ge [sflag:s22], $0x4000  }
0xa4: {  	s26 =	simm.s32 $0x100;
	s28 =	simm.s32 $0x800;
	[sflag:s22] =	ssyncset.done $0x0  }
.LBB2_6:
0xa5: {  	s29 =	sadd.s32 $0x80, s26  }
0xa6: {  	[sflag:s22] =	ssyncadd.s32 $0xFFFFC000;
	s30 =	smov.u32 s28;
	s31 =	sadd.s32 $0x400, s28  }
0xa7: {  	[tilespmem:s20], [sflag:$0x2] =	stream.indirect.gather [hbm4b:s4+s19], $0x80, s29, s19, $0xb8;
	[tilespmem:$0x1E800] =	vst v63  }
0xa8: {  	p0 =	sne.s32 s28, $0x4800;
	s28 =	sadd.s32 $0x1400, s26  }
0xa9: {  	[spmem:s1] =	stream.indirect.scatter.add.f32 [tilespmem:s16], [sflag:$0x3], $0x80, s28, s19, $0xb8;
	[tilespmem:$0x1E800] =	vst v63  }
0xaa: {  	_ =	swait.ge [sflag:s17], $0x4000  }
0xab: {  	[sflag:s17] =	ssyncset.done $0x0  }
0xac: {  	[sflag:s17] =	ssyncadd.s32 $0xFFFFC000  }
0xad: {  	_ =	swait.ge [sflag:s21], $0x4000  }
0xae: {  	[sflag:s21] =	ssyncset.done $0x0  }
0xaf: {  	s28 =	sadd.s32 $0x100, s26;
	[sflag:s21] =	ssyncadd.s32 $0xFFFFC000  }
0xb0: {  	[tilespmem:s16], [sflag:$0x1] =	stream.indirect.gather [hbm4b:s4+s19], $0x80, s28, s19, $0xb8;
	[tilespmem:$0x1E800] =	vst v63  }
0xb1: {  	s26 =	sadd.s32 $0x1480, s26  }
0xb2: {  	[spmem:s1] =	stream.indirect.scatter.add.f32 [tilespmem:s20], [sflag:$0x3], $0x80, s26, s19, $0xb8;
	[tilespmem:$0x1E800] =	vst v63  }
.Ltmp2:
0xb3: {  	_ =	swait.ge [sflag:s17], $0x4000;
	(pc) =	sbr.rel @p0 .LBB2_6-.Ltmp2, $4  }
0xb4: {  	[sflag:s17] =	ssyncset.done $0x0  }
0xb5: {  	[sflag:s17] =	ssyncadd.s32 $0xFFFFC000  }
0xb6: {  	_ =	swait.ge [sflag:s22], $0x4000  }
0xb7: {  	s28 =	smov.u32 s31;
	s26 =	sshra.s32 s30, $0x2;
	[sflag:s22] =	ssyncset.done $0x0  }
0xb8: {  	s28 =	sadd.s32 $0x80, s26;
	[sflag:s22] =	ssyncadd.s32 $0xFFFFC000  }
0xb9: {  	[tilespmem:s20], [sflag:$0x2] =	stream.indirect.gather [hbm4b:s4+s19], $0x80, s28, s19, $0xb8;
	[tilespmem:$0x1E800] =	vst v63  }
0xba: {  	s30 =	sadd.s32 $0x1400, s26  }
0xbb: {  	[spmem:s1] =	stream.indirect.scatter.add.f32 [tilespmem:s16], [sflag:$0x3], $0x80, s30, s19, $0xb8;
	[tilespmem:$0x1E800] =	vst v63  }
0xbc: {  	_ =	swait.ge [sflag:s17], $0x4000  }
0xbd: {  	[sflag:s17] =	ssyncset.done $0x0  }
0xbe: {  	[sflag:s17] =	ssyncadd.s32 $0xFFFFC000  }
0xbf: {  	_ =	swait.ge [sflag:s21], $0x4000  }
0xc0: {  	[sflag:s21] =	ssyncset.done $0x0  }
0xc1: {  	s31 =	sadd.s32 $0x100, s26;
	[sflag:s21] =	ssyncadd.s32 $0xFFFFC000  }
0xc2: {  	[tilespmem:s16], [sflag:$0x1] =	stream.indirect.gather [hbm4b:s4+s19], $0x80, s31, s19, $0xb8;
	[tilespmem:$0x1E800] =	vst v63  }
0xc3: {  	s29 =	sadd.s32 $0x1480, s26  }
0xc4: {  	[spmem:s1] =	stream.indirect.scatter.add.f32 [tilespmem:s20], [sflag:$0x3], $0x80, s29, s19, $0xb8;
	[tilespmem:$0x1E800] =	vst v63  }
0xc5: {  	_ =	swait.ge [sflag:s17], $0x4000  }
0xc6: {  	[sflag:s17] =	ssyncset.done $0x0  }
0xc7: {  	[sflag:s17] =	ssyncadd.s32 $0xFFFFC000  }
0xc8: {  	_ =	swait.ge [sflag:s22], $0x4000  }
0xc9: {  	[sflag:s22] =	ssyncset.done $0x0  }
0xca: {  	[sflag:s22] =	ssyncadd.s32 $0xFFFFC000  }
0xcb: {  	[tilespmem:s20], [sflag:$0x2] =	stream.indirect.gather [hbm4b:s4+s19], $0x80, s23, s19, $0xb8;
	[tilespmem:$0x1E800] =	vst v63  }
0xcc: {  	_ = 	snop  }
0xcd: {  	[spmem:s1] =	stream.indirect.scatter.add.f32 [tilespmem:s16], [sflag:$0x3], $0x80, s24, s19, $0xb8;
	[tilespmem:$0x1E800] =	vst v63  }
0xce: {  	_ =	swait.ge [sflag:s17], $0x4000  }
0xcf: {  	[sflag:s17] =	ssyncset.done $0x0  }
0xd0: {  	[sflag:s17] =	ssyncadd.s32 $0xFFFFC000  }
0xd1: {  	_ =	swait.ge [sflag:s21], $0x4000  }
0xd2: {  	[sflag:s21] =	ssyncset.done $0x0  }
0xd3: {  	[sflag:s21] =	ssyncadd.s32 $0xFFFFC000  }
0xd4: {  	[spmem:s1] =	stream.indirect.scatter.add.f32 [tilespmem:s20], [sflag:$0x3], $0x80, s25, s19, $0xb8;
	[tilespmem:$0x1E800] =	vst v63  }
0xd5: {  	_ =	swait.ge [sflag:s17], $0x4000  }
0xd6: {  	s3 =	sadd.s32 $0x1, s3;
	s30 =	sshll.u32 s2, $0x6;
	[sflag:s17] =	ssyncset.done $0x0  }
0xd7: {  	p0 =	sne.s32 s3, s15;
	s26 =	sor.u32 $0x1C03, s30;
	[sflag:s17] =	ssyncadd.s32 $0xFFFFC000  }
.Ltmp3:
0xd8: {  	s31 =	sshrl.u32 s5, $0x3;
	[bflag:$0x0] =	sbarrier.arrive $0xFFFF;
	(pc) =	sbr.rel @p0 .LBB2_1-.Ltmp3, $4  }
0xd9: {  	[hbm:s14], [sflag:s26] =	dma.local [spmem:s31], $0x2800  }
0xda: {  	_ =	swait.ge [sflag:s17], $0x2800  }
0xdb: {  	[sflag:s17] =	ssyncset.done $0x0  }
0xdc: {  	[sflag:s17] =	ssyncadd.s32 $0xFFFFD800  }
0xdd: {  	_ =	sfence.sel $0x180000  }
0xde: {  	[bflag:$0x0] =	sbarrier.arrive $0xFFFF  }
0xdf: {  	p0 =	sne.s32 s2, $0x0;
	_ =	strace $0x9000004D  }
0xe0: {  	s0 =	sadd.s32 @!p0 $0x100000, s0;
	[bflag:$0x2] =	sbarrier.arrive $0xFFFF  }
0xe1: {  	[sflag:s0] =	ssyncadd.tile.s32 @!p0 $0x1;
	_ =	shalt  }
.Lfunc_end2:
_tile_overlayer_lowered:
.L_overlay_start_2:
0xe2: {  	(tag) =	ssettag $0x2  }
0xe3: {  	s0 =	rddreg [dreg:$0x0];
	s2 =	stileid.u32  }
0xe4: {  	s1 =	rddreg [dreg:$0x1];
	p0 =	sne.s32 s2, $0x0  }
0xe5: {  	s3 =	rddreg [dreg:$0x2];
	[bflag:$0x3] =	sbarrier.arrive $0xFFFF;
	s2 =	simm.s32 @!p0 $0x1C03  }
0xe6: {  	[timem:s3], [sflag:s2] =	dma.local @!p0 [hbm:s0], s1  }
0xe7: {  	s0 =	simm.s32 @!p0 $0x3  }
0xe8: {  	_ =	swait.ge @!p0 [sflag:s0], s1  }
0xe9: {  	s1 =	ssub.s32 @!p0 $0x0, s1;
	[sflag:s0] =	ssyncset.done @!p0 $0x0  }
0xea: {  	[sflag:s0] =	ssyncadd.s32 @!p0 s1  }
0xeb: {  	[bflag:$0x3] =	sbarrier.arrive $0xFFFF  }
0xec: {  	_ =	shalt  }

// kernel: kernel.8.cloned.1.call-start
scs
__scs_entry_jumppad:
0x0: {  	(pc) =	sbr.rel $0x88, $3  }
0x1: {  	(tag) =	ssettag $0x0;
	lr =	simm.s32 $0x1  }
0x2: {  	[smem:$0x3F9D] =	sst lr;
	_ =	strace $0xD0000000  }
0x3: {  	_ = 	snop  }
0x4: {  	_ = 	snop  }
0x5: {  	_ = 	snop  }
0x6: {  	_ = 	snop  }
0x7: {  	_ = 	snop  }
__scs_overlays_trampoline_lowered:
0x8: {  	[smem:$0x3FAC] =	sst s0  }
0x9: {  	[smem:$0x3FAD] =	sst s1  }
0xa: {  	[smem:$0x3FAE] =	sst s2  }
0xb: {  	[smem:$0x3FAF] =	sst s3  }
0xc: {  	[smem:$0x3FB0] =	sst s4  }
0xd: {  	[smem:$0x3FB1] =	sst s5  }
0xe: {  	[smem:$0x3FB2] =	sst s6  }
0xf: {  	[smem:$0x3FB3] =	sst s7  }
0x10: {  	[smem:$0x3FB4] =	sst s8  }
0x11: {  	[smem:$0x3FB5] =	sst s9;
	s0 =	simm.s32 @!p0 $0x0  }
0x12: {  	s1 =	sld [smem:$0x3F9B];
	s0 =	simm.s32 @p0 $0x1  }
0x13: {  	[smem:$0x3FB6] =	sst s0;
	s0 =	simm.s32 @!p1 $0x0  }
0x14: {  	s2 =	sld [smem:$0x3F9A];
	s0 =	simm.s32 @p1 $0x1  }
0x15: {  	[smem:$0x3FB7] =	sst s0;
	s0 =	simm.s32 @!p2 $0x0  }
0x16: {  	s3 =	sld [smem:$0x3FDB];
	s0 =	simm.s32 @p2 $0x1  }
0x17: {  	s4 =	simm.s32 $0x1BF5;
	[smem:$0x3FB9] =	sst s0  }
0x18: {  	s0 =	sld [smem:$0x3F9C];
	_ =	swait.ge [sflag:s4], $0x0  }
0x19: {  	s7 =	sld [smem:$0x3F9D]  }
0x1a: {  	s8 =	sadd.s32 $0xFFFFE003, lr  }
0x1b: {  	s9 =	sadd.s32 $0xFFFFFEF7, lr;
	s5 =	simm.s32 $0xFFFFFFFF;
	p2 =	slt.u32 s8, $0xFFFFF086  }
0x1c: {  	p1 =	slt.u32 s9, $0xF7A;
	s5 =	simm.s32 @!p2 $0x0  }
0x1d: {  	s5 =	simm.s32 @p1 $0x1;
	p0 =	seq.s32 s7, s2  }
0x1e: {  	s7 =	smul.u32 @!p0 $0xF7A, s2;
	p2 =	seq.s32 @!p0 s5, $0x0  }
0x1f: {  	s9 =	smul.u32 $0xF7A, s1;
	s8 =	simm.s32 @!p0 $0x1BF5;
	p2 =	por !p2, p0  }
0x20: {  	[sflag:s8] =	ssyncset.s32 @!p0 $0xFFFFF086;
	s6 =	sadd.s32 @!p0 s3, s7;
	s7 =	simm.s32 @!p0 $0x108  }
0x21: {  	s3 =	sadd.s32 s3, s9;
	s6 =	sadd.s32 @!p0 $0x88, s6;
	s7 =	simm.s32 @p2 $0x1082  }
0x22: {  	[simem:s7], [sflag:s8] =	dma.local @!p0 [hbm:s6], $0xF7A  }
0x23: {  	s9 =	sor.u32 $0xD0000000, s2;
	s6 =	simm.s32 $0x108;
	_ =	swait.ge @!p0 [sflag:s8], $0x0  }
0x24: {  	s3 =	sadd.s32 $0x88, s3;
	s6 =	simm.s32 @!p1 $0x1082;
	[sflag:s4] =	ssyncset.s32 $0xFFFFF086  }
0x25: {  	[simem:s6], [sflag:s4] =	dma.local [hbm:s3], $0xF7A  }
0x26: {  	[smem:$0x3F9D] =	sst s1;
	(tag) =	ssettag s2;
	_ =	strace s9  }
0x27: {  	s1 =	sld [smem:$0x3FAD]  }
0x28: {  	s2 =	sld [smem:$0x3FAE]  }
0x29: {  	s4 =	sld [smem:$0x3FB0]  }
0x2a: {  	p0 =	seq.s32 s5, $0x0;
	s5 =	sld [smem:$0x3FB1]  }
0x2b: {  	s6 =	sld [smem:$0x3FB2]  }
0x2c: {  	s7 =	sld [smem:$0x3FB3]  }
0x2d: {  	s3 =	simm.s32 $0x108;
	s8 =	sld [smem:$0x3FB4]  }
0x2e: {  	s3 =	simm.s32 @!p0 $0x1082;
	s9 =	sld [smem:$0x3FB5]  }
0x2f: {  	lr =	sadd.s32 s0, s3;
	s0 =	sld [smem:$0x3FAC]  }
0x30: {  	s3 =	sld [smem:$0x3FAF]  }
0x31: {  	[smem:$0x3FB8] =	sst s10  }
0x32: {  	s10 =	sld [smem:$0x3FB6];
	_ =	sdelay $0x3  }
0x33: {  	p0 =	seq.s32 s10, $0x1;
	s10 =	sld [smem:$0x3FB8];
	_ =	sdelay $0x3  }
0x34: {  	[smem:$0x3FB8] =	sst s10  }
0x35: {  	s10 =	sld [smem:$0x3FB7];
	_ =	sdelay $0x3  }
0x36: {  	p1 =	seq.s32 s10, $0x1;
	s10 =	sld [smem:$0x3FB8];
	_ =	sdelay $0x3  }
0x37: {  	[smem:$0x3FB8] =	sst s10  }
0x38: {  	s10 =	sld [smem:$0x3FB9]  }
0x39: {  	_ = 	snop;
	(pc) =	sbr.ind lr, $3  }
0x3a: {  	_ = 	snop  }
0x3b: {  	_ = 	snop  }
0x3c: {  	p2 =	seq.s32 s10, $0x1;
	s10 =	sld [smem:$0x3FB8]  }
0x3d: {  	_ =	shalt  }
0x3e: {  	_ =	shalt  }
0x3f: {  	_ =	shalt  }
0x40: {  	_ =	shalt  }
0x41: {  	_ =	shalt  }
0x42: {  	_ =	shalt  }
0x43: {  	_ =	shalt  }
0x44: {  	_ =	shalt  }
0x45: {  	_ =	shalt  }
0x46: {  	_ =	shalt  }
0x47: {  	_ =	shalt  }
0x48: {  	_ =	shalt  }
0x49: {  	_ =	shalt  }
0x4a: {  	_ =	shalt  }
0x4b: {  	_ =	shalt  }
0x4c: {  	_ =	shalt  }
0x4d: {  	_ =	shalt  }
0x4e: {  	_ =	shalt  }
0x4f: {  	_ =	shalt  }
0x50: {  	_ =	shalt  }
0x51: {  	_ =	shalt  }
0x52: {  	_ =	shalt  }
0x53: {  	_ =	shalt  }
0x54: {  	_ =	shalt  }
0x55: {  	_ =	shalt  }
0x56: {  	_ =	shalt  }
0x57: {  	_ =	shalt  }
0x58: {  	_ =	shalt  }
0x59: {  	_ =	shalt  }
0x5a: {  	_ =	shalt  }
0x5b: {  	_ =	shalt  }
0x5c: {  	_ =	shalt  }
0x5d: {  	_ =	shalt  }
0x5e: {  	_ =	shalt  }
0x5f: {  	_ =	shalt  }
0x60: {  	_ =	shalt  }
0x61: {  	_ =	shalt  }
0x62: {  	_ =	shalt  }
0x63: {  	_ =	shalt  }
0x64: {  	_ =	shalt  }
0x65: {  	_ =	shalt  }
0x66: {  	_ =	shalt  }
0x67: {  	_ =	shalt  }
0x68: {  	_ =	shalt  }
0x69: {  	_ =	shalt  }
0x6a: {  	_ =	shalt  }
0x6b: {  	_ =	shalt  }
0x6c: {  	_ =	shalt  }
0x6d: {  	_ =	shalt  }
0x6e: {  	_ =	shalt  }
0x6f: {  	_ =	shalt  }
0x70: {  	_ =	shalt  }
0x71: {  	_ =	shalt  }
0x72: {  	_ =	shalt  }
0x73: {  	_ =	shalt  }
0x74: {  	_ =	shalt  }
0x75: {  	_ =	shalt  }
0x76: {  	_ =	shalt  }
0x77: {  	_ =	shalt  }
0x78: {  	_ =	shalt  }
0x79: {  	_ =	shalt  }
0x7a: {  	_ =	shalt  }
0x7b: {  	_ =	shalt  }
0x7c: {  	_ =	shalt  }
0x7d: {  	_ =	shalt  }
0x7e: {  	_ =	shalt  }
0x7f: {  	_ =	shalt  }
0x80: {  	_ =	shalt  }
0x81: {  	_ =	shalt  }
0x82: {  	_ =	shalt  }
0x83: {  	_ =	shalt  }
0x84: {  	_ =	shalt  }
0x85: {  	_ =	shalt  }
0x86: {  	_ =	shalt  }
0x87: {  	_ =	shalt  }
.Lfunc_end0:
.L_simem_size_0:
called_computation_lowered:
.L_overlay_start_0:
0x88: {  	s2 =	sld [smem:$0x3FD9]  }
0x89: {  	s3 =	sld [smem:$0x3FFE];
	_ =	sdelay $0x1  }
0x8a: {  	s1 =	srdreg.scid  }
0x8b: {  	s0 =	sand.u32 $0x1, s1  }
0x8c: {  	s17 =	sshll.u32 s0, $0xA;
	s2 =	sadd.s32 s3, s2  }
0x8d: {  	s2 =	sadd.s32 s2, s17  }
0x8e: {  	[smem:$0x3FC4] =	sst s2  }
0x8f: {  	_ = 	snop  }
0x90: {  	s2 =	sld [smem:$0x3FD0];
	(tm) =	ssettm $0x1  }
0x91: {  	s18 =	sld [smem:$0x3FFB];
	_ =	sdelay $0x3  }
0x92: {  	_ =	strace s18  }
0x93: {  	s3 =	sld [smem:$0x3FFC];
	_ =	sdelay $0x3  }
0x94: {  	_ =	strace s3  }
0x95: {  	s3 =	sld [smem:$0x3FFD];
	_ =	sdelay $0x3  }
0x96: {  	_ =	strace s3  }
0x97: {  	_ =	strace $0x8FFFFFFF  }
0x98: {  	s19 =	sld [smem:$0x3FDB];
	_ =	sdelay $0x1  }
0x99: {  	s4 =	simm.s32 $_scs_section_size  }
0x9a: {  	s5 =	simm.s32 $_size__tile_overlayer_lowered;
	s6 =	simm.s32 $_tile_overlayer_lowered  }
0x9b: {  	s22 =	simm.s32 $0x1BFF;
	s21 =	sshll.u32 s6, $0x1;
	s3 =	sadd.s32 s4, s19  }
0x9c: {  	s7 =	simm.s32 $0x0;
	s20 =	sshll.u32 s5, $0x1;
	s5 =	sadd.s32 s21, s3  }
0x9d: {  	[timem:s7], [sflag:s22] =	dma.local [hbm:s5], s20  }
0x9e: {  	_ =	swait.ge [sflag:s22], s20  }
0x9f: {  	s4 =	ssub.s32 $0x0, s20;
	[sflag:s22] =	ssyncset.done $0x0  }
0xa0: {  	[sflag:s22] =	ssyncadd.s32 s4;
	_ =	sdelay $0x1  }
0xa1: {  	s23 =	simm.s32 $0x1B8B  }
0xa2: {  	_ =	swait.ge [sflag:s23], $0x1  }
0xa3: {  	[sflag:s23] =	ssyncset.done $0x0  }
0xa4: {  	s25 =	simm.s32 $0x1B8E;
	s24 =	sld [smem:$0x3FFE];
	[sflag:s23] =	ssyncadd.s32 $0xFFFFFFFF  }
0xa5: {  	s26 =	simm.s32 $execute0_lowered;
	[smem:$0x3FD2] =	sst s25  }
0xa6: {  	s5 =	sshll.u32 s26, $0x1;
	_ =	strace $0x80000046;
	[dreg:$0x1] =	wrdreg $0xFFFFFFFF  }
0xa7: {  	s28 =	simm.s32 $_size_execute0_lowered;
	s3 =	sadd.s32 s3, s5;
	[dreg:$0x0] =	wrdreg $0x0  }
0xa8: {  	s5 =	sshll.u32 s28, $0x1;
	[dreg:$0x2] =	wrdreg s3  }
0xa9: {  	[dreg:$0x3] =	wrdreg s5  }
0xaa: {  	[dreg:$0x4] =	wrdreg $0xC0  }
0xab: {  	_ =	task [dreg:s7], $0x5FFFF  }
0xac: {  	[dreg:$0x1] =	wrdreg $0xFFFFFFFF  }
0xad: {  	[dreg:$0x0] =	wrdreg $0x60  }
0xae: {  	[dreg:$0x2] =	wrdreg s2  }
0xaf: {  	[dreg:$0x3] =	wrdreg s24  }
0xb0: {  	[dreg:$0x4] =	wrdreg $0x54000  }
0xb1: {  	[dreg:$0x5] =	wrdreg $0x9  }
0xb2: {  	_ =	task.clear_ibuf [dreg:s7], $0x6FFFF;
	_ =	strace $0x90000046  }
0xb3: {  	s29 =	simm.s32 $0x9;
	_ =	strace $0x80000048  }
0xb4: {  	_ =	swait.ge [sflag:s29], $0x1  }
0xb5: {  	[sflag:s29] =	ssyncadd.s32 $0xFFFFFFFF  }
0xb6: {  	_ =	strace $0x90000048  }
0xb7: {  	_ =	sfence  }
0xb8: {  	s30 =	sld [smem:$0x0];
	_ =	sdelay $0x2  }
0xb9: {  	s31 =	sshll.u32 s1, $0xD;
	s1 =	sshrl.u32 s1, $0x2  }
0xba: {  	s3 =	sand.u32 $0x4000, s31;
	s1 =	sadd.s32 s1, s30  }
0xbb: {  	s0 =	sor.u32 s3, s0;
	s1 =	sshll.u32 s1, $0x11  }
0xbc: {  	s0 =	sor.u32 s1, s0  }
0xbd: {  	s0 =	sadd.s32 $0x8F2B, s0  }
0xbe: {  	[sflag:s0] =	ssyncadd.remote.s32 $0x1  }
0xbf: {  	_ =	sfence.sel $0xFFFF  }
0xc0: {  	[dreg:$0x0] =	wrdreg $0xFFFFFFFF;
	(pc) =	sbr.abs _section_cstart, $3  }
0xc1: {  	[dreg:$0x1] =	wrdreg $0xFFFFFFFF  }
0xc2: {  	_ =	task.clear_ibuf [dreg:s7], $0x2FFFF;
	_ =	strace $0x9FFFFFFF  }
0xc3: {  	(tm) =	ssettm $0x7FFFFFFF  }
tec
execute0_lowered:
.L_overlay_start_1:
0x0: {  	(tag) =	ssettag $0x1  }
0x1: {  	s7 =	rddreg [dreg:$0x0]  }
0x2: {  	s4 =	rddreg [dreg:$0x1]  }
0x3: {  	s1 =	rddreg [dreg:$0x2];
	s2 =	srdreg.scid  }
0x4: {  	s0 =	rddreg [dreg:$0x3];
	s3 =	simm.s32 $0x0;
	s13 =	simm.s32 $0x1400  }
0x5: {  	s14 =	simm.s32 $0x1;
	s5 =	sand.u32 $0x1, s2;
	s2 =	stileid.u32  }
0x6: {  	s15 =	simm.s32 $0x80;
	[smem:$0x7FF] =	sst s3;
	s6 =	smul.u32 $0x140000, s5  }
0x7: {  	s8 =	smul.u32 $0x14000, s2;
	_ =	strace $0x80000047;
	s9 =	sshll.u32 s5, $0x4  }
0x8: {  	s29 =	smul.u32 $0x50000, s2;
	s5 =	ssub.s32 $0x2, s5;
	s16 =	sshll.u32 s2, $0x6  }
0x9: {  	s28 =	sor.u32 s2, s9;
	s30 =	sshrl.u32 s5, $0x1;
	s16 =	sor.u32 $0x1C01, s16  }
0xa: {  	s6 =	sadd.s32 s8, s6;
	s8 =	smul.u32 $0x2800, s28;
	s12 =	ssub.s32 s5, s30  }
0xb: {  	s31 =	sshrl.u32 s29, $0x2;
	s6 =	sshrl.u32 s6, $0x3;
	s12 =	smax.u32 s12, $0x1  }
0xc: {  	s11 =	sadd.s32 s6, s4;
	s4 =	sadd.s32 s31, s1;
	s8 =	sshrl.u32 s8, $0x3  }
0xd: {  	s5 =	sadd.s32 $0x4000, s4;
	s6 =	sadd.s32 $0x8000, s4;
	s10 =	sadd.s32 s7, s8  }
0xe: {  	s7 =	sadd.s32 $0xC000, s4;
	s8 =	sadd.s32 $0x10000, s4;
	s11 =	sadd.s32 $0x2A00, s11  }
0xf: {  	v0 =	vimm.f32 $0.0e+00;
	v1 =	vimm.f32 $1.000000000e+00;
	s17 =	sshrl.u32 s4, $0x3;
	s9 =	sadd.s32 $0xA000, s10;
	s10 =	sadd.s32 $0xA280, s10  }
.LBB2_1:
0x10: {  	s18 =	simm.s32 $0x0;
	s19 =	simm.s32 $0x200  }
.LBB2_2:
0x11: {  	p0 =	sne.s32 s19, $0xFE00;
	[tilespmem:s18+$0x1470] =	vst v0  }
0x12: {  	[tilespmem:s18+$0x1400] =	vst v0  }
0x13: {  	[tilespmem:s18+$0x1410] =	vst v0  }
.Ltmp0:
0x14: {  	[tilespmem:s18+$0x1420] =	vst v0;
	(pc) =	sbr.rel @p0 .LBB2_2-.Ltmp0, $4  }
0x15: {  	[tilespmem:s18+$0x1430] =	vst v0  }
0x16: {  	[tilespmem:s18+$0x1440] =	vst v0  }
0x17: {  	[tilespmem:s18+$0x1450] =	vst v0  }
0x18: {  	[tilespmem:s18+$0x1460] =	vst v0;
	s18 =	sshra.s32 s19, $0x2;
	s19 =	sadd.s32 $0x200, s19  }
0x19: {  	[tilespmem:s18+$0x1470] =	vst v0  }
0x1a: {  	[tilespmem:s18+$0x1400] =	vst v0  }
0x1b: {  	[tilespmem:s18+$0x1410] =	vst v0  }
0x1c: {  	[tilespmem:s18+$0x1420] =	vst v0  }
0x1d: {  	[tilespmem:s18+$0x1430] =	vst v0  }
0x1e: {  	[tilespmem:s18+$0x1440] =	vst v0  }
0x1f: {  	[tilespmem:s18+$0x1450] =	vst v0  }
0x20: {  	[tilespmem:s18+$0x1460] =	vst v0  }
0x21: {  	[spmem:s4] =	stream.linear.scatter [tilespmem:s13], [sflag:$0x1], $0x4000, $0x38;
	[tilespmem:$0x19400] =	vst v63  }
0x22: {  	_ =	swait.ge [sflag:s14], $0x4000  }
0x23: {  	[sflag:s14] =	ssyncset.done $0x0  }
0x24: {  	[sflag:s14] =	ssyncadd.s32 $0xFFFFC000  }
0x25: {  	[spmem:s5] =	stream.linear.scatter [tilespmem:s13], [sflag:$0x1], $0x4000, $0x38;
	[tilespmem:$0x19400] =	vst v63  }
0x26: {  	_ =	swait.ge [sflag:s14], $0x4000  }
0x27: {  	[sflag:s14] =	ssyncset.done $0x0  }
0x28: {  	[sflag:s14] =	ssyncadd.s32 $0xFFFFC000  }
0x29: {  	[spmem:s6] =	stream.linear.scatter [tilespmem:s13], [sflag:$0x1], $0x4000, $0x38;
	[tilespmem:$0x19400] =	vst v63  }
0x2a: {  	_ =	swait.ge [sflag:s14], $0x4000  }
0x2b: {  	[sflag:s14] =	ssyncset.done $0x0  }
0x2c: {  	[sflag:s14] =	ssyncadd.s32 $0xFFFFC000  }
0x2d: {  	[spmem:s7] =	stream.linear.scatter [tilespmem:s13], [sflag:$0x1], $0x4000, $0x38;
	[tilespmem:$0x19400] =	vst v63  }
0x2e: {  	_ =	swait.ge [sflag:s14], $0x4000  }
0x2f: {  	[sflag:s14] =	ssyncset.done $0x0  }
0x30: {  	[sflag:s14] =	ssyncadd.s32 $0xFFFFC000  }
0x31: {  	[spmem:s8] =	stream.linear.scatter [tilespmem:s13], [sflag:$0x1], $0x4000, $0x38;
	[tilespmem:$0x19400] =	vst v63  }
0x32: {  	_ =	swait.ge [sflag:s14], $0x4000  }
0x33: {  	[sflag:s14] =	ssyncset.done $0x0  }
0x34: {  	[sflag:s14] =	ssyncadd.s32 $0xFFFFC000  }
0x35: {  	s18 =	simm.s32 $0x0;
	s19 =	simm.s32 $0x200;
	[bflag:$0x0] =	sbarrier.arrive $0xFFFF  }
.LBB2_4:
0x36: {  	p0 =	sne.s32 s19, $0xFE00;
	[tilespmem:s18+$0x1470] =	vst v1  }
0x37: {  	[tilespmem:s18+$0x1400] =	vst v1  }
0x38: {  	[tilespmem:s18+$0x1410] =	vst v1  }
.Ltmp1:
0x39: {  	[tilespmem:s18+$0x1420] =	vst v1;
	(pc) =	sbr.rel @p0 .LBB2_4-.Ltmp1, $4  }
0x3a: {  	[tilespmem:s18+$0x1430] =	vst v1  }
0x3b: {  	[tilespmem:s18+$0x1440] =	vst v1  }
0x3c: {  	[tilespmem:s18+$0x1450] =	vst v1  }
0x3d: {  	[tilespmem:s18+$0x1460] =	vst v1;
	s18 =	sshra.s32 s19, $0x2;
	s19 =	sadd.s32 $0x200, s19  }
0x3e: {  	[tilespmem:s18+$0x1470] =	vst v1  }
0x3f: {  	[tilespmem:s18+$0x1400] =	vst v1  }
0x40: {  	[tilespmem:s18+$0x1410] =	vst v1  }
0x41: {  	[tilespmem:s18+$0x1420] =	vst v1  }
0x42: {  	[tilespmem:s18+$0x1430] =	vst v1  }
0x43: {  	[tilespmem:s18+$0x1440] =	vst v1  }
0x44: {  	[tilespmem:s18+$0x1450] =	vst v1  }
0x45: {  	[tilespmem:s18+$0x1460] =	vst v1;
	s30 =	simm.s32 $0x0  }
0x46: {  	[tilespmem:s30], [sflag:$0x1] =	stream.linear.gather [hbm4b:s9+s30], $0x1400, $0x38;
	[tilespmem:$0x19400] =	vst v63  }
0x47: {  	_ =	swait.ge [sflag:s14], $0x1400  }
0x48: {  	[sflag:s14] =	ssyncset.done $0x0  }
0x49: {  	s31 =	simm.s32 $0x0;
	[sflag:s14] =	ssyncadd.s32 $0xFFFFEC00  }
0x4a: {  	[spmem:s1] =	stream.indirect.scatter.add.f32 [tilespmem:s13], [sflag:$0x1], $0x80, s31, s15, $0xb8;
	[tilespmem:$0x19400] =	vst v63  }
0x4b: {  	_ =	swait.ge [sflag:s14], $0x4000  }
0x4c: {  	s18 =	simm.s32 $0x200;
	[sflag:s14] =	ssyncset.done $0x0  }
.LBB2_6:
0x4d: {  	s19 =	sshra.s32 s18, $0x2;
	[sflag:s14] =	ssyncadd.s32 $0xFFFFC000;
	p0 =	sne.s32 s18, $0x4E00  }
0x4e: {  	[spmem:s1] =	stream.indirect.scatter.add.f32 [tilespmem:s13], [sflag:$0x1], $0x80, s19, s15, $0xb8;
	[tilespmem:$0x19400] =	vst v63  }
.Ltmp2:
0x4f: {  	_ = 	snop;
	(pc) =	sbr.rel @p0 .LBB2_6-.Ltmp2, $4  }
0x50: {  	_ = 	snop  }
0x51: {  	s18 =	sadd.s32 $0x200, s18  }
0x52: {  	_ =	swait.ge [sflag:s14], $0x4000  }
0x53: {  	[sflag:s14] =	ssyncset.done $0x0  }
0x54: {  	[sflag:s14] =	ssyncadd.s32 $0xFFFFC000;
	s18 =	simm.s32 $0x0  }
0x55: {  	[tilespmem:s18], [sflag:$0x1] =	stream.linear.gather [hbm4b:s10+s18], $0x1400, $0x38;
	[tilespmem:$0x19400] =	vst v63  }
0x56: {  	_ =	swait.ge [sflag:s14], $0x1400  }
0x57: {  	[sflag:s14] =	ssyncset.done $0x0  }
0x58: {  	s31 =	simm.s32 $0x0;
	[sflag:s14] =	ssyncadd.s32 $0xFFFFEC00  }
0x59: {  	[spmem:s1] =	stream.indirect.scatter.add.f32 [tilespmem:s13], [sflag:$0x1], $0x80, s31, s15, $0xb8;
	[tilespmem:$0x19400] =	vst v63  }
0x5a: {  	_ =	swait.ge [sflag:s14], $0x4000  }
0x5b: {  	s18 =	simm.s32 $0x200;
	[sflag:s14] =	ssyncset.done $0x0  }
.LBB2_8:
0x5c: {  	s19 =	sshra.s32 s18, $0x2;
	[sflag:s14] =	ssyncadd.s32 $0xFFFFC000;
	p0 =	sne.s32 s18, $0x4E00  }
0x5d: {  	[spmem:s1] =	stream.indirect.scatter.add.f32 [tilespmem:s13], [sflag:$0x1], $0x80, s19, s15, $0xb8;
	[tilespmem:$0x19400] =	vst v63  }
.Ltmp3:
0x5e: {  	_ = 	snop;
	(pc) =	sbr.rel @p0 .LBB2_8-.Ltmp3, $4  }
0x5f: {  	_ = 	snop  }
0x60: {  	s18 =	sadd.s32 $0x200, s18  }
0x61: {  	_ =	swait.ge [sflag:s14], $0x4000  }
0x62: {  	[sflag:s14] =	ssyncset.done $0x0  }
0x63: {  	s3 =	sadd.s32 $0x1, s3  }
0x64: {  	[sflag:s14] =	ssyncadd.s32 $0xFFFFC000;
	p0 =	sne.s32 s3, s12  }
.Ltmp4:
0x65: {  	[bflag:$0x0] =	sbarrier.arrive $0xFFFF;
	(pc) =	sbr.rel @p0 .LBB2_1-.Ltmp4, $4  }
0x66: {  	[hbm:s11], [sflag:s16] =	dma.local [spmem:s17], $0x2800  }
0x67: {  	_ =	swait.ge [sflag:s14], $0x2800  }
0x68: {  	[sflag:s14] =	ssyncset.done $0x0  }
0x69: {  	[sflag:s14] =	ssyncadd.s32 $0xFFFFD800  }
0x6a: {  	_ =	sfence.sel $0x180000  }
0x6b: {  	[bflag:$0x0] =	sbarrier.arrive $0xFFFF  }
0x6c: {  	p0 =	sne.s32 s2, $0x0;
	_ =	strace $0x90000047  }
0x6d: {  	s0 =	sadd.s32 @!p0 $0x100000, s0;
	[bflag:$0x2] =	sbarrier.arrive $0xFFFF  }
0x6e: {  	[sflag:s0] =	ssyncadd.tile.s32 @!p0 $0x1;
	_ =	shalt  }
.Lfunc_end2:
_tile_overlayer_lowered:
.L_overlay_start_2:
0x6f: {  	(tag) =	ssettag $0x2  }
0x70: {  	s0 =	rddreg [dreg:$0x0];
	s2 =	stileid.u32  }
0x71: {  	s1 =	rddreg [dreg:$0x1];
	p0 =	sne.s32 s2, $0x0  }
0x72: {  	s3 =	rddreg [dreg:$0x2];
	[bflag:$0x3] =	sbarrier.arrive $0xFFFF;
	s2 =	simm.s32 @!p0 $0x1C01  }
0x73: {  	[timem:s3], [sflag:s2] =	dma.local @!p0 [hbm:s0], s1  }
0x74: {  	s0 =	simm.s32 @!p0 $0x1  }
0x75: {  	_ =	swait.ge @!p0 [sflag:s0], s1  }
0x76: {  	s1 =	ssub.s32 @!p0 $0x0, s1;
	[sflag:s0] =	ssyncset.done @!p0 $0x0  }
0x77: {  	[sflag:s0] =	ssyncadd.s32 @!p0 s1  }
0x78: {  	[bflag:$0x3] =	sbarrier.arrive $0xFFFF  }
0x79: {  	_ =	shalt  }

</sc_bundles>
